<compile_context>
chip_gen: v7x
topology: tpu7x:2x2x1
jax: 0.10.2.dev20260603
libtpu: 0.0.44.dev20260713+nightly
codegen_flags: <defaults>
</compile_context>

<pallas_src>
import functools

import jax
import jax.numpy as jnp
from jax import lax
from jax.experimental import pallas as pl
from jax.experimental.pallas import tpu as pltpu
from jax.experimental.pallas import tpu_sc as plsc

N = 10000
E = 160000
D = 256
Q = 4
QF = D // Q
NC, NS = 2, 16
CH = 64
NCK = E // CH
ZB = 40
NZB = N // ZB

_F32 = jnp.float32


def _node_mm_body(h_ref, aw, ab, bw, bb, dw, db, ew, eb,
                  ah_ref, dbt_ref, eht_ref):
    hb = h_ref[...]

    def mm(w, b):
        return lax.dot_general(hb, w[...], (((1,), (1,)), ((), ())),
                               preferred_element_type=_F32) + b[...]

    ah_ref[...] = mm(aw, ab)
    bh = mm(bw, bb)
    dh = mm(dw, db)
    eh = mm(ew, eb)
    for q in range(Q):
        dbt_ref[q, :, 0:QF] = dh[:, q * QF:(q + 1) * QF]
        dbt_ref[q, :, QF:2 * QF] = bh[:, q * QF:(q + 1) * QF]
        eht_ref[q, :, 0:QF] = eh[:, q * QF:(q + 1) * QF]
        eht_ref[q, :, QF:2 * QF] = eh[:, q * QF:(q + 1) * QF]


def _edge_mm_body(e_ref, cw, cb, ce_ref):
    ce_ref[...] = lax.dot_general(e_ref[...], cw[...], (((1,), (1,)), ((), ())),
                                  preferred_element_type=_F32) + cb[...]


def _h_out_body(h_ref, ah_ref, acc_ref, ho_ref):
    acc = acc_ref[...]
    ah = ah_ref[...]
    parts = []
    for q in range(Q):
        sm = acc[q, :, 0:QF]
        ss = acc[q, :, QF:2 * QF]
        parts.append(ah[:, q * QF:(q + 1) * QF] + sm / (ss + 1e-6))
    hnew = jnp.concatenate(parts, axis=1)
    ho_ref[...] = h_ref[...] + jnp.maximum(hnew, 0.0)


def _sc_edge_body(dbt_hbm, eht_hbm, ce_hbm, e_hbm, src_hbm, dst_hbm,
                  eout_hbm, acc_hbm,
                  srcv, dstv, dbv, ehv, cev, ev, payv,
                  acc_sh, sem):
    c = lax.axis_index("c")
    s = lax.axis_index("s")

    myzb = (NZB - s + NS - 1) // NS
    myck = (NCK - s + NS - 1) // NS

    for p in range(2):
        q = 2 * c + p
        qoff = q * N

        def zinit(t, _):
            r = t // (2 * QF // 16)
            j = (t % (2 * QF // 16)) * 16
            payv[r, pl.ds(j, 16)] = jnp.zeros((16,), _F32)
            return 0
        lax.fori_loop(0, CH * (2 * QF // 16), zinit, 0)

        def zero_blk(i, _):
            b0 = (s + i * NS) * ZB
            pltpu.sync_copy(payv.at[pl.ds(0, ZB)], acc_sh.at[pl.ds(b0, ZB)])
            return 0
        lax.fori_loop(0, myzb, zero_blk, 0)
        plsc.subcore_barrier()

        def chunk_body(i, _):
            e0 = (s + i * NS) * CH
            pltpu.sync_copy(src_hbm.at[pl.ds(e0, CH)], srcv)

            def adj_src(k, _):
                srcv[pl.ds(k * 16, 16)] = srcv[pl.ds(k * 16, 16)] + qoff
                return 0
            lax.fori_loop(0, CH // 16, adj_src, 0)
            pltpu.async_copy(dbt_hbm.at[srcv], dbv, sem).wait()

            pltpu.sync_copy(dst_hbm.at[pl.ds(e0, CH)], dstv)

            def adj_dst(k, _):
                srcv[pl.ds(k * 16, 16)] = dstv[pl.ds(k * 16, 16)] + qoff
                return 0
            lax.fori_loop(0, CH // 16, adj_dst, 0)
            pltpu.async_copy(eht_hbm.at[srcv], ehv, sem).wait()

            pltpu.sync_copy(ce_hbm.at[pl.ds(e0, CH), pl.ds(q, 1), :], cev)
            pltpu.sync_copy(e_hbm.at[pl.ds(e0, CH), pl.ds(q, 1), :], ev)

            def compute(t, _):
                r = t // (QF // 16)
                j = (t % (QF // 16)) * 16
                dh = dbv[r, pl.ds(j, 16)]
                bh = dbv[r, pl.ds(QF + j, 16)]
                eh = ehv[r, pl.ds(j, 16)]
                ce = cev[r, 0, pl.ds(j, 16)]
                ein = ev[r, 0, pl.ds(j, 16)]
                enew = dh + eh + ce
                sig = 1.0 / (1.0 + jnp.exp(-enew))
                payv[r, pl.ds(j, 16)] = bh * sig
                payv[r, pl.ds(QF + j, 16)] = sig
                ev[r, 0, pl.ds(j, 16)] = ein + jnp.maximum(enew, 0.0)
                return 0
            lax.fori_loop(0, CH * (QF // 16), compute, 0)

            pltpu.sync_copy(ev, eout_hbm.at[pl.ds(e0, CH), pl.ds(q, 1), :])
            pltpu.sync_copy(payv, acc_sh.at[dstv], add=True)
            return 0
        lax.fori_loop(0, myck, chunk_body, 0)
        plsc.subcore_barrier()

        def dump_blk(i, _):
            b0 = (s + i * NS) * ZB
            pltpu.sync_copy(acc_sh.at[pl.ds(b0, ZB)],
                            acc_hbm.at[pl.ds(qoff + b0, ZB)])
            return 0
        lax.fori_loop(0, myzb, dump_blk, 0)


def _sc_edge_call(dbt, eht, ce3, e3, src, dst):
    mesh = plsc.VectorSubcoreMesh(core_axis_name="c", subcore_axis_name="s")
    f = functools.partial(
        pl.kernel,
        out_type=(jax.ShapeDtypeStruct((E, Q, QF), _F32),
                  jax.ShapeDtypeStruct((Q * N, 2 * QF), _F32)),
        mesh=mesh,
        scratch_types=[
            pltpu.VMEM((CH,), jnp.int32),
            pltpu.VMEM((CH,), jnp.int32),
            pltpu.VMEM((CH, 2 * QF), _F32),
            pltpu.VMEM((CH, 2 * QF), _F32),
            pltpu.VMEM((CH, 1, QF), _F32),
            pltpu.VMEM((CH, 1, QF), _F32),
            pltpu.VMEM((CH, 2 * QF), _F32),
            pltpu.VMEM_SHARED((N, 2 * QF), _F32),
            pltpu.SemaphoreType.DMA,
        ],
    )(_sc_edge_body)
    return f(dbt, eht, ce3, e3, src, dst)


def kernel(h, e, edge_index, A_w, A_b, B_w, B_b, C_w, C_b, D_w, D_b, E_w, E_b):
    RN = 400
    RE = 2000

    biases = [b.reshape(1, D) for b in (A_b, B_b, D_b, E_b)]
    w_spec = pl.BlockSpec((D, D), lambda i: (0, 0))
    b_spec = pl.BlockSpec((1, D), lambda i: (0, 0))

    ah, dbt, eht = pl.pallas_call(
        _node_mm_body,
        grid=(N // RN,),
        in_specs=[pl.BlockSpec((RN, D), lambda i: (i, 0)),
                  w_spec, b_spec, w_spec, b_spec, w_spec, b_spec,
                  w_spec, b_spec],
        out_specs=[pl.BlockSpec((RN, D), lambda i: (i, 0)),
                   pl.BlockSpec((Q, RN, 2 * QF), lambda i: (0, i, 0)),
                   pl.BlockSpec((Q, RN, 2 * QF), lambda i: (0, i, 0))],
        out_shape=[jax.ShapeDtypeStruct((N, D), _F32),
                   jax.ShapeDtypeStruct((Q, N, 2 * QF), _F32),
                   jax.ShapeDtypeStruct((Q, N, 2 * QF), _F32)],
    )(h, A_w, biases[0], B_w, biases[1], D_w, biases[2], E_w, biases[3])

    ce = pl.pallas_call(
        _edge_mm_body,
        grid=(E // RE,),
        in_specs=[pl.BlockSpec((RE, D), lambda i: (i, 0)),
                  w_spec, b_spec],
        out_specs=pl.BlockSpec((RE, D), lambda i: (i, 0)),
        out_shape=jax.ShapeDtypeStruct((E, D), _F32),
    )(e, C_w, C_b.reshape(1, D))

    dbt2 = dbt.reshape(Q * N, 2 * QF)
    eht2 = eht.reshape(Q * N, 2 * QF)
    ce3 = ce.reshape(E, Q, QF)
    e3 = e.reshape(E, Q, QF)
    src = edge_index[0]
    dst = edge_index[1]

    eout3, acc = _sc_edge_call(dbt2, eht2, ce3, e3, src, dst)

    h_out = pl.pallas_call(
        _h_out_body,
        grid=(N // RN,),
        in_specs=[pl.BlockSpec((RN, D), lambda i: (i, 0)),
                  pl.BlockSpec((RN, D), lambda i: (i, 0)),
                  pl.BlockSpec((Q, RN, 2 * QF), lambda i: (0, i, 0))],
        out_specs=pl.BlockSpec((RN, D), lambda i: (i, 0)),
        out_shape=jax.ShapeDtypeStruct((N, D), _F32),
    )(h, ah, acc.reshape(Q, N, 2 * QF))

    return (h_out, eout3.reshape(E, D))

# --- scband reference (transcript-rebuilt; emitter-appended) ---
"""Pipeline reference for scband-gated-gcnlayer-22204980920676 (READ-ONLY COPY).

The authoritative reference and input builder live on the scoring server;
editing this copy changes nothing except your own understanding.
"""

import jax, jax.numpy as jnp
import numpy as np

N_NODES = 10000
N_EDGES = 160000
D = 256


def setup_inputs(seed: int = 0) -> dict:
    key = jax.random.key(seed)
    ks = jax.random.split(key, 16)
    scale = 1.0 / np.sqrt(D)
    h = jax.random.normal(ks[0], (N_NODES, D), dtype=jnp.float32)
    e = jax.random.normal(ks[1], (N_EDGES, D), dtype=jnp.float32)
    edge_index = jax.random.randint(ks[2], (2, N_EDGES), 0, N_NODES, dtype=jnp.int32)
    A_w = jax.random.normal(ks[3], (D, D), dtype=jnp.float32) * scale
    A_b = jnp.zeros((D,), dtype=jnp.float32)
    B_w = jax.random.normal(ks[4], (D, D), dtype=jnp.float32) * scale
    B_b = jnp.zeros((D,), dtype=jnp.float32)
    C_w = jax.random.normal(ks[5], (D, D), dtype=jnp.float32) * scale
    C_b = jnp.zeros((D,), dtype=jnp.float32)
    D_w = jax.random.normal(ks[6], (D, D), dtype=jnp.float32) * scale
    D_b = jnp.zeros((D,), dtype=jnp.float32)
    E_w = jax.random.normal(ks[7], (D, D), dtype=jnp.float32) * scale
    E_b = jnp.zeros((D,), dtype=jnp.float32)
    return {"h": h, "e": e, "edge_index": edge_index,
            "A_w": A_w, "A_b": A_b, "B_w": B_w, "B_b": B_b,
            "C_w": C_w, "C_b": C_b, "D_w": D_w, "D_b": D_b,
            "E_w": E_w, "E_b": E_b}


def reference(h, e, edge_index, A_w, A_b, B_w, B_b, C_w, C_b, D_w, D_b, E_w, E_b):
    src = edge_index[0]
    dst = edge_index[1]
    h_in = h
    e_in = e
    Ah = h @ A_w.T + A_b
    Bh = h @ B_w.T + B_b
    Dh = h @ D_w.T + D_b
    Eh = h @ E_w.T + E_b
    Ce = e @ C_w.T + C_b
    # apply_edges(u_add_v('Dh','Eh','DEh')): u=src, v=dst
    DEh = jnp.take(Dh, src, axis=0) + jnp.take(Eh, dst, axis=0)
    e_new = DEh + Ce
    sigma = jax.nn.sigmoid(e_new)
    # update_all(u_mul_e('Bh','sigma','m'), sum -> 'sum_sigma_h') at dst
    m = jnp.take(Bh, src, axis=0) * sigma
    sum_sigma_h = jax.ops.segment_sum(m, dst, num_segments=N_NODES)
    sum_sigma = jax.ops.segment_sum(sigma, dst, num_segments=N_NODES)
    h_new = Ah + sum_sigma_h / (sum_sigma + 1e-06)
    h_out = jax.nn.relu(h_new)
    e_out = jax.nn.relu(e_new)
    # residual (input_dim == output_dim, residual=True)
    h_out = h_in + h_out
    e_out = e_in + e_out
    return (h_out, e_out)

if __name__ == "__main__":
    import jax
    _d = setup_inputs()
    print(jax.jit(kernel)(*tuple(_d.values())))

</pallas_src>

<mosaic_0001>
#map = affine_map<(d0, d1) -> (0, 0)>
#map1 = affine_map<(d0, d1) -> (0, 0, 0)>
#map2 = affine_map<(d0, d1) -> (0)>
module attributes {stable_mosaic.version = 14 : i64} {
  func.func @_sc_edge_body(%arg0: i32, %arg1: i32, %arg2: memref<40000x128xf32, #tpu.memory_space<hbm>>, %arg3: memref<40000x128xf32, #tpu.memory_space<hbm>>, %arg4: memref<160000x4x64xf32, #tpu.memory_space<hbm>>, %arg5: memref<160000x4x64xf32, #tpu.memory_space<hbm>>, %arg6: memref<160000xi32, #tpu.memory_space<hbm>>, %arg7: memref<160000xi32, #tpu.memory_space<hbm>>, %arg8: memref<160000x4x64xf32, #tpu.memory_space<hbm>>, %arg9: memref<40000x128xf32, #tpu.memory_space<hbm>>, %arg10: memref<64xi32, #tpu.memory_space<vmem>>, %arg11: memref<64xi32, #tpu.memory_space<vmem>>, %arg12: memref<64x128xf32, #tpu.memory_space<vmem>>, %arg13: memref<64x128xf32, #tpu.memory_space<vmem>>, %arg14: memref<64x1x64xf32, #tpu.memory_space<vmem>>, %arg15: memref<64x1x64xf32, #tpu.memory_space<vmem>>, %arg16: memref<64x128xf32, #tpu.memory_space<vmem>>, %arg17: memref<10000x128xf32, #tpu.memory_space<vmem_shared>>, %arg18: memref<!tpu.dma_semaphore, #tpu.memory_space<semaphore_mem>>) attributes {dimension_semantics = [#tpu.dimension_semantics<core_parallel>, #tpu.dimension_semantics<subcore_parallel>], iteration_bounds = array<i64: 2, 16>, scalar_prefetch = 0 : i64, scratch_operands = 9 : i64, tpu.core_type = #tpu.core_type<sc_vector_subcore>, window_params = [{transform_indices = #map}, {transform_indices = #map}, {transform_indices = #map1}, {transform_indices = #map1}, {transform_indices = #map2}, {transform_indices = #map2}, {transform_indices = #map1}, {transform_indices = #map}]} {
    %sub3A = arith.constant 250 : i32
    %sub3A_0 = arith.subi %sub3A, %arg1 : i32
    %add3A = arith.constant 16 : i32
    %add3A_1 = arith.addi %sub3A_0, %add3A : i32
    %sub3A_2 = arith.constant 1 : i32
    %sub3A_3 = arith.subi %add3A_1, %sub3A_2 : i32
    %jit3A = arith.constant 16 : i32
    %div3A = arith.divsi %sub3A_3, %jit3A : i32
    %sign3A = arith.constant 0 : i32
    %sign3A_4 = arith.cmpi sgt, %sub3A_3, %sign3A : i32
    %sign3A_5 = arith.extui %sign3A_4 : i1 to i32
    %sign3A_6 = arith.constant 0 : i32
    %sign3A_7 = arith.cmpi slt, %sub3A_3, %sign3A_6 : i32
    %sign3A_8 = arith.extui %sign3A_7 : i1 to i32
    %sign3A_9 = arith.subi %sign3A_5, %sign3A_8 : i32
    %sign3A_10 = arith.constant 0 : i32
    %sign3A_11 = arith.cmpi sgt, %jit3A, %sign3A_10 : i32
    %sign3A_12 = arith.extui %sign3A_11 : i1 to i32
    %sign3A_13 = arith.constant 0 : i32
    %sign3A_14 = arith.cmpi slt, %jit3A, %sign3A_13 : i32
    %sign3A_15 = arith.extui %sign3A_14 : i1 to i32
    %sign3A_16 = arith.subi %sign3A_12, %sign3A_15 : i32
    %ne3A = arith.cmpi ne, %sign3A_9, %sign3A_16 : i32
    %rem3A = arith.remsi %sub3A_3, %jit3A : i32
    %ne3A_17 = arith.constant 0 : i32
    %ne3A_18 = arith.cmpi ne, %rem3A, %ne3A_17 : i32
    %and3A = arith.andi %ne3A, %ne3A_18 : i1
    %sub3A_19 = arith.constant 1 : i32
    %sub3A_20 = arith.subi %div3A, %sub3A_19 : i32
    %select_n3A = arith.select %and3A, %sub3A_20, %div3A : i32
    %sub3A_21 = arith.constant 2500 : i32
    %sub3A_22 = arith.subi %sub3A_21, %arg1 : i32
    %add3A_23 = arith.constant 16 : i32
    %add3A_24 = arith.addi %sub3A_22, %add3A_23 : i32
    %sub3A_25 = arith.constant 1 : i32
    %sub3A_26 = arith.subi %add3A_24, %sub3A_25 : i32
    %jit3A_27 = arith.constant 16 : i32
    %div3A_28 = arith.divsi %sub3A_26, %jit3A_27 : i32
    %sign3A_29 = arith.constant 0 : i32
    %sign3A_30 = arith.cmpi sgt, %sub3A_26, %sign3A_29 : i32
    %sign3A_31 = arith.extui %sign3A_30 : i1 to i32
    %sign3A_32 = arith.constant 0 : i32
    %sign3A_33 = arith.cmpi slt, %sub3A_26, %sign3A_32 : i32
    %sign3A_34 = arith.extui %sign3A_33 : i1 to i32
    %sign3A_35 = arith.subi %sign3A_31, %sign3A_34 : i32
    %sign3A_36 = arith.constant 0 : i32
    %sign3A_37 = arith.cmpi sgt, %jit3A_27, %sign3A_36 : i32
    %sign3A_38 = arith.extui %sign3A_37 : i1 to i32
    %sign3A_39 = arith.constant 0 : i32
    %sign3A_40 = arith.cmpi slt, %jit3A_27, %sign3A_39 : i32
    %sign3A_41 = arith.extui %sign3A_40 : i1 to i32
    %sign3A_42 = arith.subi %sign3A_38, %sign3A_41 : i32
    %ne3A_43 = arith.cmpi ne, %sign3A_35, %sign3A_42 : i32
    %rem3A_44 = arith.remsi %sub3A_26, %jit3A_27 : i32
    %ne3A_45 = arith.constant 0 : i32
    %ne3A_46 = arith.cmpi ne, %rem3A_44, %ne3A_45 : i32
    %and3A_47 = arith.andi %ne3A_43, %ne3A_46 : i1
    %sub3A_48 = arith.constant 1 : i32
    %sub3A_49 = arith.subi %div3A_28, %sub3A_48 : i32
    %select_n3A_50 = arith.select %and3A_47, %sub3A_49, %div3A_28 : i32
    %mul3A = arith.constant 2 : i32
    %mul3A_51 = arith.muli %mul3A, %arg0 : i32
    %add3A_52 = arith.constant 0 : i32
    %add3A_53 = arith.addi %mul3A_51, %add3A_52 : i32
    %mul3A_54 = arith.constant 10000 : i32
    %mul3A_55 = arith.muli %add3A_53, %mul3A_54 : i32
    %scan3A = arith.constant 0 : i32
    %scan3A_56 = arith.constant 0 : i32
    %scan3A_57 = arith.constant 512 : i32
    %scan3A_58 = arith.addi %scan3A_56, %scan3A_57 : i32
    %scan3A_59 = arith.constant 1 : i32
    %scan3A_60 = scf.for %scan3A_149 = %scan3A_56 to %scan3A_58 step %scan3A_59 iter_args(%scan3A_150 = %scan3A) -> (i32)  : i32 {
      %jit3A_151 = arith.constant 8 : i32
      %div3A_152 = arith.divsi %scan3A_149, %jit3A_151 : i32
      %sign3A_153 = arith.constant 0 : i32
      %sign3A_154 = arith.cmpi sgt, %scan3A_149, %sign3A_153 : i32
      %sign3A_155 = arith.extui %sign3A_154 : i1 to i32
      %sign3A_156 = arith.constant 0 : i32
      %sign3A_157 = arith.cmpi slt, %scan3A_149, %sign3A_156 : i32
      %sign3A_158 = arith.extui %sign3A_157 : i1 to i32
      %sign3A_159 = arith.subi %sign3A_155, %sign3A_158 : i32
      %sign3A_160 = arith.constant 0 : i32
      %sign3A_161 = arith.cmpi sgt, %jit3A_151, %sign3A_160 : i32
      %sign3A_162 = arith.extui %sign3A_161 : i1 to i32
      %sign3A_163 = arith.constant 0 : i32
      %sign3A_164 = arith.cmpi slt, %jit3A_151, %sign3A_163 : i32
      %sign3A_165 = arith.extui %sign3A_164 : i1 to i32
      %sign3A_166 = arith.subi %sign3A_162, %sign3A_165 : i32
      %ne3A_167 = arith.cmpi ne, %sign3A_159, %sign3A_166 : i32
      %rem3A_168 = arith.remsi %scan3A_149, %jit3A_151 : i32
      %ne3A_169 = arith.constant 0 : i32
      %ne3A_170 = arith.cmpi ne, %rem3A_168, %ne3A_169 : i32
      %and3A_171 = arith.andi %ne3A_167, %ne3A_170 : i1
      %sub3A_172 = arith.constant 1 : i32
      %sub3A_173 = arith.subi %div3A_152, %sub3A_172 : i32
      %select_n3A_174 = arith.select %and3A_171, %sub3A_173, %div3A_152 : i32
      %jit3A_175 = arith.constant 8 : i32
      %eq3A = arith.constant 0 : i32
      %eq3A_176 = arith.cmpi eq, %jit3A_175, %eq3A : i32
      %jit3A_177 = arith.constant 1 : i32
      %select_n3A_178 = arith.select %eq3A_176, %jit3A_177, %jit3A_175 : i32
      %rem3A_179 = arith.remsi %scan3A_149, %select_n3A_178 : i32
      %ne3A_180 = arith.constant 0 : i32
      %ne3A_181 = arith.cmpi ne, %rem3A_179, %ne3A_180 : i32
      %lt3A = arith.constant 0 : i32
      %lt3A_182 = arith.cmpi slt, %rem3A_179, %lt3A : i32
      %lt3A_183 = arith.constant 0 : i32
      %lt3A_184 = arith.cmpi slt, %select_n3A_178, %lt3A_183 : i32
      %ne3A_185 = arith.xori %lt3A_182, %lt3A_184 : i1
      %and3A_186 = arith.andi %ne3A_185, %ne3A_181 : i1
      %add3A_187 = arith.addi %rem3A_179, %select_n3A_178 : i32
      %select_n3A_188 = arith.select %and3A_186, %add3A_187, %rem3A_179 : i32
      %mul3A_189 = arith.constant 16 : i32
      %mul3A_190 = arith.muli %select_n3A_188, %mul3A_189 : i32
      %broadcast_in_dim3A = arith.constant 0.000000e+00 : f32
      %broadcast_in_dim3A_191 = vector.broadcast %broadcast_in_dim3A : f32 to vector<16xf32>
      %swap3A = arith.index_cast %select_n3A_174 : i32 to index
      %swap3A_192 = arith.index_cast %mul3A_190 : i32 to index
      %swap3A_193 = tpu.vector_load %arg16[%swap3A, %swap3A_192] {strides = array<i32>} : memref<64x128xf32, #tpu.memory_space<vmem>>, vector<1x16xf32>,
      %swap3A_194 = vector.shape_cast %swap3A_193 : vector<1x16xf32> to vector<16xf32>
      %swap3A_195 = vector.shape_cast %broadcast_in_dim3A_191 : vector<16xf32> to vector<1x16xf32>
      tpu.vector_store %arg16[%swap3A, %swap3A_192], %swap3A_195 {strides = array<i32>} : memref<64x128xf32, #tpu.memory_space<vmem>>, vector<1x16xf32>,
      %scan3A_196 = arith.constant 0 : i32
      scf.yield %scan3A_196 : i32
    }
    %scan3A_61 = arith.constant 512 : i32
    %while3A = arith.constant 0 : i32
    %while3A_62 = arith.constant 0 : i32
    %while3A_63 = arith.subi %select_n3A, %while3A : i32
    %while3A_64 = arith.addi %while3A, %while3A_63 : i32
    %while3A_65 = arith.constant 1 : i32
    %while3A_66 = arith.divsi %while3A_63, %while3A_65 : i32
    %while3A_67 = arith.muli %while3A_66, %while3A_65 : i32
    %while3A_68 = arith.addi %while3A, %while3A_67 : i32
    %while3A_69 = arith.constant 1 : i32
    %while3A_70 = scf.for %while3A_149 = %while3A to %while3A_68 step %while3A_69 iter_args(%while3A_150 = %while3A_62) -> (i32)  : i32 {
      %mul3A_151 = arith.constant 16 : i32
      %mul3A_152 = arith.muli %while3A_149, %mul3A_151 : i32
      %add3A_153 = arith.addi %arg1, %mul3A_152 : i32
      %mul3A_154 = arith.constant 40 : i32
      %mul3A_155 = arith.muli %add3A_153, %mul3A_154 : i32
      "tpu.region"() ({
        %run_scoped3A = tpu.sem_alloc : memref<!tpu.dma_semaphore, #tpu.memory_space<semaphore_mem>>
        %dma_start3A = arith.constant 0 : i32
        %dma_start3A_157 = arith.constant 0 : i32
        %dma_start3A_158 = tpu.memref_slice %arg16[%dma_start3A, %dma_start3A_157] : memref<64x128xf32, #tpu.memory_space<vmem>> -> memref<40x128xf32, #tpu.memory_space<vmem>>
        %dma_start3A_159 = arith.constant 0 : i32
        %dma_start3A_160 = tpu.memref_slice %arg17[%mul3A_155, %dma_start3A_159] : memref<10000x128xf32, #tpu.memory_space<vmem_shared>> -> memref<40x128xf32, #tpu.memory_space<vmem_shared>>
        %dma_start3A_161 = arith.constant 0 : i32
        %dma_start3A_162 = tpu.memref_slice %arg17[%mul3A_155, %dma_start3A_161] : memref<10000x128xf32, #tpu.memory_space<vmem_shared>> -> memref<40x128xf32, #tpu.memory_space<vmem_shared>>
        %dma_start3A_163 = arith.constant 0 : i32
        %dma_start3A_164 = arith.constant 0 : i32
        %dma_start3A_165 = tpu.memref_slice %arg16[%dma_start3A_163, %dma_start3A_164] : memref<64x128xf32, #tpu.memory_space<vmem>> -> memref<40x128xf32, #tpu.memory_space<vmem>>
        tpu.enqueue_dma source(%dma_start3A_165 : memref<40x128xf32, #tpu.memory_space<vmem>>) target(%dma_start3A_162 : memref<40x128xf32, #tpu.memory_space<vmem_shared>>) target_semaphore(%run_scoped3A : memref<!tpu.dma_semaphore, #tpu.memory_space<semaphore_mem>>)
        %dma_wait3A = arith.constant 0 : i32
        %dma_wait3A_166 = arith.constant 0 : i32
        %dma_wait3A_167 = tpu.memref_slice %arg16[%dma_wait3A, %dma_wait3A_166] : memref<64x128xf32, #tpu.memory_space<vmem>> -> memref<40x128xf32, #tpu.memory_space<vmem>>
        %dma_wait3A_168 = arith.constant 0 : i32
        %dma_wait3A_169 = tpu.memref_slice %arg17[%mul3A_155, %dma_wait3A_168] : memref<10000x128xf32, #tpu.memory_space<vmem_shared>> -> memref<40x128xf32, #tpu.memory_space<vmem_shared>>
        %dma_wait3A_170 = arith.constant 0 : i32
        %dma_wait3A_171 = tpu.memref_slice %arg17[%mul3A_155, %dma_wait3A_170] : memref<10000x128xf32, #tpu.memory_space<vmem_shared>> -> memref<40x128xf32, #tpu.memory_space<vmem_shared>>
        %dma_wait3A_172 = arith.constant 0 : i32
        %dma_wait3A_173 = arith.constant 0 : i32
        %dma_wait3A_174 = tpu.memref_slice %arg16[%dma_wait3A_172, %dma_wait3A_173] : memref<64x128xf32, #tpu.memory_space<vmem>> -> memref<40x128xf32, #tpu.memory_space<vmem>>
        tpu.wait_dma2 semaphore(%run_scoped3A : memref<!tpu.dma_semaphore, #tpu.memory_space<semaphore_mem>>) src(%dma_wait3A_174 : memref<40x128xf32, #tpu.memory_space<vmem>>) dst(%dma_wait3A_171 : memref<40x128xf32, #tpu.memory_space<vmem_shared>>)
        tpu.yield
      }) : () -> ()
      %while3A_156 = arith.constant 0 : i32
      scf.yield %while3A_156 : i32
    }
    %while3A_71 = arith.constant 1 : i32
    %while3A_72 = scf.for %while3A_149 = %while3A_68 to %while3A_64 step %while3A_71 iter_args(%while3A_150 = %while3A_70) -> (i32)  : i32 {
      %mul3A_151 = arith.constant 16 : i32
      %mul3A_152 = arith.muli %while3A_149, %mul3A_151 : i32
      %add3A_153 = arith.addi %arg1, %mul3A_152 : i32
      %mul3A_154 = arith.constant 40 : i32
      %mul3A_155 = arith.muli %add3A_153, %mul3A_154 : i32
      "tpu.region"() ({
        %run_scoped3A = tpu.sem_alloc : memref<!tpu.dma_semaphore, #tpu.memory_space<semaphore_mem>>
        %dma_start3A = arith.constant 0 : i32
        %dma_start3A_157 = arith.constant 0 : i32
        %dma_start3A_158 = tpu.memref_slice %arg16[%dma_start3A, %dma_start3A_157] : memref<64x128xf32, #tpu.memory_space<vmem>> -> memref<40x128xf32, #tpu.memory_space<vmem>>
        %dma_start3A_159 = arith.constant 0 : i32
        %dma_start3A_160 = tpu.memref_slice %arg17[%mul3A_155, %dma_start3A_159] : memref<10000x128xf32, #tpu.memory_space<vmem_shared>> -> memref<40x128xf32, #tpu.memory_space<vmem_shared>>
        %dma_start3A_161 = arith.constant 0 : i32
        %dma_start3A_162 = tpu.memref_slice %arg17[%mul3A_155, %dma_start3A_161] : memref<10000x128xf32, #tpu.memory_space<vmem_shared>> -> memref<40x128xf32, #tpu.memory_space<vmem_shared>>
        %dma_start3A_163 = arith.constant 0 : i32
        %dma_start3A_164 = arith.constant 0 : i32
        %dma_start3A_165 = tpu.memref_slice %arg16[%dma_start3A_163, %dma_start3A_164] : memref<64x128xf32, #tpu.memory_space<vmem>> -> memref<40x128xf32, #tpu.memory_space<vmem>>
        tpu.enqueue_dma source(%dma_start3A_165 : memref<40x128xf32, #tpu.memory_space<vmem>>) target(%dma_start3A_162 : memref<40x128xf32, #tpu.memory_space<vmem_shared>>) target_semaphore(%run_scoped3A : memref<!tpu.dma_semaphore, #tpu.memory_space<semaphore_mem>>)
        %dma_wait3A = arith.constant 0 : i32
        %dma_wait3A_166 = arith.constant 0 : i32
        %dma_wait3A_167 = tpu.memref_slice %arg16[%dma_wait3A, %dma_wait3A_166] : memref<64x128xf32, #tpu.memory_space<vmem>> -> memref<40x128xf32, #tpu.memory_space<vmem>>
        %dma_wait3A_168 = arith.constant 0 : i32
        %dma_wait3A_169 = tpu.memref_slice %arg17[%mul3A_155, %dma_wait3A_168] : memref<10000x128xf32, #tpu.memory_space<vmem_shared>> -> memref<40x128xf32, #tpu.memory_space<vmem_shared>>
        %dma_wait3A_170 = arith.constant 0 : i32
        %dma_wait3A_171 = tpu.memref_slice %arg17[%mul3A_155, %dma_wait3A_170] : memref<10000x128xf32, #tpu.memory_space<vmem_shared>> -> memref<40x128xf32, #tpu.memory_space<vmem_shared>>
        %dma_wait3A_172 = arith.constant 0 : i32
        %dma_wait3A_173 = arith.constant 0 : i32
        %dma_wait3A_174 = tpu.memref_slice %arg16[%dma_wait3A_172, %dma_wait3A_173] : memref<64x128xf32, #tpu.memory_space<vmem>> -> memref<40x128xf32, #tpu.memory_space<vmem>>
        tpu.wait_dma2 semaphore(%run_scoped3A : memref<!tpu.dma_semaphore, #tpu.memory_space<semaphore_mem>>) src(%dma_wait3A_174 : memref<40x128xf32, #tpu.memory_space<vmem>>) dst(%dma_wait3A_171 : memref<40x128xf32, #tpu.memory_space<vmem_shared>>)
        tpu.yield
      }) : () -> ()
      %while3A_156 = arith.constant 0 : i32
      scf.yield %while3A_156 : i32
    }
    %barrier3A = arith.constant 0 : index
    tpu.barrier barrier_id(%barrier3A)
    %while3A_73 = arith.constant 0 : i32
    %while3A_74 = arith.constant 0 : i32
    %while3A_75 = arith.subi %select_n3A_50, %while3A_73 : i32
    %while3A_76 = arith.addi %while3A_73, %while3A_75 : i32
    %while3A_77 = arith.constant 1 : i32
    %while3A_78 = arith.divsi %while3A_75, %while3A_77 : i32
    %while3A_79 = arith.muli %while3A_78, %while3A_77 : i32
    %while3A_80 = arith.addi %while3A_73, %while3A_79 : i32
    %while3A_81 = arith.constant 1 : i32
    %while3A_82 = scf.for %while3A_149 = %while3A_73 to %while3A_80 step %while3A_81 iter_args(%while3A_150 = %while3A_74) -> (i32)  : i32 {
      %mul3A_151 = arith.constant 16 : i32
      %mul3A_152 = arith.muli %while3A_149, %mul3A_151 : i32
      %add3A_153 = arith.addi %arg1, %mul3A_152 : i32
      %mul3A_154 = arith.constant 64 : i32
      %mul3A_155 = arith.muli %add3A_153, %mul3A_154 : i32
      "tpu.region"() ({
        %run_scoped3A = tpu.sem_alloc : memref<!tpu.dma_semaphore, #tpu.memory_space<semaphore_mem>>
        %dma_start3A_188 = tpu.memref_slice %arg6[%mul3A_155] : memref<160000xi32, #tpu.memory_space<hbm>> -> memref<64xi32, #tpu.memory_space<hbm>>
        %dma_start3A_189 = tpu.memref_slice %arg6[%mul3A_155] : memref<160000xi32, #tpu.memory_space<hbm>> -> memref<64xi32, #tpu.memory_space<hbm>>
        tpu.enqueue_dma source(%dma_start3A_189 : memref<64xi32, #tpu.memory_space<hbm>>) target(%arg10 : memref<64xi32, #tpu.memory_space<vmem>>) target_semaphore(%run_scoped3A : memref<!tpu.dma_semaphore, #tpu.memory_space<semaphore_mem>>)
        %dma_wait3A_190 = tpu.memref_slice %arg6[%mul3A_155] : memref<160000xi32, #tpu.memory_space<hbm>> -> memref<64xi32, #tpu.memory_space<hbm>>
        %dma_wait3A_191 = tpu.memref_slice %arg6[%mul3A_155] : memref<160000xi32, #tpu.memory_space<hbm>> -> memref<64xi32, #tpu.memory_space<hbm>>
        tpu.wait_dma2 semaphore(%run_scoped3A : memref<!tpu.dma_semaphore, #tpu.memory_space<semaphore_mem>>) src(%dma_wait3A_191 : memref<64xi32, #tpu.memory_space<hbm>>) dst(%arg10 : memref<64xi32, #tpu.memory_space<vmem>>)
        tpu.yield
      }) : () -> ()
      %scan3A_156 = arith.constant 0 : i32
      %scan3A_157 = arith.constant 0 : i32
      %scan3A_158 = arith.constant 4 : i32
      %scan3A_159 = arith.addi %scan3A_157, %scan3A_158 : i32
      %scan3A_160 = arith.constant 1 : i32
      %scan3A_161 = scf.for %scan3A_188 = %scan3A_157 to %scan3A_159 step %scan3A_160 iter_args(%scan3A_189 = %scan3A_156) -> (i32)  : i32 {
        %mul3A_190 = arith.constant 16 : i32
        %mul3A_191 = arith.muli %scan3A_188, %mul3A_190 : i32
        %get3A = arith.index_cast %mul3A_191 : i32 to index
        %get3A_192 = tpu.vector_load %arg10[%get3A] {strides = array<i32>} : memref<64xi32, #tpu.memory_space<vmem>>, vector<16xi32>,
        %get3A_193 = vector.shape_cast %get3A_192 : vector<16xi32> to vector<16xi32>
        %add3A_194 = vector.broadcast %mul3A_55 : i32 to vector<16xi32>
        %add3A_195 = arith.addi %get3A_193, %add3A_194 : vector<16xi32>
        %mul3A_196 = arith.constant 16 : i32
        %mul3A_197 = arith.muli %scan3A_188, %mul3A_196 : i32
        %swap3A = arith.index_cast %mul3A_197 : i32 to index
        %swap3A_198 = tpu.vector_load %arg10[%swap3A] {strides = array<i32>} : memref<64xi32, #tpu.memory_space<vmem>>, vector<16xi32>,
        %swap3A_199 = vector.shape_cast %swap3A_198 : vector<16xi32> to vector<16xi32>
        %swap3A_200 = vector.shape_cast %add3A_195 : vector<16xi32> to vector<16xi32>
        tpu.vector_store %arg10[%swap3A], %swap3A_200 {strides = array<i32>} : memref<64xi32, #tpu.memory_space<vmem>>, vector<16xi32>,
        %scan3A_201 = arith.constant 0 : i32
        scf.yield %scan3A_201 : i32
      }
      %scan3A_162 = arith.constant 4 : i32
      %dma_start3A = arith.constant 0 : i32
      %dma_start3A_163 = arith.constant 0 : i32
      %dma_start3A_164 = tpu.memref_slice %arg2[%dma_start3A, %dma_start3A_163] : memref<40000x128xf32, #tpu.memory_space<hbm>> -> memref<40000x128xf32, #tpu.memory_space<hbm>>
      tpu.enqueue_indirect_dma source(%dma_start3A_164 : memref<40000x128xf32, #tpu.memory_space<hbm>>) target(%arg12 : memref<64x128xf32, #tpu.memory_space<vmem>>) offsets(%arg10 : memref<64xi32, #tpu.memory_space<vmem>>) semaphore(%arg18 : memref<!tpu.dma_semaphore, #tpu.memory_space<semaphore_mem>>)
      %dma_wait3A = arith.constant 0 : i32
      %dma_wait3A_165 = arith.constant 0 : i32
      %dma_wait3A_166 = tpu.memref_slice %arg2[%dma_wait3A, %dma_wait3A_165] : memref<40000x128xf32, #tpu.memory_space<hbm>> -> memref<40000x128xf32, #tpu.memory_space<hbm>>
      tpu.wait_indirect_dma semaphore(%arg18 : memref<!tpu.dma_semaphore, #tpu.memory_space<semaphore_mem>>) src(%dma_wait3A_166 : memref<40000x128xf32, #tpu.memory_space<hbm>>) dst(%arg12 : memref<64x128xf32, #tpu.memory_space<vmem>>)
      "tpu.region"() ({
        %run_scoped3A = tpu.sem_alloc : memref<!tpu.dma_semaphore, #tpu.memory_space<semaphore_mem>>
        %dma_start3A_188 = tpu.memref_slice %arg7[%mul3A_155] : memref<160000xi32, #tpu.memory_space<hbm>> -> memref<64xi32, #tpu.memory_space<hbm>>
        %dma_start3A_189 = tpu.memref_slice %arg7[%mul3A_155] : memref<160000xi32, #tpu.memory_space<hbm>> -> memref<64xi32, #tpu.memory_space<hbm>>
        tpu.enqueue_dma source(%dma_start3A_189 : memref<64xi32, #tpu.memory_space<hbm>>) target(%arg11 : memref<64xi32, #tpu.memory_space<vmem>>) target_semaphore(%run_scoped3A : memref<!tpu.dma_semaphore, #tpu.memory_space<semaphore_mem>>)
        %dma_wait3A_190 = tpu.memref_slice %arg7[%mul3A_155] : memref<160000xi32, #tpu.memory_space<hbm>> -> memref<64xi32, #tpu.memory_space<hbm>>
        %dma_wait3A_191 = tpu.memref_slice %arg7[%mul3A_155] : memref<160000xi32, #tpu.memory_space<hbm>> -> memref<64xi32, #tpu.memory_space<hbm>>
        tpu.wait_dma2 semaphore(%run_scoped3A : memref<!tpu.dma_semaphore, #tpu.memory_space<semaphore_mem>>) src(%dma_wait3A_191 : memref<64xi32, #tpu.memory_space<hbm>>) dst(%arg11 : memref<64xi32, #tpu.memory_space<vmem>>)
        tpu.yield
      }) : () -> ()
      %scan3A_167 = arith.constant 0 : i32
      %scan3A_168 = arith.constant 0 : i32
      %scan3A_169 = arith.constant 4 : i32
      %scan3A_170 = arith.addi %scan3A_168, %scan3A_169 : i32
      %scan3A_171 = arith.constant 1 : i32
      %scan3A_172 = scf.for %scan3A_188 = %scan3A_168 to %scan3A_170 step %scan3A_171 iter_args(%scan3A_189 = %scan3A_167) -> (i32)  : i32 {
        %mul3A_190 = arith.constant 16 : i32
        %mul3A_191 = arith.muli %scan3A_188, %mul3A_190 : i32
        %get3A = arith.index_cast %mul3A_191 : i32 to index
        %get3A_192 = tpu.vector_load %arg11[%get3A] {strides = array<i32>} : memref<64xi32, #tpu.memory_space<vmem>>, vector<16xi32>,
        %get3A_193 = vector.shape_cast %get3A_192 : vector<16xi32> to vector<16xi32>
        %add3A_194 = vector.broadcast %mul3A_55 : i32 to vector<16xi32>
        %add3A_195 = arith.addi %get3A_193, %add3A_194 : vector<16xi32>
        %mul3A_196 = arith.constant 16 : i32
        %mul3A_197 = arith.muli %scan3A_188, %mul3A_196 : i32
        %swap3A = arith.index_cast %mul3A_197 : i32 to index
        %swap3A_198 = tpu.vector_load %arg10[%swap3A] {strides = array<i32>} : memref<64xi32, #tpu.memory_space<vmem>>, vector<16xi32>,
        %swap3A_199 = vector.shape_cast %swap3A_198 : vector<16xi32> to vector<16xi32>
        %swap3A_200 = vector.shape_cast %add3A_195 : vector<16xi32> to vector<16xi32>
        tpu.vector_store %arg10[%swap3A], %swap3A_200 {strides = array<i32>} : memref<64xi32, #tpu.memory_space<vmem>>, vector<16xi32>,
        %scan3A_201 = arith.constant 0 : i32
        scf.yield %scan3A_201 : i32
      }
      %scan3A_173 = arith.constant 4 : i32
      %dma_start3A_174 = arith.constant 0 : i32
      %dma_start3A_175 = arith.constant 0 : i32
      %dma_start3A_176 = tpu.memref_slice %arg3[%dma_start3A_174, %dma_start3A_175] : memref<40000x128xf32, #tpu.memory_space<hbm>> -> memref<40000x128xf32, #tpu.memory_space<hbm>>
      tpu.enqueue_indirect_dma source(%dma_start3A_176 : memref<40000x128xf32, #tpu.memory_space<hbm>>) target(%arg13 : memref<64x128xf32, #tpu.memory_space<vmem>>) offsets(%arg10 : memref<64xi32, #tpu.memory_space<vmem>>) semaphore(%arg18 : memref<!tpu.dma_semaphore, #tpu.memory_space<semaphore_mem>>)
      %dma_wait3A_177 = arith.constant 0 : i32
      %dma_wait3A_178 = arith.constant 0 : i32
      %dma_wait3A_179 = tpu.memref_slice %arg3[%dma_wait3A_177, %dma_wait3A_178] : memref<40000x128xf32, #tpu.memory_space<hbm>> -> memref<40000x128xf32, #tpu.memory_space<hbm>>
      tpu.wait_indirect_dma semaphore(%arg18 : memref<!tpu.dma_semaphore, #tpu.memory_space<semaphore_mem>>) src(%dma_wait3A_179 : memref<40000x128xf32, #tpu.memory_space<hbm>>) dst(%arg13 : memref<64x128xf32, #tpu.memory_space<vmem>>)
      "tpu.region"() ({
        %run_scoped3A = tpu.sem_alloc : memref<!tpu.dma_semaphore, #tpu.memory_space<semaphore_mem>>
        %dma_start3A_188 = arith.constant 0 : i32
        %dma_start3A_189 = tpu.memref_slice %arg4[%mul3A_155, %add3A_53, %dma_start3A_188] : memref<160000x4x64xf32, #tpu.memory_space<hbm>> -> memref<64x1x64xf32, #tpu.memory_space<hbm>>
        %dma_start3A_190 = arith.constant 0 : i32
        %dma_start3A_191 = tpu.memref_slice %arg4[%mul3A_155, %add3A_53, %dma_start3A_190] : memref<160000x4x64xf32, #tpu.memory_space<hbm>> -> memref<64x1x64xf32, #tpu.memory_space<hbm>>
        tpu.enqueue_dma source(%dma_start3A_191 : memref<64x1x64xf32, #tpu.memory_space<hbm>>) target(%arg14 : memref<64x1x64xf32, #tpu.memory_space<vmem>>) target_semaphore(%run_scoped3A : memref<!tpu.dma_semaphore, #tpu.memory_space<semaphore_mem>>)
        %dma_wait3A_192 = arith.constant 0 : i32
        %dma_wait3A_193 = tpu.memref_slice %arg4[%mul3A_155, %add3A_53, %dma_wait3A_192] : memref<160000x4x64xf32, #tpu.memory_space<hbm>> -> memref<64x1x64xf32, #tpu.memory_space<hbm>>
        %dma_wait3A_194 = arith.constant 0 : i32
        %dma_wait3A_195 = tpu.memref_slice %arg4[%mul3A_155, %add3A_53, %dma_wait3A_194] : memref<160000x4x64xf32, #tpu.memory_space<hbm>> -> memref<64x1x64xf32, #tpu.memory_space<hbm>>
        tpu.wait_dma2 semaphore(%run_scoped3A : memref<!tpu.dma_semaphore, #tpu.memory_space<semaphore_mem>>) src(%dma_wait3A_195 : memref<64x1x64xf32, #tpu.memory_space<hbm>>) dst(%arg14 : memref<64x1x64xf32, #tpu.memory_space<vmem>>)
        tpu.yield
      }) : () -> ()
      "tpu.region"() ({
        %run_scoped3A = tpu.sem_alloc : memref<!tpu.dma_semaphore, #tpu.memory_space<semaphore_mem>>
        %dma_start3A_188 = arith.constant 0 : i32
        %dma_start3A_189 = tpu.memref_slice %arg5[%mul3A_155, %add3A_53, %dma_start3A_188] : memref<160000x4x64xf32, #tpu.memory_space<hbm>> -> memref<64x1x64xf32, #tpu.memory_space<hbm>>
        %dma_start3A_190 = arith.constant 0 : i32
        %dma_start3A_191 = tpu.memref_slice %arg5[%mul3A_155, %add3A_53, %dma_start3A_190] : memref<160000x4x64xf32, #tpu.memory_space<hbm>> -> memref<64x1x64xf32, #tpu.memory_space<hbm>>
        tpu.enqueue_dma source(%dma_start3A_191 : memref<64x1x64xf32, #tpu.memory_space<hbm>>) target(%arg15 : memref<64x1x64xf32, #tpu.memory_space<vmem>>) target_semaphore(%run_scoped3A : memref<!tpu.dma_semaphore, #tpu.memory_space<semaphore_mem>>)
        %dma_wait3A_192 = arith.constant 0 : i32
        %dma_wait3A_193 = tpu.memref_slice %arg5[%mul3A_155, %add3A_53, %dma_wait3A_192] : memref<160000x4x64xf32, #tpu.memory_space<hbm>> -> memref<64x1x64xf32, #tpu.memory_space<hbm>>
        %dma_wait3A_194 = arith.constant 0 : i32
        %dma_wait3A_195 = tpu.memref_slice %arg5[%mul3A_155, %add3A_53, %dma_wait3A_194] : memref<160000x4x64xf32, #tpu.memory_space<hbm>> -> memref<64x1x64xf32, #tpu.memory_space<hbm>>
        tpu.wait_dma2 semaphore(%run_scoped3A : memref<!tpu.dma_semaphore, #tpu.memory_space<semaphore_mem>>) src(%dma_wait3A_195 : memref<64x1x64xf32, #tpu.memory_space<hbm>>) dst(%arg15 : memref<64x1x64xf32, #tpu.memory_space<vmem>>)
        tpu.yield
      }) : () -> ()
      %scan3A_180 = arith.constant 0 : i32
      %scan3A_181 = arith.constant 0 : i32
      %scan3A_182 = arith.constant 256 : i32
      %scan3A_183 = arith.addi %scan3A_181, %scan3A_182 : i32
      %scan3A_184 = arith.constant 1 : i32
      %scan3A_185 = scf.for %scan3A_188 = %scan3A_181 to %scan3A_183 step %scan3A_184 iter_args(%scan3A_189 = %scan3A_180) -> (i32)  : i32 {
        %jit3A_190 = arith.constant 4 : i32
        %div3A_191 = arith.divsi %scan3A_188, %jit3A_190 : i32
        %sign3A_192 = arith.constant 0 : i32
        %sign3A_193 = arith.cmpi sgt, %scan3A_188, %sign3A_192 : i32
        %sign3A_194 = arith.extui %sign3A_193 : i1 to i32
        %sign3A_195 = arith.constant 0 : i32
        %sign3A_196 = arith.cmpi slt, %scan3A_188, %sign3A_195 : i32
        %sign3A_197 = arith.extui %sign3A_196 : i1 to i32
        %sign3A_198 = arith.subi %sign3A_194, %sign3A_197 : i32
        %sign3A_199 = arith.constant 0 : i32
        %sign3A_200 = arith.cmpi sgt, %jit3A_190, %sign3A_199 : i32
        %sign3A_201 = arith.extui %sign3A_200 : i1 to i32
        %sign3A_202 = arith.constant 0 : i32
        %sign3A_203 = arith.cmpi slt, %jit3A_190, %sign3A_202 : i32
        %sign3A_204 = arith.extui %sign3A_203 : i1 to i32
        %sign3A_205 = arith.subi %sign3A_201, %sign3A_204 : i32
        %ne3A_206 = arith.cmpi ne, %sign3A_198, %sign3A_205 : i32
        %rem3A_207 = arith.remsi %scan3A_188, %jit3A_190 : i32
        %ne3A_208 = arith.constant 0 : i32
        %ne3A_209 = arith.cmpi ne, %rem3A_207, %ne3A_208 : i32
        %and3A_210 = arith.andi %ne3A_206, %ne3A_209 : i1
        %sub3A_211 = arith.constant 1 : i32
        %sub3A_212 = arith.subi %div3A_191, %sub3A_211 : i32
        %select_n3A_213 = arith.select %and3A_210, %sub3A_212, %div3A_191 : i32
        %jit3A_214 = arith.constant 4 : i32
        %eq3A = arith.constant 0 : i32
        %eq3A_215 = arith.cmpi eq, %jit3A_214, %eq3A : i32
        %jit3A_216 = arith.constant 1 : i32
        %select_n3A_217 = arith.select %eq3A_215, %jit3A_216, %jit3A_214 : i32
        %rem3A_218 = arith.remsi %scan3A_188, %select_n3A_217 : i32
        %ne3A_219 = arith.constant 0 : i32
        %ne3A_220 = arith.cmpi ne, %rem3A_218, %ne3A_219 : i32
        %lt3A = arith.constant 0 : i32
        %lt3A_221 = arith.cmpi slt, %rem3A_218, %lt3A : i32
        %lt3A_222 = arith.constant 0 : i32
        %lt3A_223 = arith.cmpi slt, %select_n3A_217, %lt3A_222 : i32
        %ne3A_224 = arith.xori %lt3A_221, %lt3A_223 : i1
        %and3A_225 = arith.andi %ne3A_224, %ne3A_220 : i1
        %add3A_226 = arith.addi %rem3A_218, %select_n3A_217 : i32
        %select_n3A_227 = arith.select %and3A_225, %add3A_226, %rem3A_218 : i32
        %mul3A_228 = arith.constant 16 : i32
        %mul3A_229 = arith.muli %select_n3A_227, %mul3A_228 : i32
        %get3A = arith.index_cast %select_n3A_213 : i32 to index
        %get3A_230 = arith.index_cast %mul3A_229 : i32 to index
        %get3A_231 = tpu.vector_load %arg12[%get3A, %get3A_230] {strides = array<i32>} : memref<64x128xf32, #tpu.memory_space<vmem>>, vector<1x16xf32>,
        %get3A_232 = vector.shape_cast %get3A_231 : vector<1x16xf32> to vector<16xf32>
        %add3A_233 = arith.constant 64 : i32
        %add3A_234 = arith.addi %add3A_233, %mul3A_229 : i32
        %get3A_235 = arith.index_cast %select_n3A_213 : i32 to index
        %get3A_236 = arith.index_cast %add3A_234 : i32 to index
        %get3A_237 = tpu.vector_load %arg12[%get3A_235, %get3A_236] {strides = array<i32>} : memref<64x128xf32, #tpu.memory_space<vmem>>, vector<1x16xf32>,
        %get3A_238 = vector.shape_cast %get3A_237 : vector<1x16xf32> to vector<16xf32>
        %get3A_239 = arith.index_cast %select_n3A_213 : i32 to index
        %get3A_240 = arith.index_cast %mul3A_229 : i32 to index
        %get3A_241 = tpu.vector_load %arg13[%get3A_239, %get3A_240] {strides = array<i32>} : memref<64x128xf32, #tpu.memory_space<vmem>>, vector<1x16xf32>,
        %get3A_242 = vector.shape_cast %get3A_241 : vector<1x16xf32> to vector<16xf32>
        %get3A_243 = arith.constant 0 : i32
        %get3A_244 = arith.index_cast %select_n3A_213 : i32 to index
        %get3A_245 = arith.index_cast %get3A_243 : i32 to index
        %get3A_246 = arith.index_cast %mul3A_229 : i32 to index
        %get3A_247 = tpu.vector_load %arg14[%get3A_244, %get3A_245, %get3A_246] {strides = array<i32>} : memref<64x1x64xf32, #tpu.memory_space<vmem>>, vector<1x1x16xf32>,
        %get3A_248 = vector.shape_cast %get3A_247 : vector<1x1x16xf32> to vector<16xf32>
        %get3A_249 = arith.constant 0 : i32
        %get3A_250 = arith.index_cast %select_n3A_213 : i32 to index
        %get3A_251 = arith.index_cast %get3A_249 : i32 to index
        %get3A_252 = arith.index_cast %mul3A_229 : i32 to index
        %get3A_253 = tpu.vector_load %arg15[%get3A_250, %get3A_251, %get3A_252] {strides = array<i32>} : memref<64x1x64xf32, #tpu.memory_space<vmem>>, vector<1x1x16xf32>,
        %get3A_254 = vector.shape_cast %get3A_253 : vector<1x1x16xf32> to vector<16xf32>
        %add3A_255 = arith.addf %get3A_232, %get3A_242 : vector<16xf32>
        %add3A_256 = arith.addf %add3A_255, %get3A_248 : vector<16xf32>
        %neg3A = arith.constant 0.000000e+00 : f32
        %neg3A_257 = vector.broadcast %neg3A : f32 to vector<16xf32>
        %neg3A_258 = arith.subf %neg3A_257, %add3A_256 : vector<16xf32>
        %exp3A = math.exp %neg3A_258 : vector<16xf32>
        %add3A_259 = arith.constant 1.000000e+00 : f32
        %add3A_260 = vector.broadcast %add3A_259 : f32 to vector<16xf32>
        %add3A_261 = arith.addf %add3A_260, %exp3A : vector<16xf32>
        %div3A_262 = arith.constant 1.000000e+00 : f32
        %div3A_263 = vector.broadcast %div3A_262 : f32 to vector<16xf32>
        %div3A_264 = arith.divf %div3A_263, %add3A_261 : vector<16xf32>
        %mul3A_265 = arith.mulf %get3A_238, %div3A_264 : vector<16xf32>
        %swap3A = arith.index_cast %select_n3A_213 : i32 to index
        %swap3A_266 = arith.index_cast %mul3A_229 : i32 to index
        %swap3A_267 = tpu.vector_load %arg16[%swap3A, %swap3A_266] {strides = array<i32>} : memref<64x128xf32, #tpu.memory_space<vmem>>, vector<1x16xf32>,
        %swap3A_268 = vector.shape_cast %swap3A_267 : vector<1x16xf32> to vector<16xf32>
        %swap3A_269 = vector.shape_cast %mul3A_265 : vector<16xf32> to vector<1x16xf32>
        tpu.vector_store %arg16[%swap3A, %swap3A_266], %swap3A_269 {strides = array<i32>} : memref<64x128xf32, #tpu.memory_space<vmem>>, vector<1x16xf32>,
        %add3A_270 = arith.constant 64 : i32
        %add3A_271 = arith.addi %add3A_270, %mul3A_229 : i32
        %swap3A_272 = arith.index_cast %select_n3A_213 : i32 to index
        %swap3A_273 = arith.index_cast %add3A_271 : i32 to index
        %swap3A_274 = tpu.vector_load %arg16[%swap3A_272, %swap3A_273] {strides = array<i32>} : memref<64x128xf32, #tpu.memory_space<vmem>>, vector<1x16xf32>,
        %swap3A_275 = vector.shape_cast %swap3A_274 : vector<1x16xf32> to vector<16xf32>
        %swap3A_276 = vector.shape_cast %div3A_264 : vector<16xf32> to vector<1x16xf32>
        tpu.vector_store %arg16[%swap3A_272, %swap3A_273], %swap3A_276 {strides = array<i32>} : memref<64x128xf32, #tpu.memory_space<vmem>>, vector<1x16xf32>,
        %max3A = arith.constant 0.000000e+00 : f32
        %max3A_277 = vector.broadcast %max3A : f32 to vector<16xf32>
        %max3A_278 = arith.maximumf %add3A_256, %max3A_277 : vector<16xf32>
        %add3A_279 = arith.addf %get3A_254, %max3A_278 : vector<16xf32>
        %swap3A_280 = arith.constant 0 : i32
        %swap3A_281 = arith.index_cast %select_n3A_213 : i32 to index
        %swap3A_282 = arith.index_cast %swap3A_280 : i32 to index
        %swap3A_283 = arith.index_cast %mul3A_229 : i32 to index
        %swap3A_284 = tpu.vector_load %arg15[%swap3A_281, %swap3A_282, %swap3A_283] {strides = array<i32>} : memref<64x1x64xf32, #tpu.memory_space<vmem>>, vector<1x1x16xf32>,
        %swap3A_285 = vector.shape_cast %swap3A_284 : vector<1x1x16xf32> to vector<16xf32>
        %swap3A_286 = vector.shape_cast %add3A_279 : vector<16xf32> to vector<1x1x16xf32>
        tpu.vector_store %arg15[%swap3A_281, %swap3A_282, %swap3A_283], %swap3A_286 {strides = array<i32>} : memref<64x1x64xf32, #tpu.memory_space<vmem>>, vector<1x1x16xf32>,
        %scan3A_287 = arith.constant 0 : i32
        scf.yield %scan3A_287 : i32
      }
      %scan3A_186 = arith.constant 256 : i32
      "tpu.region"() ({
        %run_scoped3A = tpu.sem_alloc : memref<!tpu.dma_semaphore, #tpu.memory_space<semaphore_mem>>
        %dma_start3A_188 = arith.constant 0 : i32
        %dma_start3A_189 = tpu.memref_slice %arg8[%mul3A_155, %add3A_53, %dma_start3A_188] : memref<160000x4x64xf32, #tpu.memory_space<hbm>> -> memref<64x1x64xf32, #tpu.memory_space<hbm>>
        %dma_start3A_190 = arith.constant 0 : i32
        %dma_start3A_191 = tpu.memref_slice %arg8[%mul3A_155, %add3A_53, %dma_start3A_190] : memref<160000x4x64xf32, #tpu.memory_space<hbm>> -> memref<64x1x64xf32, #tpu.memory_space<hbm>>
        tpu.enqueue_dma source(%arg15 : memref<64x1x64xf32, #tpu.memory_space<vmem>>) target(%dma_start3A_191 : memref<64x1x64xf32, #tpu.memory_space<hbm>>) target_semaphore(%run_scoped3A : memref<!tpu.dma_semaphore, #tpu.memory_space<semaphore_mem>>)
        %dma_wait3A_192 = arith.constant 0 : i32
        %dma_wait3A_193 = tpu.memref_slice %arg8[%mul3A_155, %add3A_53, %dma_wait3A_192] : memref<160000x4x64xf32, #tpu.memory_space<hbm>> -> memref<64x1x64xf32, #tpu.memory_space<hbm>>
        %dma_wait3A_194 = arith.constant 0 : i32
        %dma_wait3A_195 = tpu.memref_slice %arg8[%mul3A_155, %add3A_53, %dma_wait3A_194] : memref<160000x4x64xf32, #tpu.memory_space<hbm>> -> memref<64x1x64xf32, #tpu.memory_space<hbm>>
        tpu.wait_dma2 semaphore(%run_scoped3A : memref<!tpu.dma_semaphore, #tpu.memory_space<semaphore_mem>>) src(%arg15 : memref<64x1x64xf32, #tpu.memory_space<vmem>>) dst(%dma_wait3A_195 : memref<64x1x64xf32, #tpu.memory_space<hbm>>)
        tpu.yield
      }) : () -> ()
      "tpu.region"() ({
        %run_scoped3A = tpu.sem_alloc : memref<!tpu.dma_semaphore, #tpu.memory_space<semaphore_mem>>
        %dma_start3A_188 = arith.constant 0 : i32
        %dma_start3A_189 = arith.constant 0 : i32
        %dma_start3A_190 = tpu.memref_slice %arg17[%dma_start3A_188, %dma_start3A_189] : memref<10000x128xf32, #tpu.memory_space<vmem_shared>> -> memref<10000x128xf32, #tpu.memory_space<vmem_shared>>
        tpu.enqueue_indirect_dma source(%arg16 : memref<64x128xf32, #tpu.memory_space<vmem>>) target(%dma_start3A_190 : memref<10000x128xf32, #tpu.memory_space<vmem_shared>>) offsets(%arg11 : memref<64xi32, #tpu.memory_space<vmem>>) semaphore(%run_scoped3A : memref<!tpu.dma_semaphore, #tpu.memory_space<semaphore_mem>>) {add = true}
        %dma_wait3A_191 = arith.constant 0 : i32
        %dma_wait3A_192 = arith.constant 0 : i32
        %dma_wait3A_193 = tpu.memref_slice %arg17[%dma_wait3A_191, %dma_wait3A_192] : memref<10000x128xf32, #tpu.memory_space<vmem_shared>> -> memref<10000x128xf32, #tpu.memory_space<vmem_shared>>
        tpu.wait_indirect_dma semaphore(%run_scoped3A : memref<!tpu.dma_semaphore, #tpu.memory_space<semaphore_mem>>) src(%arg16 : memref<64x128xf32, #tpu.memory_space<vmem>>) dst(%dma_wait3A_193 : memref<10000x128xf32, #tpu.memory_space<vmem_shared>>)
        tpu.yield
      }) : () -> ()
      %while3A_187 = arith.constant 0 : i32
      scf.yield %while3A_187 : i32
    }
    %while3A_83 = arith.constant 1 : i32
    %while3A_84 = scf.for %while3A_149 = %while3A_80 to %while3A_76 step %while3A_83 iter_args(%while3A_150 = %while3A_82) -> (i32)  : i32 {
      %mul3A_151 = arith.constant 16 : i32
      %mul3A_152 = arith.muli %while3A_149, %mul3A_151 : i32
      %add3A_153 = arith.addi %arg1, %mul3A_152 : i32
      %mul3A_154 = arith.constant 64 : i32
      %mul3A_155 = arith.muli %add3A_153, %mul3A_154 : i32
      "tpu.region"() ({
        %run_scoped3A = tpu.sem_alloc : memref<!tpu.dma_semaphore, #tpu.memory_space<semaphore_mem>>
        %dma_start3A_188 = tpu.memref_slice %arg6[%mul3A_155] : memref<160000xi32, #tpu.memory_space<hbm>> -> memref<64xi32, #tpu.memory_space<hbm>>
        %dma_start3A_189 = tpu.memref_slice %arg6[%mul3A_155] : memref<160000xi32, #tpu.memory_space<hbm>> -> memref<64xi32, #tpu.memory_space<hbm>>
        tpu.enqueue_dma source(%dma_start3A_189 : memref<64xi32, #tpu.memory_space<hbm>>) target(%arg10 : memref<64xi32, #tpu.memory_space<vmem>>) target_semaphore(%run_scoped3A : memref<!tpu.dma_semaphore, #tpu.memory_space<semaphore_mem>>)
        %dma_wait3A_190 = tpu.memref_slice %arg6[%mul3A_155] : memref<160000xi32, #tpu.memory_space<hbm>> -> memref<64xi32, #tpu.memory_space<hbm>>
        %dma_wait3A_191 = tpu.memref_slice %arg6[%mul3A_155] : memref<160000xi32, #tpu.memory_space<hbm>> -> memref<64xi32, #tpu.memory_space<hbm>>
        tpu.wait_dma2 semaphore(%run_scoped3A : memref<!tpu.dma_semaphore, #tpu.memory_space<semaphore_mem>>) src(%dma_wait3A_191 : memref<64xi32, #tpu.memory_space<hbm>>) dst(%arg10 : memref<64xi32, #tpu.memory_space<vmem>>)
        tpu.yield
      }) : () -> ()
      %scan3A_156 = arith.constant 0 : i32
      %scan3A_157 = arith.constant 0 : i32
      %scan3A_158 = arith.constant 4 : i32
      %scan3A_159 = arith.addi %scan3A_157, %scan3A_158 : i32
      %scan3A_160 = arith.constant 1 : i32
      %scan3A_161 = scf.for %scan3A_188 = %scan3A_157 to %scan3A_159 step %scan3A_160 iter_args(%scan3A_189 = %scan3A_156) -> (i32)  : i32 {
        %mul3A_190 = arith.constant 16 : i32
        %mul3A_191 = arith.muli %scan3A_188, %mul3A_190 : i32
        %get3A = arith.index_cast %mul3A_191 : i32 to index
        %get3A_192 = tpu.vector_load %arg10[%get3A] {strides = array<i32>} : memref<64xi32, #tpu.memory_space<vmem>>, vector<16xi32>,
        %get3A_193 = vector.shape_cast %get3A_192 : vector<16xi32> to vector<16xi32>
        %add3A_194 = vector.broadcast %mul3A_55 : i32 to vector<16xi32>
        %add3A_195 = arith.addi %get3A_193, %add3A_194 : vector<16xi32>
        %mul3A_196 = arith.constant 16 : i32
        %mul3A_197 = arith.muli %scan3A_188, %mul3A_196 : i32
        %swap3A = arith.index_cast %mul3A_197 : i32 to index
        %swap3A_198 = tpu.vector_load %arg10[%swap3A] {strides = array<i32>} : memref<64xi32, #tpu.memory_space<vmem>>, vector<16xi32>,
        %swap3A_199 = vector.shape_cast %swap3A_198 : vector<16xi32> to vector<16xi32>
        %swap3A_200 = vector.shape_cast %add3A_195 : vector<16xi32> to vector<16xi32>
        tpu.vector_store %arg10[%swap3A], %swap3A_200 {strides = array<i32>} : memref<64xi32, #tpu.memory_space<vmem>>, vector<16xi32>,
        %scan3A_201 = arith.constant 0 : i32
        scf.yield %scan3A_201 : i32
      }
      %scan3A_162 = arith.constant 4 : i32
      %dma_start3A = arith.constant 0 : i32
      %dma_start3A_163 = arith.constant 0 : i32
      %dma_start3A_164 = tpu.memref_slice %arg2[%dma_start3A, %dma_start3A_163] : memref<40000x128xf32, #tpu.memory_space<hbm>> -> memref<40000x128xf32, #tpu.memory_space<hbm>>
      tpu.enqueue_indirect_dma source(%dma_start3A_164 : memref<40000x128xf32, #tpu.memory_space<hbm>>) target(%arg12 : memref<64x128xf32, #tpu.memory_space<vmem>>) offsets(%arg10 : memref<64xi32, #tpu.memory_space<vmem>>) semaphore(%arg18 : memref<!tpu.dma_semaphore, #tpu.memory_space<semaphore_mem>>)
      %dma_wait3A = arith.constant 0 : i32
      %dma_wait3A_165 = arith.constant 0 : i32
      %dma_wait3A_166 = tpu.memref_slice %arg2[%dma_wait3A, %dma_wait3A_165] : memref<40000x128xf32, #tpu.memory_space<hbm>> -> memref<40000x128xf32, #tpu.memory_space<hbm>>
      tpu.wait_indirect_dma semaphore(%arg18 : memref<!tpu.dma_semaphore, #tpu.memory_space<semaphore_mem>>) src(%dma_wait3A_166 : memref<40000x128xf32, #tpu.memory_space<hbm>>) dst(%arg12 : memref<64x128xf32, #tpu.memory_space<vmem>>)
      "tpu.region"() ({
        %run_scoped3A = tpu.sem_alloc : memref<!tpu.dma_semaphore, #tpu.memory_space<semaphore_mem>>
        %dma_start3A_188 = tpu.memref_slice %arg7[%mul3A_155] : memref<160000xi32, #tpu.memory_space<hbm>> -> memref<64xi32, #tpu.memory_space<hbm>>
        %dma_start3A_189 = tpu.memref_slice %arg7[%mul3A_155] : memref<160000xi32, #tpu.memory_space<hbm>> -> memref<64xi32, #tpu.memory_space<hbm>>
        tpu.enqueue_dma source(%dma_start3A_189 : memref<64xi32, #tpu.memory_space<hbm>>) target(%arg11 : memref<64xi32, #tpu.memory_space<vmem>>) target_semaphore(%run_scoped3A : memref<!tpu.dma_semaphore, #tpu.memory_space<semaphore_mem>>)
        %dma_wait3A_190 = tpu.memref_slice %arg7[%mul3A_155] : memref<160000xi32, #tpu.memory_space<hbm>> -> memref<64xi32, #tpu.memory_space<hbm>>
        %dma_wait3A_191 = tpu.memref_slice %arg7[%mul3A_155] : memref<160000xi32, #tpu.memory_space<hbm>> -> memref<64xi32, #tpu.memory_space<hbm>>
        tpu.wait_dma2 semaphore(%run_scoped3A : memref<!tpu.dma_semaphore, #tpu.memory_space<semaphore_mem>>) src(%dma_wait3A_191 : memref<64xi32, #tpu.memory_space<hbm>>) dst(%arg11 : memref<64xi32, #tpu.memory_space<vmem>>)
        tpu.yield
      }) : () -> ()
      %scan3A_167 = arith.constant 0 : i32
      %scan3A_168 = arith.constant 0 : i32
      %scan3A_169 = arith.constant 4 : i32
      %scan3A_170 = arith.addi %scan3A_168, %scan3A_169 : i32
      %scan3A_171 = arith.constant 1 : i32
      %scan3A_172 = scf.for %scan3A_188 = %scan3A_168 to %scan3A_170 step %scan3A_171 iter_args(%scan3A_189 = %scan3A_167) -> (i32)  : i32 {
        %mul3A_190 = arith.constant 16 : i32
        %mul3A_191 = arith.muli %scan3A_188, %mul3A_190 : i32
        %get3A = arith.index_cast %mul3A_191 : i32 to index
        %get3A_192 = tpu.vector_load %arg11[%get3A] {strides = array<i32>} : memref<64xi32, #tpu.memory_space<vmem>>, vector<16xi32>,
        %get3A_193 = vector.shape_cast %get3A_192 : vector<16xi32> to vector<16xi32>
        %add3A_194 = vector.broadcast %mul3A_55 : i32 to vector<16xi32>
        %add3A_195 = arith.addi %get3A_193, %add3A_194 : vector<16xi32>
        %mul3A_196 = arith.constant 16 : i32
        %mul3A_197 = arith.muli %scan3A_188, %mul3A_196 : i32
        %swap3A = arith.index_cast %mul3A_197 : i32 to index
        %swap3A_198 = tpu.vector_load %arg10[%swap3A] {strides = array<i32>} : memref<64xi32, #tpu.memory_space<vmem>>, vector<16xi32>,
        %swap3A_199 = vector.shape_cast %swap3A_198 : vector<16xi32> to vector<16xi32>
        %swap3A_200 = vector.shape_cast %add3A_195 : vector<16xi32> to vector<16xi32>
        tpu.vector_store %arg10[%swap3A], %swap3A_200 {strides = array<i32>} : memref<64xi32, #tpu.memory_space<vmem>>, vector<16xi32>,
        %scan3A_201 = arith.constant 0 : i32
        scf.yield %scan3A_201 : i32
      }
      %scan3A_173 = arith.constant 4 : i32
      %dma_start3A_174 = arith.constant 0 : i32
      %dma_start3A_175 = arith.constant 0 : i32
      %dma_start3A_176 = tpu.memref_slice %arg3[%dma_start3A_174, %dma_start3A_175] : memref<40000x128xf32, #tpu.memory_space<hbm>> -> memref<40000x128xf32, #tpu.memory_space<hbm>>
      tpu.enqueue_indirect_dma source(%dma_start3A_176 : memref<40000x128xf32, #tpu.memory_space<hbm>>) target(%arg13 : memref<64x128xf32, #tpu.memory_space<vmem>>) offsets(%arg10 : memref<64xi32, #tpu.memory_space<vmem>>) semaphore(%arg18 : memref<!tpu.dma_semaphore, #tpu.memory_space<semaphore_mem>>)
      %dma_wait3A_177 = arith.constant 0 : i32
      %dma_wait3A_178 = arith.constant 0 : i32
      %dma_wait3A_179 = tpu.memref_slice %arg3[%dma_wait3A_177, %dma_wait3A_178] : memref<40000x128xf32, #tpu.memory_space<hbm>> -> memref<40000x128xf32, #tpu.memory_space<hbm>>
      tpu.wait_indirect_dma semaphore(%arg18 : memref<!tpu.dma_semaphore, #tpu.memory_space<semaphore_mem>>) src(%dma_wait3A_179 : memref<40000x128xf32, #tpu.memory_space<hbm>>) dst(%arg13 : memref<64x128xf32, #tpu.memory_space<vmem>>)
      "tpu.region"() ({
        %run_scoped3A = tpu.sem_alloc : memref<!tpu.dma_semaphore, #tpu.memory_space<semaphore_mem>>
        %dma_start3A_188 = arith.constant 0 : i32
        %dma_start3A_189 = tpu.memref_slice %arg4[%mul3A_155, %add3A_53, %dma_start3A_188] : memref<160000x4x64xf32, #tpu.memory_space<hbm>> -> memref<64x1x64xf32, #tpu.memory_space<hbm>>
        %dma_start3A_190 = arith.constant 0 : i32
        %dma_start3A_191 = tpu.memref_slice %arg4[%mul3A_155, %add3A_53, %dma_start3A_190] : memref<160000x4x64xf32, #tpu.memory_space<hbm>> -> memref<64x1x64xf32, #tpu.memory_space<hbm>>
        tpu.enqueue_dma source(%dma_start3A_191 : memref<64x1x64xf32, #tpu.memory_space<hbm>>) target(%arg14 : memref<64x1x64xf32, #tpu.memory_space<vmem>>) target_semaphore(%run_scoped3A : memref<!tpu.dma_semaphore, #tpu.memory_space<semaphore_mem>>)
        %dma_wait3A_192 = arith.constant 0 : i32
        %dma_wait3A_193 = tpu.memref_slice %arg4[%mul3A_155, %add3A_53, %dma_wait3A_192] : memref<160000x4x64xf32, #tpu.memory_space<hbm>> -> memref<64x1x64xf32, #tpu.memory_space<hbm>>
        %dma_wait3A_194 = arith.constant 0 : i32
        %dma_wait3A_195 = tpu.memref_slice %arg4[%mul3A_155, %add3A_53, %dma_wait3A_194] : memref<160000x4x64xf32, #tpu.memory_space<hbm>> -> memref<64x1x64xf32, #tpu.memory_space<hbm>>
        tpu.wait_dma2 semaphore(%run_scoped3A : memref<!tpu.dma_semaphore, #tpu.memory_space<semaphore_mem>>) src(%dma_wait3A_195 : memref<64x1x64xf32, #tpu.memory_space<hbm>>) dst(%arg14 : memref<64x1x64xf32, #tpu.memory_space<vmem>>)
        tpu.yield
      }) : () -> ()
      "tpu.region"() ({
        %run_scoped3A = tpu.sem_alloc : memref<!tpu.dma_semaphore, #tpu.memory_space<semaphore_mem>>
        %dma_start3A_188 = arith.constant 0 : i32
        %dma_start3A_189 = tpu.memref_slice %arg5[%mul3A_155, %add3A_53, %dma_start3A_188] : memref<160000x4x64xf32, #tpu.memory_space<hbm>> -> memref<64x1x64xf32, #tpu.memory_space<hbm>>
        %dma_start3A_190 = arith.constant 0 : i32
        %dma_start3A_191 = tpu.memref_slice %arg5[%mul3A_155, %add3A_53, %dma_start3A_190] : memref<160000x4x64xf32, #tpu.memory_space<hbm>> -> memref<64x1x64xf32, #tpu.memory_space<hbm>>
        tpu.enqueue_dma source(%dma_start3A_191 : memref<64x1x64xf32, #tpu.memory_space<hbm>>) target(%arg15 : memref<64x1x64xf32, #tpu.memory_space<vmem>>) target_semaphore(%run_scoped3A : memref<!tpu.dma_semaphore, #tpu.memory_space<semaphore_mem>>)
        %dma_wait3A_192 = arith.constant 0 : i32
        %dma_wait3A_193 = tpu.memref_slice %arg5[%mul3A_155, %add3A_53, %dma_wait3A_192] : memref<160000x4x64xf32, #tpu.memory_space<hbm>> -> memref<64x1x64xf32, #tpu.memory_space<hbm>>
        %dma_wait3A_194 = arith.constant 0 : i32
        %dma_wait3A_195 = tpu.memref_slice %arg5[%mul3A_155, %add3A_53, %dma_wait3A_194] : memref<160000x4x64xf32, #tpu.memory_space<hbm>> -> memref<64x1x64xf32, #tpu.memory_space<hbm>>
        tpu.wait_dma2 semaphore(%run_scoped3A : memref<!tpu.dma_semaphore, #tpu.memory_space<semaphore_mem>>) src(%dma_wait3A_195 : memref<64x1x64xf32, #tpu.memory_space<hbm>>) dst(%arg15 : memref<64x1x64xf32, #tpu.memory_space<vmem>>)
        tpu.yield
      }) : () -> ()
      %scan3A_180 = arith.constant 0 : i32
      %scan3A_181 = arith.constant 0 : i32
      %scan3A_182 = arith.constant 256 : i32
      %scan3A_183 = arith.addi %scan3A_181, %scan3A_182 : i32
      %scan3A_184 = arith.constant 1 : i32
      %scan3A_185 = scf.for %scan3A_188 = %scan3A_181 to %scan3A_183 step %scan3A_184 iter_args(%scan3A_189 = %scan3A_180) -> (i32)  : i32 {
        %jit3A_190 = arith.constant 4 : i32
        %div3A_191 = arith.divsi %scan3A_188, %jit3A_190 : i32
        %sign3A_192 = arith.constant 0 : i32
        %sign3A_193 = arith.cmpi sgt, %scan3A_188, %sign3A_192 : i32
        %sign3A_194 = arith.extui %sign3A_193 : i1 to i32
        %sign3A_195 = arith.constant 0 : i32
        %sign3A_196 = arith.cmpi slt, %scan3A_188, %sign3A_195 : i32
        %sign3A_197 = arith.extui %sign3A_196 : i1 to i32
        %sign3A_198 = arith.subi %sign3A_194, %sign3A_197 : i32
        %sign3A_199 = arith.constant 0 : i32
        %sign3A_200 = arith.cmpi sgt, %jit3A_190, %sign3A_199 : i32
        %sign3A_201 = arith.extui %sign3A_200 : i1 to i32
        %sign3A_202 = arith.constant 0 : i32
        %sign3A_203 = arith.cmpi slt, %jit3A_190, %sign3A_202 : i32
        %sign3A_204 = arith.extui %sign3A_203 : i1 to i32
        %sign3A_205 = arith.subi %sign3A_201, %sign3A_204 : i32
        %ne3A_206 = arith.cmpi ne, %sign3A_198, %sign3A_205 : i32
        %rem3A_207 = arith.remsi %scan3A_188, %jit3A_190 : i32
        %ne3A_208 = arith.constant 0 : i32
        %ne3A_209 = arith.cmpi ne, %rem3A_207, %ne3A_208 : i32
        %and3A_210 = arith.andi %ne3A_206, %ne3A_209 : i1
        %sub3A_211 = arith.constant 1 : i32
        %sub3A_212 = arith.subi %div3A_191, %sub3A_211 : i32
        %select_n3A_213 = arith.select %and3A_210, %sub3A_212, %div3A_191 : i32
        %jit3A_214 = arith.constant 4 : i32
        %eq3A = arith.constant 0 : i32
        %eq3A_215 = arith.cmpi eq, %jit3A_214, %eq3A : i32
        %jit3A_216 = arith.constant 1 : i32
        %select_n3A_217 = arith.select %eq3A_215, %jit3A_216, %jit3A_214 : i32
        %rem3A_218 = arith.remsi %scan3A_188, %select_n3A_217 : i32
        %ne3A_219 = arith.constant 0 : i32
        %ne3A_220 = arith.cmpi ne, %rem3A_218, %ne3A_219 : i32
        %lt3A = arith.constant 0 : i32
        %lt3A_221 = arith.cmpi slt, %rem3A_218, %lt3A : i32
        %lt3A_222 = arith.constant 0 : i32
        %lt3A_223 = arith.cmpi slt, %select_n3A_217, %lt3A_222 : i32
        %ne3A_224 = arith.xori %lt3A_221, %lt3A_223 : i1
        %and3A_225 = arith.andi %ne3A_224, %ne3A_220 : i1
        %add3A_226 = arith.addi %rem3A_218, %select_n3A_217 : i32
        %select_n3A_227 = arith.select %and3A_225, %add3A_226, %rem3A_218 : i32
        %mul3A_228 = arith.constant 16 : i32
        %mul3A_229 = arith.muli %select_n3A_227, %mul3A_228 : i32
        %get3A = arith.index_cast %select_n3A_213 : i32 to index
        %get3A_230 = arith.index_cast %mul3A_229 : i32 to index
        %get3A_231 = tpu.vector_load %arg12[%get3A, %get3A_230] {strides = array<i32>} : memref<64x128xf32, #tpu.memory_space<vmem>>, vector<1x16xf32>,
        %get3A_232 = vector.shape_cast %get3A_231 : vector<1x16xf32> to vector<16xf32>
        %add3A_233 = arith.constant 64 : i32
        %add3A_234 = arith.addi %add3A_233, %mul3A_229 : i32
        %get3A_235 = arith.index_cast %select_n3A_213 : i32 to index
        %get3A_236 = arith.index_cast %add3A_234 : i32 to index
        %get3A_237 = tpu.vector_load %arg12[%get3A_235, %get3A_236] {strides = array<i32>} : memref<64x128xf32, #tpu.memory_space<vmem>>, vector<1x16xf32>,
        %get3A_238 = vector.shape_cast %get3A_237 : vector<1x16xf32> to vector<16xf32>
        %get3A_239 = arith.index_cast %select_n3A_213 : i32 to index
        %get3A_240 = arith.index_cast %mul3A_229 : i32 to index
        %get3A_241 = tpu.vector_load %arg13[%get3A_239, %get3A_240] {strides = array<i32>} : memref<64x128xf32, #tpu.memory_space<vmem>>, vector<1x16xf32>,
        %get3A_242 = vector.shape_cast %get3A_241 : vector<1x16xf32> to vector<16xf32>
        %get3A_243 = arith.constant 0 : i32
        %get3A_244 = arith.index_cast %select_n3A_213 : i32 to index
        %get3A_245 = arith.index_cast %get3A_243 : i32 to index
        %get3A_246 = arith.index_cast %mul3A_229 : i32 to index
        %get3A_247 = tpu.vector_load %arg14[%get3A_244, %get3A_245, %get3A_246] {strides = array<i32>} : memref<64x1x64xf32, #tpu.memory_space<vmem>>, vector<1x1x16xf32>,
        %get3A_248 = vector.shape_cast %get3A_247 : vector<1x1x16xf32> to vector<16xf32>
        %get3A_249 = arith.constant 0 : i32
        %get3A_250 = arith.index_cast %select_n3A_213 : i32 to index
        %get3A_251 = arith.index_cast %get3A_249 : i32 to index
        %get3A_252 = arith.index_cast %mul3A_229 : i32 to index
        %get3A_253 = tpu.vector_load %arg15[%get3A_250, %get3A_251, %get3A_252] {strides = array<i32>} : memref<64x1x64xf32, #tpu.memory_space<vmem>>, vector<1x1x16xf32>,
        %get3A_254 = vector.shape_cast %get3A_253 : vector<1x1x16xf32> to vector<16xf32>
        %add3A_255 = arith.addf %get3A_232, %get3A_242 : vector<16xf32>
        %add3A_256 = arith.addf %add3A_255, %get3A_248 : vector<16xf32>
        %neg3A = arith.constant 0.000000e+00 : f32
        %neg3A_257 = vector.broadcast %neg3A : f32 to vector<16xf32>
        %neg3A_258 = arith.subf %neg3A_257, %add3A_256 : vector<16xf32>
        %exp3A = math.exp %neg3A_258 : vector<16xf32>
        %add3A_259 = arith.constant 1.000000e+00 : f32
        %add3A_260 = vector.broadcast %add3A_259 : f32 to vector<16xf32>
        %add3A_261 = arith.addf %add3A_260, %exp3A : vector<16xf32>
        %div3A_262 = arith.constant 1.000000e+00 : f32
        %div3A_263 = vector.broadcast %div3A_262 : f32 to vector<16xf32>
        %div3A_264 = arith.divf %div3A_263, %add3A_261 : vector<16xf32>
        %mul3A_265 = arith.mulf %get3A_238, %div3A_264 : vector<16xf32>
        %swap3A = arith.index_cast %select_n3A_213 : i32 to index
        %swap3A_266 = arith.index_cast %mul3A_229 : i32 to index
        %swap3A_267 = tpu.vector_load %arg16[%swap3A, %swap3A_266] {strides = array<i32>} : memref<64x128xf32, #tpu.memory_space<vmem>>, vector<1x16xf32>,
        %swap3A_268 = vector.shape_cast %swap3A_267 : vector<1x16xf32> to vector<16xf32>
        %swap3A_269 = vector.shape_cast %mul3A_265 : vector<16xf32> to vector<1x16xf32>
        tpu.vector_store %arg16[%swap3A, %swap3A_266], %swap3A_269 {strides = array<i32>} : memref<64x128xf32, #tpu.memory_space<vmem>>, vector<1x16xf32>,
        %add3A_270 = arith.constant 64 : i32
        %add3A_271 = arith.addi %add3A_270, %mul3A_229 : i32
        %swap3A_272 = arith.index_cast %select_n3A_213 : i32 to index
        %swap3A_273 = arith.index_cast %add3A_271 : i32 to index
        %swap3A_274 = tpu.vector_load %arg16[%swap3A_272, %swap3A_273] {strides = array<i32>} : memref<64x128xf32, #tpu.memory_space<vmem>>, vector<1x16xf32>,
        %swap3A_275 = vector.shape_cast %swap3A_274 : vector<1x16xf32> to vector<16xf32>
        %swap3A_276 = vector.shape_cast %div3A_264 : vector<16xf32> to vector<1x16xf32>
        tpu.vector_store %arg16[%swap3A_272, %swap3A_273], %swap3A_276 {strides = array<i32>} : memref<64x128xf32, #tpu.memory_space<vmem>>, vector<1x16xf32>,
        %max3A = arith.constant 0.000000e+00 : f32
        %max3A_277 = vector.broadcast %max3A : f32 to vector<16xf32>
        %max3A_278 = arith.maximumf %add3A_256, %max3A_277 : vector<16xf32>
        %add3A_279 = arith.addf %get3A_254, %max3A_278 : vector<16xf32>
        %swap3A_280 = arith.constant 0 : i32
        %swap3A_281 = arith.index_cast %select_n3A_213 : i32 to index
        %swap3A_282 = arith.index_cast %swap3A_280 : i32 to index
        %swap3A_283 = arith.index_cast %mul3A_229 : i32 to index
        %swap3A_284 = tpu.vector_load %arg15[%swap3A_281, %swap3A_282, %swap3A_283] {strides = array<i32>} : memref<64x1x64xf32, #tpu.memory_space<vmem>>, vector<1x1x16xf32>,
        %swap3A_285 = vector.shape_cast %swap3A_284 : vector<1x1x16xf32> to vector<16xf32>
        %swap3A_286 = vector.shape_cast %add3A_279 : vector<16xf32> to vector<1x1x16xf32>
        tpu.vector_store %arg15[%swap3A_281, %swap3A_282, %swap3A_283], %swap3A_286 {strides = array<i32>} : memref<64x1x64xf32, #tpu.memory_space<vmem>>, vector<1x1x16xf32>,
        %scan3A_287 = arith.constant 0 : i32
        scf.yield %scan3A_287 : i32
      }
      %scan3A_186 = arith.constant 256 : i32
      "tpu.region"() ({
        %run_scoped3A = tpu.sem_alloc : memref<!tpu.dma_semaphore, #tpu.memory_space<semaphore_mem>>
        %dma_start3A_188 = arith.constant 0 : i32
        %dma_start3A_189 = tpu.memref_slice %arg8[%mul3A_155, %add3A_53, %dma_start3A_188] : memref<160000x4x64xf32, #tpu.memory_space<hbm>> -> memref<64x1x64xf32, #tpu.memory_space<hbm>>
        %dma_start3A_190 = arith.constant 0 : i32
        %dma_start3A_191 = tpu.memref_slice %arg8[%mul3A_155, %add3A_53, %dma_start3A_190] : memref<160000x4x64xf32, #tpu.memory_space<hbm>> -> memref<64x1x64xf32, #tpu.memory_space<hbm>>
        tpu.enqueue_dma source(%arg15 : memref<64x1x64xf32, #tpu.memory_space<vmem>>) target(%dma_start3A_191 : memref<64x1x64xf32, #tpu.memory_space<hbm>>) target_semaphore(%run_scoped3A : memref<!tpu.dma_semaphore, #tpu.memory_space<semaphore_mem>>)
        %dma_wait3A_192 = arith.constant 0 : i32
        %dma_wait3A_193 = tpu.memref_slice %arg8[%mul3A_155, %add3A_53, %dma_wait3A_192] : memref<160000x4x64xf32, #tpu.memory_space<hbm>> -> memref<64x1x64xf32, #tpu.memory_space<hbm>>
        %dma_wait3A_194 = arith.constant 0 : i32
        %dma_wait3A_195 = tpu.memref_slice %arg8[%mul3A_155, %add3A_53, %dma_wait3A_194] : memref<160000x4x64xf32, #tpu.memory_space<hbm>> -> memref<64x1x64xf32, #tpu.memory_space<hbm>>
        tpu.wait_dma2 semaphore(%run_scoped3A : memref<!tpu.dma_semaphore, #tpu.memory_space<semaphore_mem>>) src(%arg15 : memref<64x1x64xf32, #tpu.memory_space<vmem>>) dst(%dma_wait3A_195 : memref<64x1x64xf32, #tpu.memory_space<hbm>>)
        tpu.yield
      }) : () -> ()
      "tpu.region"() ({
        %run_scoped3A = tpu.sem_alloc : memref<!tpu.dma_semaphore, #tpu.memory_space<semaphore_mem>>
        %dma_start3A_188 = arith.constant 0 : i32
        %dma_start3A_189 = arith.constant 0 : i32
        %dma_start3A_190 = tpu.memref_slice %arg17[%dma_start3A_188, %dma_start3A_189] : memref<10000x128xf32, #tpu.memory_space<vmem_shared>> -> memref<10000x128xf32, #tpu.memory_space<vmem_shared>>
        tpu.enqueue_indirect_dma source(%arg16 : memref<64x128xf32, #tpu.memory_space<vmem>>) target(%dma_start3A_190 : memref<10000x128xf32, #tpu.memory_space<vmem_shared>>) offsets(%arg11 : memref<64xi32, #tpu.memory_space<vmem>>) semaphore(%run_scoped3A : memref<!tpu.dma_semaphore, #tpu.memory_space<semaphore_mem>>) {add = true}
        %dma_wait3A_191 = arith.constant 0 : i32
        %dma_wait3A_192 = arith.constant 0 : i32
        %dma_wait3A_193 = tpu.memref_slice %arg17[%dma_wait3A_191, %dma_wait3A_192] : memref<10000x128xf32, #tpu.memory_space<vmem_shared>> -> memref<10000x128xf32, #tpu.memory_space<vmem_shared>>
        tpu.wait_indirect_dma semaphore(%run_scoped3A : memref<!tpu.dma_semaphore, #tpu.memory_space<semaphore_mem>>) src(%arg16 : memref<64x128xf32, #tpu.memory_space<vmem>>) dst(%dma_wait3A_193 : memref<10000x128xf32, #tpu.memory_space<vmem_shared>>)
        tpu.yield
      }) : () -> ()
      %while3A_187 = arith.constant 0 : i32
      scf.yield %while3A_187 : i32
    }
    %barrier3A_85 = arith.constant 0 : index
    tpu.barrier barrier_id(%barrier3A_85)
    %while3A_86 = arith.constant 0 : i32
    %while3A_87 = arith.constant 0 : i32
    %while3A_88 = arith.subi %select_n3A, %while3A_86 : i32
    %while3A_89 = arith.addi %while3A_86, %while3A_88 : i32
    %while3A_90 = arith.constant 1 : i32
    %while3A_91 = arith.divsi %while3A_88, %while3A_90 : i32
    %while3A_92 = arith.muli %while3A_91, %while3A_90 : i32
    %while3A_93 = arith.addi %while3A_86, %while3A_92 : i32
    %while3A_94 = arith.constant 1 : i32
    %while3A_95 = scf.for %while3A_149 = %while3A_86 to %while3A_93 step %while3A_94 iter_args(%while3A_150 = %while3A_87) -> (i32)  : i32 {
      %mul3A_151 = arith.constant 16 : i32
      %mul3A_152 = arith.muli %while3A_149, %mul3A_151 : i32
      %add3A_153 = arith.addi %arg1, %mul3A_152 : i32
      %mul3A_154 = arith.constant 40 : i32
      %mul3A_155 = arith.muli %add3A_153, %mul3A_154 : i32
      %add3A_156 = arith.addi %mul3A_55, %mul3A_155 : i32
      "tpu.region"() ({
        %run_scoped3A = tpu.sem_alloc : memref<!tpu.dma_semaphore, #tpu.memory_space<semaphore_mem>>
        %dma_start3A = arith.constant 0 : i32
        %dma_start3A_158 = tpu.memref_slice %arg9[%add3A_156, %dma_start3A] : memref<40000x128xf32, #tpu.memory_space<hbm>> -> memref<40x128xf32, #tpu.memory_space<hbm>>
        %dma_start3A_159 = arith.constant 0 : i32
        %dma_start3A_160 = tpu.memref_slice %arg17[%mul3A_155, %dma_start3A_159] : memref<10000x128xf32, #tpu.memory_space<vmem_shared>> -> memref<40x128xf32, #tpu.memory_space<vmem_shared>>
        tpu.enqueue_dma source(%dma_start3A_160 : memref<40x128xf32, #tpu.memory_space<vmem_shared>>) target(%dma_start3A_158 : memref<40x128xf32, #tpu.memory_space<hbm>>) target_semaphore(%run_scoped3A : memref<!tpu.dma_semaphore, #tpu.memory_space<semaphore_mem>>)
        %dma_wait3A = arith.constant 0 : i32
        %dma_wait3A_161 = tpu.memref_slice %arg9[%add3A_156, %dma_wait3A] : memref<40000x128xf32, #tpu.memory_space<hbm>> -> memref<40x128xf32, #tpu.memory_space<hbm>>
        %dma_wait3A_162 = arith.constant 0 : i32
        %dma_wait3A_163 = tpu.memref_slice %arg17[%mul3A_155, %dma_wait3A_162] : memref<10000x128xf32, #tpu.memory_space<vmem_shared>> -> memref<40x128xf32, #tpu.memory_space<vmem_shared>>
        tpu.wait_dma2 semaphore(%run_scoped3A : memref<!tpu.dma_semaphore, #tpu.memory_space<semaphore_mem>>) src(%dma_wait3A_163 : memref<40x128xf32, #tpu.memory_space<vmem_shared>>) dst(%dma_wait3A_161 : memref<40x128xf32, #tpu.memory_space<hbm>>)
        tpu.yield
      }) : () -> ()
      %while3A_157 = arith.constant 0 : i32
      scf.yield %while3A_157 : i32
    }
    %while3A_96 = arith.constant 1 : i32
    %while3A_97 = scf.for %while3A_149 = %while3A_93 to %while3A_89 step %while3A_96 iter_args(%while3A_150 = %while3A_95) -> (i32)  : i32 {
      %mul3A_151 = arith.constant 16 : i32
      %mul3A_152 = arith.muli %while3A_149, %mul3A_151 : i32
      %add3A_153 = arith.addi %arg1, %mul3A_152 : i32
      %mul3A_154 = arith.constant 40 : i32
      %mul3A_155 = arith.muli %add3A_153, %mul3A_154 : i32
      %add3A_156 = arith.addi %mul3A_55, %mul3A_155 : i32
      "tpu.region"() ({
        %run_scoped3A = tpu.sem_alloc : memref<!tpu.dma_semaphore, #tpu.memory_space<semaphore_mem>>
        %dma_start3A = arith.constant 0 : i32
        %dma_start3A_158 = tpu.memref_slice %arg9[%add3A_156, %dma_start3A] : memref<40000x128xf32, #tpu.memory_space<hbm>> -> memref<40x128xf32, #tpu.memory_space<hbm>>
        %dma_start3A_159 = arith.constant 0 : i32
        %dma_start3A_160 = tpu.memref_slice %arg17[%mul3A_155, %dma_start3A_159] : memref<10000x128xf32, #tpu.memory_space<vmem_shared>> -> memref<40x128xf32, #tpu.memory_space<vmem_shared>>
        tpu.enqueue_dma source(%dma_start3A_160 : memref<40x128xf32, #tpu.memory_space<vmem_shared>>) target(%dma_start3A_158 : memref<40x128xf32, #tpu.memory_space<hbm>>) target_semaphore(%run_scoped3A : memref<!tpu.dma_semaphore, #tpu.memory_space<semaphore_mem>>)
        %dma_wait3A = arith.constant 0 : i32
        %dma_wait3A_161 = tpu.memref_slice %arg9[%add3A_156, %dma_wait3A] : memref<40000x128xf32, #tpu.memory_space<hbm>> -> memref<40x128xf32, #tpu.memory_space<hbm>>
        %dma_wait3A_162 = arith.constant 0 : i32
        %dma_wait3A_163 = tpu.memref_slice %arg17[%mul3A_155, %dma_wait3A_162] : memref<10000x128xf32, #tpu.memory_space<vmem_shared>> -> memref<40x128xf32, #tpu.memory_space<vmem_shared>>
        tpu.wait_dma2 semaphore(%run_scoped3A : memref<!tpu.dma_semaphore, #tpu.memory_space<semaphore_mem>>) src(%dma_wait3A_163 : memref<40x128xf32, #tpu.memory_space<vmem_shared>>) dst(%dma_wait3A_161 : memref<40x128xf32, #tpu.memory_space<hbm>>)
        tpu.yield
      }) : () -> ()
      %while3A_157 = arith.constant 0 : i32
      scf.yield %while3A_157 : i32
    }
    %mul3A_98 = arith.constant 2 : i32
    %mul3A_99 = arith.muli %mul3A_98, %arg0 : i32
    %add3A_100 = arith.constant 1 : i32
    %add3A_101 = arith.addi %mul3A_99, %add3A_100 : i32
    %mul3A_102 = arith.constant 10000 : i32
    %mul3A_103 = arith.muli %add3A_101, %mul3A_102 : i32
    %scan3A_104 = arith.constant 0 : i32
    %scan3A_105 = arith.constant 0 : i32
    %scan3A_106 = arith.constant 512 : i32
    %scan3A_107 = arith.addi %scan3A_105, %scan3A_106 : i32
    %scan3A_108 = arith.constant 1 : i32
    %scan3A_109 = scf.for %scan3A_149 = %scan3A_105 to %scan3A_107 step %scan3A_108 iter_args(%scan3A_150 = %scan3A_104) -> (i32)  : i32 {
      %jit3A_151 = arith.constant 8 : i32
      %div3A_152 = arith.divsi %scan3A_149, %jit3A_151 : i32
      %sign3A_153 = arith.constant 0 : i32
      %sign3A_154 = arith.cmpi sgt, %scan3A_149, %sign3A_153 : i32
      %sign3A_155 = arith.extui %sign3A_154 : i1 to i32
      %sign3A_156 = arith.constant 0 : i32
      %sign3A_157 = arith.cmpi slt, %scan3A_149, %sign3A_156 : i32
      %sign3A_158 = arith.extui %sign3A_157 : i1 to i32
      %sign3A_159 = arith.subi %sign3A_155, %sign3A_158 : i32
      %sign3A_160 = arith.constant 0 : i32
      %sign3A_161 = arith.cmpi sgt, %jit3A_151, %sign3A_160 : i32
      %sign3A_162 = arith.extui %sign3A_161 : i1 to i32
      %sign3A_163 = arith.constant 0 : i32
      %sign3A_164 = arith.cmpi slt, %jit3A_151, %sign3A_163 : i32
      %sign3A_165 = arith.extui %sign3A_164 : i1 to i32
      %sign3A_166 = arith.subi %sign3A_162, %sign3A_165 : i32
      %ne3A_167 = arith.cmpi ne, %sign3A_159, %sign3A_166 : i32
      %rem3A_168 = arith.remsi %scan3A_149, %jit3A_151 : i32
      %ne3A_169 = arith.constant 0 : i32
      %ne3A_170 = arith.cmpi ne, %rem3A_168, %ne3A_169 : i32
      %and3A_171 = arith.andi %ne3A_167, %ne3A_170 : i1
      %sub3A_172 = arith.constant 1 : i32
      %sub3A_173 = arith.subi %div3A_152, %sub3A_172 : i32
      %select_n3A_174 = arith.select %and3A_171, %sub3A_173, %div3A_152 : i32
      %jit3A_175 = arith.constant 8 : i32
      %eq3A = arith.constant 0 : i32
      %eq3A_176 = arith.cmpi eq, %jit3A_175, %eq3A : i32
      %jit3A_177 = arith.constant 1 : i32
      %select_n3A_178 = arith.select %eq3A_176, %jit3A_177, %jit3A_175 : i32
      %rem3A_179 = arith.remsi %scan3A_149, %select_n3A_178 : i32
      %ne3A_180 = arith.constant 0 : i32
      %ne3A_181 = arith.cmpi ne, %rem3A_179, %ne3A_180 : i32
      %lt3A = arith.constant 0 : i32
      %lt3A_182 = arith.cmpi slt, %rem3A_179, %lt3A : i32
      %lt3A_183 = arith.constant 0 : i32
      %lt3A_184 = arith.cmpi slt, %select_n3A_178, %lt3A_183 : i32
      %ne3A_185 = arith.xori %lt3A_182, %lt3A_184 : i1
      %and3A_186 = arith.andi %ne3A_185, %ne3A_181 : i1
      %add3A_187 = arith.addi %rem3A_179, %select_n3A_178 : i32
      %select_n3A_188 = arith.select %and3A_186, %add3A_187, %rem3A_179 : i32
      %mul3A_189 = arith.constant 16 : i32
      %mul3A_190 = arith.muli %select_n3A_188, %mul3A_189 : i32
      %broadcast_in_dim3A = arith.constant 0.000000e+00 : f32
      %broadcast_in_dim3A_191 = vector.broadcast %broadcast_in_dim3A : f32 to vector<16xf32>
      %swap3A = arith.index_cast %select_n3A_174 : i32 to index
      %swap3A_192 = arith.index_cast %mul3A_190 : i32 to index
      %swap3A_193 = tpu.vector_load %arg16[%swap3A, %swap3A_192] {strides = array<i32>} : memref<64x128xf32, #tpu.memory_space<vmem>>, vector<1x16xf32>,
      %swap3A_194 = vector.shape_cast %swap3A_193 : vector<1x16xf32> to vector<16xf32>
      %swap3A_195 = vector.shape_cast %broadcast_in_dim3A_191 : vector<16xf32> to vector<1x16xf32>
      tpu.vector_store %arg16[%swap3A, %swap3A_192], %swap3A_195 {strides = array<i32>} : memref<64x128xf32, #tpu.memory_space<vmem>>, vector<1x16xf32>,
      %scan3A_196 = arith.constant 0 : i32
      scf.yield %scan3A_196 : i32
    }
    %scan3A_110 = arith.constant 512 : i32
    %while3A_111 = arith.constant 0 : i32
    %while3A_112 = arith.constant 0 : i32
    %while3A_113 = arith.subi %select_n3A, %while3A_111 : i32
    %while3A_114 = arith.addi %while3A_111, %while3A_113 : i32
    %while3A_115 = arith.constant 1 : i32
    %while3A_116 = arith.divsi %while3A_113, %while3A_115 : i32
    %while3A_117 = arith.muli %while3A_116, %while3A_115 : i32
    %while3A_118 = arith.addi %while3A_111, %while3A_117 : i32
    %while3A_119 = arith.constant 1 : i32
    %while3A_120 = scf.for %while3A_149 = %while3A_111 to %while3A_118 step %while3A_119 iter_args(%while3A_150 = %while3A_112) -> (i32)  : i32 {
      %mul3A_151 = arith.constant 16 : i32
      %mul3A_152 = arith.muli %while3A_149, %mul3A_151 : i32
      %add3A_153 = arith.addi %arg1, %mul3A_152 : i32
      %mul3A_154 = arith.constant 40 : i32
      %mul3A_155 = arith.muli %add3A_153, %mul3A_154 : i32
      "tpu.region"() ({
        %run_scoped3A = tpu.sem_alloc : memref<!tpu.dma_semaphore, #tpu.memory_space<semaphore_mem>>
        %dma_start3A = arith.constant 0 : i32
        %dma_start3A_157 = arith.constant 0 : i32
        %dma_start3A_158 = tpu.memref_slice %arg16[%dma_start3A, %dma_start3A_157] : memref<64x128xf32, #tpu.memory_space<vmem>> -> memref<40x128xf32, #tpu.memory_space<vmem>>
        %dma_start3A_159 = arith.constant 0 : i32
        %dma_start3A_160 = tpu.memref_slice %arg17[%mul3A_155, %dma_start3A_159] : memref<10000x128xf32, #tpu.memory_space<vmem_shared>> -> memref<40x128xf32, #tpu.memory_space<vmem_shared>>
        %dma_start3A_161 = arith.constant 0 : i32
        %dma_start3A_162 = tpu.memref_slice %arg17[%mul3A_155, %dma_start3A_161] : memref<10000x128xf32, #tpu.memory_space<vmem_shared>> -> memref<40x128xf32, #tpu.memory_space<vmem_shared>>
        %dma_start3A_163 = arith.constant 0 : i32
        %dma_start3A_164 = arith.constant 0 : i32
        %dma_start3A_165 = tpu.memref_slice %arg16[%dma_start3A_163, %dma_start3A_164] : memref<64x128xf32, #tpu.memory_space<vmem>> -> memref<40x128xf32, #tpu.memory_space<vmem>>
        tpu.enqueue_dma source(%dma_start3A_165 : memref<40x128xf32, #tpu.memory_space<vmem>>) target(%dma_start3A_162 : memref<40x128xf32, #tpu.memory_space<vmem_shared>>) target_semaphore(%run_scoped3A : memref<!tpu.dma_semaphore, #tpu.memory_space<semaphore_mem>>)
        %dma_wait3A = arith.constant 0 : i32
        %dma_wait3A_166 = arith.constant 0 : i32
        %dma_wait3A_167 = tpu.memref_slice %arg16[%dma_wait3A, %dma_wait3A_166] : memref<64x128xf32, #tpu.memory_space<vmem>> -> memref<40x128xf32, #tpu.memory_space<vmem>>
        %dma_wait3A_168 = arith.constant 0 : i32
        %dma_wait3A_169 = tpu.memref_slice %arg17[%mul3A_155, %dma_wait3A_168] : memref<10000x128xf32, #tpu.memory_space<vmem_shared>> -> memref<40x128xf32, #tpu.memory_space<vmem_shared>>
        %dma_wait3A_170 = arith.constant 0 : i32
        %dma_wait3A_171 = tpu.memref_slice %arg17[%mul3A_155, %dma_wait3A_170] : memref<10000x128xf32, #tpu.memory_space<vmem_shared>> -> memref<40x128xf32, #tpu.memory_space<vmem_shared>>
        %dma_wait3A_172 = arith.constant 0 : i32
        %dma_wait3A_173 = arith.constant 0 : i32
        %dma_wait3A_174 = tpu.memref_slice %arg16[%dma_wait3A_172, %dma_wait3A_173] : memref<64x128xf32, #tpu.memory_space<vmem>> -> memref<40x128xf32, #tpu.memory_space<vmem>>
        tpu.wait_dma2 semaphore(%run_scoped3A : memref<!tpu.dma_semaphore, #tpu.memory_space<semaphore_mem>>) src(%dma_wait3A_174 : memref<40x128xf32, #tpu.memory_space<vmem>>) dst(%dma_wait3A_171 : memref<40x128xf32, #tpu.memory_space<vmem_shared>>)
        tpu.yield
      }) : () -> ()
      %while3A_156 = arith.constant 0 : i32
      scf.yield %while3A_156 : i32
    }
    %while3A_121 = arith.constant 1 : i32
    %while3A_122 = scf.for %while3A_149 = %while3A_118 to %while3A_114 step %while3A_121 iter_args(%while3A_150 = %while3A_120) -> (i32)  : i32 {
      %mul3A_151 = arith.constant 16 : i32
      %mul3A_152 = arith.muli %while3A_149, %mul3A_151 : i32
      %add3A_153 = arith.addi %arg1, %mul3A_152 : i32
      %mul3A_154 = arith.constant 40 : i32
      %mul3A_155 = arith.muli %add3A_153, %mul3A_154 : i32
      "tpu.region"() ({
        %run_scoped3A = tpu.sem_alloc : memref<!tpu.dma_semaphore, #tpu.memory_space<semaphore_mem>>
        %dma_start3A = arith.constant 0 : i32
        %dma_start3A_157 = arith.constant 0 : i32
        %dma_start3A_158 = tpu.memref_slice %arg16[%dma_start3A, %dma_start3A_157] : memref<64x128xf32, #tpu.memory_space<vmem>> -> memref<40x128xf32, #tpu.memory_space<vmem>>
        %dma_start3A_159 = arith.constant 0 : i32
        %dma_start3A_160 = tpu.memref_slice %arg17[%mul3A_155, %dma_start3A_159] : memref<10000x128xf32, #tpu.memory_space<vmem_shared>> -> memref<40x128xf32, #tpu.memory_space<vmem_shared>>
        %dma_start3A_161 = arith.constant 0 : i32
        %dma_start3A_162 = tpu.memref_slice %arg17[%mul3A_155, %dma_start3A_161] : memref<10000x128xf32, #tpu.memory_space<vmem_shared>> -> memref<40x128xf32, #tpu.memory_space<vmem_shared>>
        %dma_start3A_163 = arith.constant 0 : i32
        %dma_start3A_164 = arith.constant 0 : i32
        %dma_start3A_165 = tpu.memref_slice %arg16[%dma_start3A_163, %dma_start3A_164] : memref<64x128xf32, #tpu.memory_space<vmem>> -> memref<40x128xf32, #tpu.memory_space<vmem>>
        tpu.enqueue_dma source(%dma_start3A_165 : memref<40x128xf32, #tpu.memory_space<vmem>>) target(%dma_start3A_162 : memref<40x128xf32, #tpu.memory_space<vmem_shared>>) target_semaphore(%run_scoped3A : memref<!tpu.dma_semaphore, #tpu.memory_space<semaphore_mem>>)
        %dma_wait3A = arith.constant 0 : i32
        %dma_wait3A_166 = arith.constant 0 : i32
        %dma_wait3A_167 = tpu.memref_slice %arg16[%dma_wait3A, %dma_wait3A_166] : memref<64x128xf32, #tpu.memory_space<vmem>> -> memref<40x128xf32, #tpu.memory_space<vmem>>
        %dma_wait3A_168 = arith.constant 0 : i32
        %dma_wait3A_169 = tpu.memref_slice %arg17[%mul3A_155, %dma_wait3A_168] : memref<10000x128xf32, #tpu.memory_space<vmem_shared>> -> memref<40x128xf32, #tpu.memory_space<vmem_shared>>
        %dma_wait3A_170 = arith.constant 0 : i32
        %dma_wait3A_171 = tpu.memref_slice %arg17[%mul3A_155, %dma_wait3A_170] : memref<10000x128xf32, #tpu.memory_space<vmem_shared>> -> memref<40x128xf32, #tpu.memory_space<vmem_shared>>
        %dma_wait3A_172 = arith.constant 0 : i32
        %dma_wait3A_173 = arith.constant 0 : i32
        %dma_wait3A_174 = tpu.memref_slice %arg16[%dma_wait3A_172, %dma_wait3A_173] : memref<64x128xf32, #tpu.memory_space<vmem>> -> memref<40x128xf32, #tpu.memory_space<vmem>>
        tpu.wait_dma2 semaphore(%run_scoped3A : memref<!tpu.dma_semaphore, #tpu.memory_space<semaphore_mem>>) src(%dma_wait3A_174 : memref<40x128xf32, #tpu.memory_space<vmem>>) dst(%dma_wait3A_171 : memref<40x128xf32, #tpu.memory_space<vmem_shared>>)
        tpu.yield
      }) : () -> ()
      %while3A_156 = arith.constant 0 : i32
      scf.yield %while3A_156 : i32
    }
    %barrier3A_123 = arith.constant 0 : index
    tpu.barrier barrier_id(%barrier3A_123)
    %while3A_124 = arith.constant 0 : i32
    %while3A_125 = arith.constant 0 : i32
    %while3A_126 = arith.subi %select_n3A_50, %while3A_124 : i32
    %while3A_127 = arith.addi %while3A_124, %while3A_126 : i32
    %while3A_128 = arith.constant 1 : i32
    %while3A_129 = arith.divsi %while3A_126, %while3A_128 : i32
    %while3A_130 = arith.muli %while3A_129, %while3A_128 : i32
    %while3A_131 = arith.addi %while3A_124, %while3A_130 : i32
    %while3A_132 = arith.constant 1 : i32
    %while3A_133 = scf.for %while3A_149 = %while3A_124 to %while3A_131 step %while3A_132 iter_args(%while3A_150 = %while3A_125) -> (i32)  : i32 {
      %mul3A_151 = arith.constant 16 : i32
      %mul3A_152 = arith.muli %while3A_149, %mul3A_151 : i32
      %add3A_153 = arith.addi %arg1, %mul3A_152 : i32
      %mul3A_154 = arith.constant 64 : i32
      %mul3A_155 = arith.muli %add3A_153, %mul3A_154 : i32
      "tpu.region"() ({
        %run_scoped3A = tpu.sem_alloc : memref<!tpu.dma_semaphore, #tpu.memory_space<semaphore_mem>>
        %dma_start3A_188 = tpu.memref_slice %arg6[%mul3A_155] : memref<160000xi32, #tpu.memory_space<hbm>> -> memref<64xi32, #tpu.memory_space<hbm>>
        %dma_start3A_189 = tpu.memref_slice %arg6[%mul3A_155] : memref<160000xi32, #tpu.memory_space<hbm>> -> memref<64xi32, #tpu.memory_space<hbm>>
        tpu.enqueue_dma source(%dma_start3A_189 : memref<64xi32, #tpu.memory_space<hbm>>) target(%arg10 : memref<64xi32, #tpu.memory_space<vmem>>) target_semaphore(%run_scoped3A : memref<!tpu.dma_semaphore, #tpu.memory_space<semaphore_mem>>)
        %dma_wait3A_190 = tpu.memref_slice %arg6[%mul3A_155] : memref<160000xi32, #tpu.memory_space<hbm>> -> memref<64xi32, #tpu.memory_space<hbm>>
        %dma_wait3A_191 = tpu.memref_slice %arg6[%mul3A_155] : memref<160000xi32, #tpu.memory_space<hbm>> -> memref<64xi32, #tpu.memory_space<hbm>>
        tpu.wait_dma2 semaphore(%run_scoped3A : memref<!tpu.dma_semaphore, #tpu.memory_space<semaphore_mem>>) src(%dma_wait3A_191 : memref<64xi32, #tpu.memory_space<hbm>>) dst(%arg10 : memref<64xi32, #tpu.memory_space<vmem>>)
        tpu.yield
      }) : () -> ()
      %scan3A_156 = arith.constant 0 : i32
      %scan3A_157 = arith.constant 0 : i32
      %scan3A_158 = arith.constant 4 : i32
      %scan3A_159 = arith.addi %scan3A_157, %scan3A_158 : i32
      %scan3A_160 = arith.constant 1 : i32
      %scan3A_161 = scf.for %scan3A_188 = %scan3A_157 to %scan3A_159 step %scan3A_160 iter_args(%scan3A_189 = %scan3A_156) -> (i32)  : i32 {
        %mul3A_190 = arith.constant 16 : i32
        %mul3A_191 = arith.muli %scan3A_188, %mul3A_190 : i32
        %get3A = arith.index_cast %mul3A_191 : i32 to index
        %get3A_192 = tpu.vector_load %arg10[%get3A] {strides = array<i32>} : memref<64xi32, #tpu.memory_space<vmem>>, vector<16xi32>,
        %get3A_193 = vector.shape_cast %get3A_192 : vector<16xi32> to vector<16xi32>
        %add3A_194 = vector.broadcast %mul3A_103 : i32 to vector<16xi32>
        %add3A_195 = arith.addi %get3A_193, %add3A_194 : vector<16xi32>
        %mul3A_196 = arith.constant 16 : i32
        %mul3A_197 = arith.muli %scan3A_188, %mul3A_196 : i32
        %swap3A = arith.index_cast %mul3A_197 : i32 to index
        %swap3A_198 = tpu.vector_load %arg10[%swap3A] {strides = array<i32>} : memref<64xi32, #tpu.memory_space<vmem>>, vector<16xi32>,
        %swap3A_199 = vector.shape_cast %swap3A_198 : vector<16xi32> to vector<16xi32>
        %swap3A_200 = vector.shape_cast %add3A_195 : vector<16xi32> to vector<16xi32>
        tpu.vector_store %arg10[%swap3A], %swap3A_200 {strides = array<i32>} : memref<64xi32, #tpu.memory_space<vmem>>, vector<16xi32>,
        %scan3A_201 = arith.constant 0 : i32
        scf.yield %scan3A_201 : i32
      }
      %scan3A_162 = arith.constant 4 : i32
      %dma_start3A = arith.constant 0 : i32
      %dma_start3A_163 = arith.constant 0 : i32
      %dma_start3A_164 = tpu.memref_slice %arg2[%dma_start3A, %dma_start3A_163] : memref<40000x128xf32, #tpu.memory_space<hbm>> -> memref<40000x128xf32, #tpu.memory_space<hbm>>
      tpu.enqueue_indirect_dma source(%dma_start3A_164 : memref<40000x128xf32, #tpu.memory_space<hbm>>) target(%arg12 : memref<64x128xf32, #tpu.memory_space<vmem>>) offsets(%arg10 : memref<64xi32, #tpu.memory_space<vmem>>) semaphore(%arg18 : memref<!tpu.dma_semaphore, #tpu.memory_space<semaphore_mem>>)
      %dma_wait3A = arith.constant 0 : i32
      %dma_wait3A_165 = arith.constant 0 : i32
      %dma_wait3A_166 = tpu.memref_slice %arg2[%dma_wait3A, %dma_wait3A_165] : memref<40000x128xf32, #tpu.memory_space<hbm>> -> memref<40000x128xf32, #tpu.memory_space<hbm>>
      tpu.wait_indirect_dma semaphore(%arg18 : memref<!tpu.dma_semaphore, #tpu.memory_space<semaphore_mem>>) src(%dma_wait3A_166 : memref<40000x128xf32, #tpu.memory_space<hbm>>) dst(%arg12 : memref<64x128xf32, #tpu.memory_space<vmem>>)
      "tpu.region"() ({
        %run_scoped3A = tpu.sem_alloc : memref<!tpu.dma_semaphore, #tpu.memory_space<semaphore_mem>>
        %dma_start3A_188 = tpu.memref_slice %arg7[%mul3A_155] : memref<160000xi32, #tpu.memory_space<hbm>> -> memref<64xi32, #tpu.memory_space<hbm>>
        %dma_start3A_189 = tpu.memref_slice %arg7[%mul3A_155] : memref<160000xi32, #tpu.memory_space<hbm>> -> memref<64xi32, #tpu.memory_space<hbm>>
        tpu.enqueue_dma source(%dma_start3A_189 : memref<64xi32, #tpu.memory_space<hbm>>) target(%arg11 : memref<64xi32, #tpu.memory_space<vmem>>) target_semaphore(%run_scoped3A : memref<!tpu.dma_semaphore, #tpu.memory_space<semaphore_mem>>)
        %dma_wait3A_190 = tpu.memref_slice %arg7[%mul3A_155] : memref<160000xi32, #tpu.memory_space<hbm>> -> memref<64xi32, #tpu.memory_space<hbm>>
        %dma_wait3A_191 = tpu.memref_slice %arg7[%mul3A_155] : memref<160000xi32, #tpu.memory_space<hbm>> -> memref<64xi32, #tpu.memory_space<hbm>>
        tpu.wait_dma2 semaphore(%run_scoped3A : memref<!tpu.dma_semaphore, #tpu.memory_space<semaphore_mem>>) src(%dma_wait3A_191 : memref<64xi32, #tpu.memory_space<hbm>>) dst(%arg11 : memref<64xi32, #tpu.memory_space<vmem>>)
        tpu.yield
      }) : () -> ()
      %scan3A_167 = arith.constant 0 : i32
      %scan3A_168 = arith.constant 0 : i32
      %scan3A_169 = arith.constant 4 : i32
      %scan3A_170 = arith.addi %scan3A_168, %scan3A_169 : i32
      %scan3A_171 = arith.constant 1 : i32
      %scan3A_172 = scf.for %scan3A_188 = %scan3A_168 to %scan3A_170 step %scan3A_171 iter_args(%scan3A_189 = %scan3A_167) -> (i32)  : i32 {
        %mul3A_190 = arith.constant 16 : i32
        %mul3A_191 = arith.muli %scan3A_188, %mul3A_190 : i32
        %get3A = arith.index_cast %mul3A_191 : i32 to index
        %get3A_192 = tpu.vector_load %arg11[%get3A] {strides = array<i32>} : memref<64xi32, #tpu.memory_space<vmem>>, vector<16xi32>,
        %get3A_193 = vector.shape_cast %get3A_192 : vector<16xi32> to vector<16xi32>
        %add3A_194 = vector.broadcast %mul3A_103 : i32 to vector<16xi32>
        %add3A_195 = arith.addi %get3A_193, %add3A_194 : vector<16xi32>
        %mul3A_196 = arith.constant 16 : i32
        %mul3A_197 = arith.muli %scan3A_188, %mul3A_196 : i32
        %swap3A = arith.index_cast %mul3A_197 : i32 to index
        %swap3A_198 = tpu.vector_load %arg10[%swap3A] {strides = array<i32>} : memref<64xi32, #tpu.memory_space<vmem>>, vector<16xi32>,
        %swap3A_199 = vector.shape_cast %swap3A_198 : vector<16xi32> to vector<16xi32>
        %swap3A_200 = vector.shape_cast %add3A_195 : vector<16xi32> to vector<16xi32>
        tpu.vector_store %arg10[%swap3A], %swap3A_200 {strides = array<i32>} : memref<64xi32, #tpu.memory_space<vmem>>, vector<16xi32>,
        %scan3A_201 = arith.constant 0 : i32
        scf.yield %scan3A_201 : i32
      }
      %scan3A_173 = arith.constant 4 : i32
      %dma_start3A_174 = arith.constant 0 : i32
      %dma_start3A_175 = arith.constant 0 : i32
      %dma_start3A_176 = tpu.memref_slice %arg3[%dma_start3A_174, %dma_start3A_175] : memref<40000x128xf32, #tpu.memory_space<hbm>> -> memref<40000x128xf32, #tpu.memory_space<hbm>>
      tpu.enqueue_indirect_dma source(%dma_start3A_176 : memref<40000x128xf32, #tpu.memory_space<hbm>>) target(%arg13 : memref<64x128xf32, #tpu.memory_space<vmem>>) offsets(%arg10 : memref<64xi32, #tpu.memory_space<vmem>>) semaphore(%arg18 : memref<!tpu.dma_semaphore, #tpu.memory_space<semaphore_mem>>)
      %dma_wait3A_177 = arith.constant 0 : i32
      %dma_wait3A_178 = arith.constant 0 : i32
      %dma_wait3A_179 = tpu.memref_slice %arg3[%dma_wait3A_177, %dma_wait3A_178] : memref<40000x128xf32, #tpu.memory_space<hbm>> -> memref<40000x128xf32, #tpu.memory_space<hbm>>
      tpu.wait_indirect_dma semaphore(%arg18 : memref<!tpu.dma_semaphore, #tpu.memory_space<semaphore_mem>>) src(%dma_wait3A_179 : memref<40000x128xf32, #tpu.memory_space<hbm>>) dst(%arg13 : memref<64x128xf32, #tpu.memory_space<vmem>>)
      "tpu.region"() ({
        %run_scoped3A = tpu.sem_alloc : memref<!tpu.dma_semaphore, #tpu.memory_space<semaphore_mem>>
        %dma_start3A_188 = arith.constant 0 : i32
        %dma_start3A_189 = tpu.memref_slice %arg4[%mul3A_155, %add3A_101, %dma_start3A_188] : memref<160000x4x64xf32, #tpu.memory_space<hbm>> -> memref<64x1x64xf32, #tpu.memory_space<hbm>>
        %dma_start3A_190 = arith.constant 0 : i32
        %dma_start3A_191 = tpu.memref_slice %arg4[%mul3A_155, %add3A_101, %dma_start3A_190] : memref<160000x4x64xf32, #tpu.memory_space<hbm>> -> memref<64x1x64xf32, #tpu.memory_space<hbm>>
        tpu.enqueue_dma source(%dma_start3A_191 : memref<64x1x64xf32, #tpu.memory_space<hbm>>) target(%arg14 : memref<64x1x64xf32, #tpu.memory_space<vmem>>) target_semaphore(%run_scoped3A : memref<!tpu.dma_semaphore, #tpu.memory_space<semaphore_mem>>)
        %dma_wait3A_192 = arith.constant 0 : i32
        %dma_wait3A_193 = tpu.memref_slice %arg4[%mul3A_155, %add3A_101, %dma_wait3A_192] : memref<160000x4x64xf32, #tpu.memory_space<hbm>> -> memref<64x1x64xf32, #tpu.memory_space<hbm>>
        %dma_wait3A_194 = arith.constant 0 : i32
        %dma_wait3A_195 = tpu.memref_slice %arg4[%mul3A_155, %add3A_101, %dma_wait3A_194] : memref<160000x4x64xf32, #tpu.memory_space<hbm>> -> memref<64x1x64xf32, #tpu.memory_space<hbm>>
        tpu.wait_dma2 semaphore(%run_scoped3A : memref<!tpu.dma_semaphore, #tpu.memory_space<semaphore_mem>>) src(%dma_wait3A_195 : memref<64x1x64xf32, #tpu.memory_space<hbm>>) dst(%arg14 : memref<64x1x64xf32, #tpu.memory_space<vmem>>)
        tpu.yield
      }) : () -> ()
      "tpu.region"() ({
        %run_scoped3A = tpu.sem_alloc : memref<!tpu.dma_semaphore, #tpu.memory_space<semaphore_mem>>
        %dma_start3A_188 = arith.constant 0 : i32
        %dma_start3A_189 = tpu.memref_slice %arg5[%mul3A_155, %add3A_101, %dma_start3A_188] : memref<160000x4x64xf32, #tpu.memory_space<hbm>> -> memref<64x1x64xf32, #tpu.memory_space<hbm>>
        %dma_start3A_190 = arith.constant 0 : i32
        %dma_start3A_191 = tpu.memref_slice %arg5[%mul3A_155, %add3A_101, %dma_start3A_190] : memref<160000x4x64xf32, #tpu.memory_space<hbm>> -> memref<64x1x64xf32, #tpu.memory_space<hbm>>
        tpu.enqueue_dma source(%dma_start3A_191 : memref<64x1x64xf32, #tpu.memory_space<hbm>>) target(%arg15 : memref<64x1x64xf32, #tpu.memory_space<vmem>>) target_semaphore(%run_scoped3A : memref<!tpu.dma_semaphore, #tpu.memory_space<semaphore_mem>>)
        %dma_wait3A_192 = arith.constant 0 : i32
        %dma_wait3A_193 = tpu.memref_slice %arg5[%mul3A_155, %add3A_101, %dma_wait3A_192] : memref<160000x4x64xf32, #tpu.memory_space<hbm>> -> memref<64x1x64xf32, #tpu.memory_space<hbm>>
        %dma_wait3A_194 = arith.constant 0 : i32
        %dma_wait3A_195 = tpu.memref_slice %arg5[%mul3A_155, %add3A_101, %dma_wait3A_194] : memref<160000x4x64xf32, #tpu.memory_space<hbm>> -> memref<64x1x64xf32, #tpu.memory_space<hbm>>
        tpu.wait_dma2 semaphore(%run_scoped3A : memref<!tpu.dma_semaphore, #tpu.memory_space<semaphore_mem>>) src(%dma_wait3A_195 : memref<64x1x64xf32, #tpu.memory_space<hbm>>) dst(%arg15 : memref<64x1x64xf32, #tpu.memory_space<vmem>>)
        tpu.yield
      }) : () -> ()
      %scan3A_180 = arith.constant 0 : i32
      %scan3A_181 = arith.constant 0 : i32
      %scan3A_182 = arith.constant 256 : i32
      %scan3A_183 = arith.addi %scan3A_181, %scan3A_182 : i32
      %scan3A_184 = arith.constant 1 : i32
      %scan3A_185 = scf.for %scan3A_188 = %scan3A_181 to %scan3A_183 step %scan3A_184 iter_args(%scan3A_189 = %scan3A_180) -> (i32)  : i32 {
        %jit3A_190 = arith.constant 4 : i32
        %div3A_191 = arith.divsi %scan3A_188, %jit3A_190 : i32
        %sign3A_192 = arith.constant 0 : i32
        %sign3A_193 = arith.cmpi sgt, %scan3A_188, %sign3A_192 : i32
        %sign3A_194 = arith.extui %sign3A_193 : i1 to i32
        %sign3A_195 = arith.constant 0 : i32
        %sign3A_196 = arith.cmpi slt, %scan3A_188, %sign3A_195 : i32
        %sign3A_197 = arith.extui %sign3A_196 : i1 to i32
        %sign3A_198 = arith.subi %sign3A_194, %sign3A_197 : i32
        %sign3A_199 = arith.constant 0 : i32
        %sign3A_200 = arith.cmpi sgt, %jit3A_190, %sign3A_199 : i32
        %sign3A_201 = arith.extui %sign3A_200 : i1 to i32
        %sign3A_202 = arith.constant 0 : i32
        %sign3A_203 = arith.cmpi slt, %jit3A_190, %sign3A_202 : i32
        %sign3A_204 = arith.extui %sign3A_203 : i1 to i32
        %sign3A_205 = arith.subi %sign3A_201, %sign3A_204 : i32
        %ne3A_206 = arith.cmpi ne, %sign3A_198, %sign3A_205 : i32
        %rem3A_207 = arith.remsi %scan3A_188, %jit3A_190 : i32
        %ne3A_208 = arith.constant 0 : i32
        %ne3A_209 = arith.cmpi ne, %rem3A_207, %ne3A_208 : i32
        %and3A_210 = arith.andi %ne3A_206, %ne3A_209 : i1
        %sub3A_211 = arith.constant 1 : i32
        %sub3A_212 = arith.subi %div3A_191, %sub3A_211 : i32
        %select_n3A_213 = arith.select %and3A_210, %sub3A_212, %div3A_191 : i32
        %jit3A_214 = arith.constant 4 : i32
        %eq3A = arith.constant 0 : i32
        %eq3A_215 = arith.cmpi eq, %jit3A_214, %eq3A : i32
        %jit3A_216 = arith.constant 1 : i32
        %select_n3A_217 = arith.select %eq3A_215, %jit3A_216, %jit3A_214 : i32
        %rem3A_218 = arith.remsi %scan3A_188, %select_n3A_217 : i32
        %ne3A_219 = arith.constant 0 : i32
        %ne3A_220 = arith.cmpi ne, %rem3A_218, %ne3A_219 : i32
        %lt3A = arith.constant 0 : i32
        %lt3A_221 = arith.cmpi slt, %rem3A_218, %lt3A : i32
        %lt3A_222 = arith.constant 0 : i32
        %lt3A_223 = arith.cmpi slt, %select_n3A_217, %lt3A_222 : i32
        %ne3A_224 = arith.xori %lt3A_221, %lt3A_223 : i1
        %and3A_225 = arith.andi %ne3A_224, %ne3A_220 : i1
        %add3A_226 = arith.addi %rem3A_218, %select_n3A_217 : i32
        %select_n3A_227 = arith.select %and3A_225, %add3A_226, %rem3A_218 : i32
        %mul3A_228 = arith.constant 16 : i32
        %mul3A_229 = arith.muli %select_n3A_227, %mul3A_228 : i32
        %get3A = arith.index_cast %select_n3A_213 : i32 to index
        %get3A_230 = arith.index_cast %mul3A_229 : i32 to index
        %get3A_231 = tpu.vector_load %arg12[%get3A, %get3A_230] {strides = array<i32>} : memref<64x128xf32, #tpu.memory_space<vmem>>, vector<1x16xf32>,
        %get3A_232 = vector.shape_cast %get3A_231 : vector<1x16xf32> to vector<16xf32>
        %add3A_233 = arith.constant 64 : i32
        %add3A_234 = arith.addi %add3A_233, %mul3A_229 : i32
        %get3A_235 = arith.index_cast %select_n3A_213 : i32 to index
        %get3A_236 = arith.index_cast %add3A_234 : i32 to index
        %get3A_237 = tpu.vector_load %arg12[%get3A_235, %get3A_236] {strides = array<i32>} : memref<64x128xf32, #tpu.memory_space<vmem>>, vector<1x16xf32>,
        %get3A_238 = vector.shape_cast %get3A_237 : vector<1x16xf32> to vector<16xf32>
        %get3A_239 = arith.index_cast %select_n3A_213 : i32 to index
        %get3A_240 = arith.index_cast %mul3A_229 : i32 to index
        %get3A_241 = tpu.vector_load %arg13[%get3A_239, %get3A_240] {strides = array<i32>} : memref<64x128xf32, #tpu.memory_space<vmem>>, vector<1x16xf32>,
        %get3A_242 = vector.shape_cast %get3A_241 : vector<1x16xf32> to vector<16xf32>
        %get3A_243 = arith.constant 0 : i32
        %get3A_244 = arith.index_cast %select_n3A_213 : i32 to index
        %get3A_245 = arith.index_cast %get3A_243 : i32 to index
        %get3A_246 = arith.index_cast %mul3A_229 : i32 to index
        %get3A_247 = tpu.vector_load %arg14[%get3A_244, %get3A_245, %get3A_246] {strides = array<i32>} : memref<64x1x64xf32, #tpu.memory_space<vmem>>, vector<1x1x16xf32>,
        %get3A_248 = vector.shape_cast %get3A_247 : vector<1x1x16xf32> to vector<16xf32>
        %get3A_249 = arith.constant 0 : i32
        %get3A_250 = arith.index_cast %select_n3A_213 : i32 to index
        %get3A_251 = arith.index_cast %get3A_249 : i32 to index
        %get3A_252 = arith.index_cast %mul3A_229 : i32 to index
        %get3A_253 = tpu.vector_load %arg15[%get3A_250, %get3A_251, %get3A_252] {strides = array<i32>} : memref<64x1x64xf32, #tpu.memory_space<vmem>>, vector<1x1x16xf32>,
        %get3A_254 = vector.shape_cast %get3A_253 : vector<1x1x16xf32> to vector<16xf32>
        %add3A_255 = arith.addf %get3A_232, %get3A_242 : vector<16xf32>
        %add3A_256 = arith.addf %add3A_255, %get3A_248 : vector<16xf32>
        %neg3A = arith.constant 0.000000e+00 : f32
        %neg3A_257 = vector.broadcast %neg3A : f32 to vector<16xf32>
        %neg3A_258 = arith.subf %neg3A_257, %add3A_256 : vector<16xf32>
        %exp3A = math.exp %neg3A_258 : vector<16xf32>
        %add3A_259 = arith.constant 1.000000e+00 : f32
        %add3A_260 = vector.broadcast %add3A_259 : f32 to vector<16xf32>
        %add3A_261 = arith.addf %add3A_260, %exp3A : vector<16xf32>
        %div3A_262 = arith.constant 1.000000e+00 : f32
        %div3A_263 = vector.broadcast %div3A_262 : f32 to vector<16xf32>
        %div3A_264 = arith.divf %div3A_263, %add3A_261 : vector<16xf32>
        %mul3A_265 = arith.mulf %get3A_238, %div3A_264 : vector<16xf32>
        %swap3A = arith.index_cast %select_n3A_213 : i32 to index
        %swap3A_266 = arith.index_cast %mul3A_229 : i32 to index
        %swap3A_267 = tpu.vector_load %arg16[%swap3A, %swap3A_266] {strides = array<i32>} : memref<64x128xf32, #tpu.memory_space<vmem>>, vector<1x16xf32>,
        %swap3A_268 = vector.shape_cast %swap3A_267 : vector<1x16xf32> to vector<16xf32>
        %swap3A_269 = vector.shape_cast %mul3A_265 : vector<16xf32> to vector<1x16xf32>
        tpu.vector_store %arg16[%swap3A, %swap3A_266], %swap3A_269 {strides = array<i32>} : memref<64x128xf32, #tpu.memory_space<vmem>>, vector<1x16xf32>,
        %add3A_270 = arith.constant 64 : i32
        %add3A_271 = arith.addi %add3A_270, %mul3A_229 : i32
        %swap3A_272 = arith.index_cast %select_n3A_213 : i32 to index
        %swap3A_273 = arith.index_cast %add3A_271 : i32 to index
        %swap3A_274 = tpu.vector_load %arg16[%swap3A_272, %swap3A_273] {strides = array<i32>} : memref<64x128xf32, #tpu.memory_space<vmem>>, vector<1x16xf32>,
        %swap3A_275 = vector.shape_cast %swap3A_274 : vector<1x16xf32> to vector<16xf32>
        %swap3A_276 = vector.shape_cast %div3A_264 : vector<16xf32> to vector<1x16xf32>
        tpu.vector_store %arg16[%swap3A_272, %swap3A_273], %swap3A_276 {strides = array<i32>} : memref<64x128xf32, #tpu.memory_space<vmem>>, vector<1x16xf32>,
        %max3A = arith.constant 0.000000e+00 : f32
        %max3A_277 = vector.broadcast %max3A : f32 to vector<16xf32>
        %max3A_278 = arith.maximumf %add3A_256, %max3A_277 : vector<16xf32>
        %add3A_279 = arith.addf %get3A_254, %max3A_278 : vector<16xf32>
        %swap3A_280 = arith.constant 0 : i32
        %swap3A_281 = arith.index_cast %select_n3A_213 : i32 to index
        %swap3A_282 = arith.index_cast %swap3A_280 : i32 to index
        %swap3A_283 = arith.index_cast %mul3A_229 : i32 to index
        %swap3A_284 = tpu.vector_load %arg15[%swap3A_281, %swap3A_282, %swap3A_283] {strides = array<i32>} : memref<64x1x64xf32, #tpu.memory_space<vmem>>, vector<1x1x16xf32>,
        %swap3A_285 = vector.shape_cast %swap3A_284 : vector<1x1x16xf32> to vector<16xf32>
        %swap3A_286 = vector.shape_cast %add3A_279 : vector<16xf32> to vector<1x1x16xf32>
        tpu.vector_store %arg15[%swap3A_281, %swap3A_282, %swap3A_283], %swap3A_286 {strides = array<i32>} : memref<64x1x64xf32, #tpu.memory_space<vmem>>, vector<1x1x16xf32>,
        %scan3A_287 = arith.constant 0 : i32
        scf.yield %scan3A_287 : i32
      }
      %scan3A_186 = arith.constant 256 : i32
      "tpu.region"() ({
        %run_scoped3A = tpu.sem_alloc : memref<!tpu.dma_semaphore, #tpu.memory_space<semaphore_mem>>
        %dma_start3A_188 = arith.constant 0 : i32
        %dma_start3A_189 = tpu.memref_slice %arg8[%mul3A_155, %add3A_101, %dma_start3A_188] : memref<160000x4x64xf32, #tpu.memory_space<hbm>> -> memref<64x1x64xf32, #tpu.memory_space<hbm>>
        %dma_start3A_190 = arith.constant 0 : i32
        %dma_start3A_191 = tpu.memref_slice %arg8[%mul3A_155, %add3A_101, %dma_start3A_190] : memref<160000x4x64xf32, #tpu.memory_space<hbm>> -> memref<64x1x64xf32, #tpu.memory_space<hbm>>
        tpu.enqueue_dma source(%arg15 : memref<64x1x64xf32, #tpu.memory_space<vmem>>) target(%dma_start3A_191 : memref<64x1x64xf32, #tpu.memory_space<hbm>>) target_semaphore(%run_scoped3A : memref<!tpu.dma_semaphore, #tpu.memory_space<semaphore_mem>>)
        %dma_wait3A_192 = arith.constant 0 : i32
        %dma_wait3A_193 = tpu.memref_slice %arg8[%mul3A_155, %add3A_101, %dma_wait3A_192] : memref<160000x4x64xf32, #tpu.memory_space<hbm>> -> memref<64x1x64xf32, #tpu.memory_space<hbm>>
        %dma_wait3A_194 = arith.constant 0 : i32
        %dma_wait3A_195 = tpu.memref_slice %arg8[%mul3A_155, %add3A_101, %dma_wait3A_194] : memref<160000x4x64xf32, #tpu.memory_space<hbm>> -> memref<64x1x64xf32, #tpu.memory_space<hbm>>
        tpu.wait_dma2 semaphore(%run_scoped3A : memref<!tpu.dma_semaphore, #tpu.memory_space<semaphore_mem>>) src(%arg15 : memref<64x1x64xf32, #tpu.memory_space<vmem>>) dst(%dma_wait3A_195 : memref<64x1x64xf32, #tpu.memory_space<hbm>>)
        tpu.yield
      }) : () -> ()
      "tpu.region"() ({
        %run_scoped3A = tpu.sem_alloc : memref<!tpu.dma_semaphore, #tpu.memory_space<semaphore_mem>>
        %dma_start3A_188 = arith.constant 0 : i32
        %dma_start3A_189 = arith.constant 0 : i32
        %dma_start3A_190 = tpu.memref_slice %arg17[%dma_start3A_188, %dma_start3A_189] : memref<10000x128xf32, #tpu.memory_space<vmem_shared>> -> memref<10000x128xf32, #tpu.memory_space<vmem_shared>>
        tpu.enqueue_indirect_dma source(%arg16 : memref<64x128xf32, #tpu.memory_space<vmem>>) target(%dma_start3A_190 : memref<10000x128xf32, #tpu.memory_space<vmem_shared>>) offsets(%arg11 : memref<64xi32, #tpu.memory_space<vmem>>) semaphore(%run_scoped3A : memref<!tpu.dma_semaphore, #tpu.memory_space<semaphore_mem>>) {add = true}
        %dma_wait3A_191 = arith.constant 0 : i32
        %dma_wait3A_192 = arith.constant 0 : i32
        %dma_wait3A_193 = tpu.memref_slice %arg17[%dma_wait3A_191, %dma_wait3A_192] : memref<10000x128xf32, #tpu.memory_space<vmem_shared>> -> memref<10000x128xf32, #tpu.memory_space<vmem_shared>>
        tpu.wait_indirect_dma semaphore(%run_scoped3A : memref<!tpu.dma_semaphore, #tpu.memory_space<semaphore_mem>>) src(%arg16 : memref<64x128xf32, #tpu.memory_space<vmem>>) dst(%dma_wait3A_193 : memref<10000x128xf32, #tpu.memory_space<vmem_shared>>)
        tpu.yield
      }) : () -> ()
      %while3A_187 = arith.constant 0 : i32
      scf.yield %while3A_187 : i32
    }
    %while3A_134 = arith.constant 1 : i32
    %while3A_135 = scf.for %while3A_149 = %while3A_131 to %while3A_127 step %while3A_134 iter_args(%while3A_150 = %while3A_133) -> (i32)  : i32 {
      %mul3A_151 = arith.constant 16 : i32
      %mul3A_152 = arith.muli %while3A_149, %mul3A_151 : i32
      %add3A_153 = arith.addi %arg1, %mul3A_152 : i32
      %mul3A_154 = arith.constant 64 : i32
      %mul3A_155 = arith.muli %add3A_153, %mul3A_154 : i32
      "tpu.region"() ({
        %run_scoped3A = tpu.sem_alloc : memref<!tpu.dma_semaphore, #tpu.memory_space<semaphore_mem>>
        %dma_start3A_188 = tpu.memref_slice %arg6[%mul3A_155] : memref<160000xi32, #tpu.memory_space<hbm>> -> memref<64xi32, #tpu.memory_space<hbm>>
        %dma_start3A_189 = tpu.memref_slice %arg6[%mul3A_155] : memref<160000xi32, #tpu.memory_space<hbm>> -> memref<64xi32, #tpu.memory_space<hbm>>
        tpu.enqueue_dma source(%dma_start3A_189 : memref<64xi32, #tpu.memory_space<hbm>>) target(%arg10 : memref<64xi32, #tpu.memory_space<vmem>>) target_semaphore(%run_scoped3A : memref<!tpu.dma_semaphore, #tpu.memory_space<semaphore_mem>>)
        %dma_wait3A_190 = tpu.memref_slice %arg6[%mul3A_155] : memref<160000xi32, #tpu.memory_space<hbm>> -> memref<64xi32, #tpu.memory_space<hbm>>
        %dma_wait3A_191 = tpu.memref_slice %arg6[%mul3A_155] : memref<160000xi32, #tpu.memory_space<hbm>> -> memref<64xi32, #tpu.memory_space<hbm>>
        tpu.wait_dma2 semaphore(%run_scoped3A : memref<!tpu.dma_semaphore, #tpu.memory_space<semaphore_mem>>) src(%dma_wait3A_191 : memref<64xi32, #tpu.memory_space<hbm>>) dst(%arg10 : memref<64xi32, #tpu.memory_space<vmem>>)
        tpu.yield
      }) : () -> ()
      %scan3A_156 = arith.constant 0 : i32
      %scan3A_157 = arith.constant 0 : i32
      %scan3A_158 = arith.constant 4 : i32
      %scan3A_159 = arith.addi %scan3A_157, %scan3A_158 : i32
      %scan3A_160 = arith.constant 1 : i32
      %scan3A_161 = scf.for %scan3A_188 = %scan3A_157 to %scan3A_159 step %scan3A_160 iter_args(%scan3A_189 = %scan3A_156) -> (i32)  : i32 {
        %mul3A_190 = arith.constant 16 : i32
        %mul3A_191 = arith.muli %scan3A_188, %mul3A_190 : i32
        %get3A = arith.index_cast %mul3A_191 : i32 to index
        %get3A_192 = tpu.vector_load %arg10[%get3A] {strides = array<i32>} : memref<64xi32, #tpu.memory_space<vmem>>, vector<16xi32>,
        %get3A_193 = vector.shape_cast %get3A_192 : vector<16xi32> to vector<16xi32>
        %add3A_194 = vector.broadcast %mul3A_103 : i32 to vector<16xi32>
        %add3A_195 = arith.addi %get3A_193, %add3A_194 : vector<16xi32>
        %mul3A_196 = arith.constant 16 : i32
        %mul3A_197 = arith.muli %scan3A_188, %mul3A_196 : i32
        %swap3A = arith.index_cast %mul3A_197 : i32 to index
        %swap3A_198 = tpu.vector_load %arg10[%swap3A] {strides = array<i32>} : memref<64xi32, #tpu.memory_space<vmem>>, vector<16xi32>,
        %swap3A_199 = vector.shape_cast %swap3A_198 : vector<16xi32> to vector<16xi32>
        %swap3A_200 = vector.shape_cast %add3A_195 : vector<16xi32> to vector<16xi32>
        tpu.vector_store %arg10[%swap3A], %swap3A_200 {strides = array<i32>} : memref<64xi32, #tpu.memory_space<vmem>>, vector<16xi32>,
        %scan3A_201 = arith.constant 0 : i32
        scf.yield %scan3A_201 : i32
      }
      %scan3A_162 = arith.constant 4 : i32
      %dma_start3A = arith.constant 0 : i32
      %dma_start3A_163 = arith.constant 0 : i32
      %dma_start3A_164 = tpu.memref_slice %arg2[%dma_start3A, %dma_start3A_163] : memref<40000x128xf32, #tpu.memory_space<hbm>> -> memref<40000x128xf32, #tpu.memory_space<hbm>>
      tpu.enqueue_indirect_dma source(%dma_start3A_164 : memref<40000x128xf32, #tpu.memory_space<hbm>>) target(%arg12 : memref<64x128xf32, #tpu.memory_space<vmem>>) offsets(%arg10 : memref<64xi32, #tpu.memory_space<vmem>>) semaphore(%arg18 : memref<!tpu.dma_semaphore, #tpu.memory_space<semaphore_mem>>)
      %dma_wait3A = arith.constant 0 : i32
      %dma_wait3A_165 = arith.constant 0 : i32
      %dma_wait3A_166 = tpu.memref_slice %arg2[%dma_wait3A, %dma_wait3A_165] : memref<40000x128xf32, #tpu.memory_space<hbm>> -> memref<40000x128xf32, #tpu.memory_space<hbm>>
      tpu.wait_indirect_dma semaphore(%arg18 : memref<!tpu.dma_semaphore, #tpu.memory_space<semaphore_mem>>) src(%dma_wait3A_166 : memref<40000x128xf32, #tpu.memory_space<hbm>>) dst(%arg12 : memref<64x128xf32, #tpu.memory_space<vmem>>)
      "tpu.region"() ({
        %run_scoped3A = tpu.sem_alloc : memref<!tpu.dma_semaphore, #tpu.memory_space<semaphore_mem>>
        %dma_start3A_188 = tpu.memref_slice %arg7[%mul3A_155] : memref<160000xi32, #tpu.memory_space<hbm>> -> memref<64xi32, #tpu.memory_space<hbm>>
        %dma_start3A_189 = tpu.memref_slice %arg7[%mul3A_155] : memref<160000xi32, #tpu.memory_space<hbm>> -> memref<64xi32, #tpu.memory_space<hbm>>
        tpu.enqueue_dma source(%dma_start3A_189 : memref<64xi32, #tpu.memory_space<hbm>>) target(%arg11 : memref<64xi32, #tpu.memory_space<vmem>>) target_semaphore(%run_scoped3A : memref<!tpu.dma_semaphore, #tpu.memory_space<semaphore_mem>>)
        %dma_wait3A_190 = tpu.memref_slice %arg7[%mul3A_155] : memref<160000xi32, #tpu.memory_space<hbm>> -> memref<64xi32, #tpu.memory_space<hbm>>
        %dma_wait3A_191 = tpu.memref_slice %arg7[%mul3A_155] : memref<160000xi32, #tpu.memory_space<hbm>> -> memref<64xi32, #tpu.memory_space<hbm>>
        tpu.wait_dma2 semaphore(%run_scoped3A : memref<!tpu.dma_semaphore, #tpu.memory_space<semaphore_mem>>) src(%dma_wait3A_191 : memref<64xi32, #tpu.memory_space<hbm>>) dst(%arg11 : memref<64xi32, #tpu.memory_space<vmem>>)
        tpu.yield
      }) : () -> ()
      %scan3A_167 = arith.constant 0 : i32
      %scan3A_168 = arith.constant 0 : i32
      %scan3A_169 = arith.constant 4 : i32
      %scan3A_170 = arith.addi %scan3A_168, %scan3A_169 : i32
      %scan3A_171 = arith.constant 1 : i32
      %scan3A_172 = scf.for %scan3A_188 = %scan3A_168 to %scan3A_170 step %scan3A_171 iter_args(%scan3A_189 = %scan3A_167) -> (i32)  : i32 {
        %mul3A_190 = arith.constant 16 : i32
        %mul3A_191 = arith.muli %scan3A_188, %mul3A_190 : i32
        %get3A = arith.index_cast %mul3A_191 : i32 to index
        %get3A_192 = tpu.vector_load %arg11[%get3A] {strides = array<i32>} : memref<64xi32, #tpu.memory_space<vmem>>, vector<16xi32>,
        %get3A_193 = vector.shape_cast %get3A_192 : vector<16xi32> to vector<16xi32>
        %add3A_194 = vector.broadcast %mul3A_103 : i32 to vector<16xi32>
        %add3A_195 = arith.addi %get3A_193, %add3A_194 : vector<16xi32>
        %mul3A_196 = arith.constant 16 : i32
        %mul3A_197 = arith.muli %scan3A_188, %mul3A_196 : i32
        %swap3A = arith.index_cast %mul3A_197 : i32 to index
        %swap3A_198 = tpu.vector_load %arg10[%swap3A] {strides = array<i32>} : memref<64xi32, #tpu.memory_space<vmem>>, vector<16xi32>,
        %swap3A_199 = vector.shape_cast %swap3A_198 : vector<16xi32> to vector<16xi32>
        %swap3A_200 = vector.shape_cast %add3A_195 : vector<16xi32> to vector<16xi32>
        tpu.vector_store %arg10[%swap3A], %swap3A_200 {strides = array<i32>} : memref<64xi32, #tpu.memory_space<vmem>>, vector<16xi32>,
        %scan3A_201 = arith.constant 0 : i32
        scf.yield %scan3A_201 : i32
      }
      %scan3A_173 = arith.constant 4 : i32
      %dma_start3A_174 = arith.constant 0 : i32
      %dma_start3A_175 = arith.constant 0 : i32
      %dma_start3A_176 = tpu.memref_slice %arg3[%dma_start3A_174, %dma_start3A_175] : memref<40000x128xf32, #tpu.memory_space<hbm>> -> memref<40000x128xf32, #tpu.memory_space<hbm>>
      tpu.enqueue_indirect_dma source(%dma_start3A_176 : memref<40000x128xf32, #tpu.memory_space<hbm>>) target(%arg13 : memref<64x128xf32, #tpu.memory_space<vmem>>) offsets(%arg10 : memref<64xi32, #tpu.memory_space<vmem>>) semaphore(%arg18 : memref<!tpu.dma_semaphore, #tpu.memory_space<semaphore_mem>>)
      %dma_wait3A_177 = arith.constant 0 : i32
      %dma_wait3A_178 = arith.constant 0 : i32
      %dma_wait3A_179 = tpu.memref_slice %arg3[%dma_wait3A_177, %dma_wait3A_178] : memref<40000x128xf32, #tpu.memory_space<hbm>> -> memref<40000x128xf32, #tpu.memory_space<hbm>>
      tpu.wait_indirect_dma semaphore(%arg18 : memref<!tpu.dma_semaphore, #tpu.memory_space<semaphore_mem>>) src(%dma_wait3A_179 : memref<40000x128xf32, #tpu.memory_space<hbm>>) dst(%arg13 : memref<64x128xf32, #tpu.memory_space<vmem>>)
      "tpu.region"() ({
        %run_scoped3A = tpu.sem_alloc : memref<!tpu.dma_semaphore, #tpu.memory_space<semaphore_mem>>
        %dma_start3A_188 = arith.constant 0 : i32
        %dma_start3A_189 = tpu.memref_slice %arg4[%mul3A_155, %add3A_101, %dma_start3A_188] : memref<160000x4x64xf32, #tpu.memory_space<hbm>> -> memref<64x1x64xf32, #tpu.memory_space<hbm>>
        %dma_start3A_190 = arith.constant 0 : i32
        %dma_start3A_191 = tpu.memref_slice %arg4[%mul3A_155, %add3A_101, %dma_start3A_190] : memref<160000x4x64xf32, #tpu.memory_space<hbm>> -> memref<64x1x64xf32, #tpu.memory_space<hbm>>
        tpu.enqueue_dma source(%dma_start3A_191 : memref<64x1x64xf32, #tpu.memory_space<hbm>>) target(%arg14 : memref<64x1x64xf32, #tpu.memory_space<vmem>>) target_semaphore(%run_scoped3A : memref<!tpu.dma_semaphore, #tpu.memory_space<semaphore_mem>>)
        %dma_wait3A_192 = arith.constant 0 : i32
        %dma_wait3A_193 = tpu.memref_slice %arg4[%mul3A_155, %add3A_101, %dma_wait3A_192] : memref<160000x4x64xf32, #tpu.memory_space<hbm>> -> memref<64x1x64xf32, #tpu.memory_space<hbm>>
        %dma_wait3A_194 = arith.constant 0 : i32
        %dma_wait3A_195 = tpu.memref_slice %arg4[%mul3A_155, %add3A_101, %dma_wait3A_194] : memref<160000x4x64xf32, #tpu.memory_space<hbm>> -> memref<64x1x64xf32, #tpu.memory_space<hbm>>
        tpu.wait_dma2 semaphore(%run_scoped3A : memref<!tpu.dma_semaphore, #tpu.memory_space<semaphore_mem>>) src(%dma_wait3A_195 : memref<64x1x64xf32, #tpu.memory_space<hbm>>) dst(%arg14 : memref<64x1x64xf32, #tpu.memory_space<vmem>>)
        tpu.yield
      }) : () -> ()
      "tpu.region"() ({
        %run_scoped3A = tpu.sem_alloc : memref<!tpu.dma_semaphore, #tpu.memory_space<semaphore_mem>>
        %dma_start3A_188 = arith.constant 0 : i32
        %dma_start3A_189 = tpu.memref_slice %arg5[%mul3A_155, %add3A_101, %dma_start3A_188] : memref<160000x4x64xf32, #tpu.memory_space<hbm>> -> memref<64x1x64xf32, #tpu.memory_space<hbm>>
        %dma_start3A_190 = arith.constant 0 : i32
        %dma_start3A_191 = tpu.memref_slice %arg5[%mul3A_155, %add3A_101, %dma_start3A_190] : memref<160000x4x64xf32, #tpu.memory_space<hbm>> -> memref<64x1x64xf32, #tpu.memory_space<hbm>>
        tpu.enqueue_dma source(%dma_start3A_191 : memref<64x1x64xf32, #tpu.memory_space<hbm>>) target(%arg15 : memref<64x1x64xf32, #tpu.memory_space<vmem>>) target_semaphore(%run_scoped3A : memref<!tpu.dma_semaphore, #tpu.memory_space<semaphore_mem>>)
        %dma_wait3A_192 = arith.constant 0 : i32
        %dma_wait3A_193 = tpu.memref_slice %arg5[%mul3A_155, %add3A_101, %dma_wait3A_192] : memref<160000x4x64xf32, #tpu.memory_space<hbm>> -> memref<64x1x64xf32, #tpu.memory_space<hbm>>
        %dma_wait3A_194 = arith.constant 0 : i32
        %dma_wait3A_195 = tpu.memref_slice %arg5[%mul3A_155, %add3A_101, %dma_wait3A_194] : memref<160000x4x64xf32, #tpu.memory_space<hbm>> -> memref<64x1x64xf32, #tpu.memory_space<hbm>>
        tpu.wait_dma2 semaphore(%run_scoped3A : memref<!tpu.dma_semaphore, #tpu.memory_space<semaphore_mem>>) src(%dma_wait3A_195 : memref<64x1x64xf32, #tpu.memory_space<hbm>>) dst(%arg15 : memref<64x1x64xf32, #tpu.memory_space<vmem>>)
        tpu.yield
      }) : () -> ()
      %scan3A_180 = arith.constant 0 : i32
      %scan3A_181 = arith.constant 0 : i32
      %scan3A_182 = arith.constant 256 : i32
      %scan3A_183 = arith.addi %scan3A_181, %scan3A_182 : i32
      %scan3A_184 = arith.constant 1 : i32
      %scan3A_185 = scf.for %scan3A_188 = %scan3A_181 to %scan3A_183 step %scan3A_184 iter_args(%scan3A_189 = %scan3A_180) -> (i32)  : i32 {
        %jit3A_190 = arith.constant 4 : i32
        %div3A_191 = arith.divsi %scan3A_188, %jit3A_190 : i32
        %sign3A_192 = arith.constant 0 : i32
        %sign3A_193 = arith.cmpi sgt, %scan3A_188, %sign3A_192 : i32
        %sign3A_194 = arith.extui %sign3A_193 : i1 to i32
        %sign3A_195 = arith.constant 0 : i32
        %sign3A_196 = arith.cmpi slt, %scan3A_188, %sign3A_195 : i32
        %sign3A_197 = arith.extui %sign3A_196 : i1 to i32
        %sign3A_198 = arith.subi %sign3A_194, %sign3A_197 : i32
        %sign3A_199 = arith.constant 0 : i32
        %sign3A_200 = arith.cmpi sgt, %jit3A_190, %sign3A_199 : i32
        %sign3A_201 = arith.extui %sign3A_200 : i1 to i32
        %sign3A_202 = arith.constant 0 : i32
        %sign3A_203 = arith.cmpi slt, %jit3A_190, %sign3A_202 : i32
        %sign3A_204 = arith.extui %sign3A_203 : i1 to i32
        %sign3A_205 = arith.subi %sign3A_201, %sign3A_204 : i32
        %ne3A_206 = arith.cmpi ne, %sign3A_198, %sign3A_205 : i32
        %rem3A_207 = arith.remsi %scan3A_188, %jit3A_190 : i32
        %ne3A_208 = arith.constant 0 : i32
        %ne3A_209 = arith.cmpi ne, %rem3A_207, %ne3A_208 : i32
        %and3A_210 = arith.andi %ne3A_206, %ne3A_209 : i1
        %sub3A_211 = arith.constant 1 : i32
        %sub3A_212 = arith.subi %div3A_191, %sub3A_211 : i32
        %select_n3A_213 = arith.select %and3A_210, %sub3A_212, %div3A_191 : i32
        %jit3A_214 = arith.constant 4 : i32
        %eq3A = arith.constant 0 : i32
        %eq3A_215 = arith.cmpi eq, %jit3A_214, %eq3A : i32
        %jit3A_216 = arith.constant 1 : i32
        %select_n3A_217 = arith.select %eq3A_215, %jit3A_216, %jit3A_214 : i32
        %rem3A_218 = arith.remsi %scan3A_188, %select_n3A_217 : i32
        %ne3A_219 = arith.constant 0 : i32
        %ne3A_220 = arith.cmpi ne, %rem3A_218, %ne3A_219 : i32
        %lt3A = arith.constant 0 : i32
        %lt3A_221 = arith.cmpi slt, %rem3A_218, %lt3A : i32
        %lt3A_222 = arith.constant 0 : i32
        %lt3A_223 = arith.cmpi slt, %select_n3A_217, %lt3A_222 : i32
        %ne3A_224 = arith.xori %lt3A_221, %lt3A_223 : i1
        %and3A_225 = arith.andi %ne3A_224, %ne3A_220 : i1
        %add3A_226 = arith.addi %rem3A_218, %select_n3A_217 : i32
        %select_n3A_227 = arith.select %and3A_225, %add3A_226, %rem3A_218 : i32
        %mul3A_228 = arith.constant 16 : i32
        %mul3A_229 = arith.muli %select_n3A_227, %mul3A_228 : i32
        %get3A = arith.index_cast %select_n3A_213 : i32 to index
        %get3A_230 = arith.index_cast %mul3A_229 : i32 to index
        %get3A_231 = tpu.vector_load %arg12[%get3A, %get3A_230] {strides = array<i32>} : memref<64x128xf32, #tpu.memory_space<vmem>>, vector<1x16xf32>,
        %get3A_232 = vector.shape_cast %get3A_231 : vector<1x16xf32> to vector<16xf32>
        %add3A_233 = arith.constant 64 : i32
        %add3A_234 = arith.addi %add3A_233, %mul3A_229 : i32
        %get3A_235 = arith.index_cast %select_n3A_213 : i32 to index
        %get3A_236 = arith.index_cast %add3A_234 : i32 to index
        %get3A_237 = tpu.vector_load %arg12[%get3A_235, %get3A_236] {strides = array<i32>} : memref<64x128xf32, #tpu.memory_space<vmem>>, vector<1x16xf32>,
        %get3A_238 = vector.shape_cast %get3A_237 : vector<1x16xf32> to vector<16xf32>
        %get3A_239 = arith.index_cast %select_n3A_213 : i32 to index
        %get3A_240 = arith.index_cast %mul3A_229 : i32 to index
        %get3A_241 = tpu.vector_load %arg13[%get3A_239, %get3A_240] {strides = array<i32>} : memref<64x128xf32, #tpu.memory_space<vmem>>, vector<1x16xf32>,
        %get3A_242 = vector.shape_cast %get3A_241 : vector<1x16xf32> to vector<16xf32>
        %get3A_243 = arith.constant 0 : i32
        %get3A_244 = arith.index_cast %select_n3A_213 : i32 to index
        %get3A_245 = arith.index_cast %get3A_243 : i32 to index
        %get3A_246 = arith.index_cast %mul3A_229 : i32 to index
        %get3A_247 = tpu.vector_load %arg14[%get3A_244, %get3A_245, %get3A_246] {strides = array<i32>} : memref<64x1x64xf32, #tpu.memory_space<vmem>>, vector<1x1x16xf32>,
        %get3A_248 = vector.shape_cast %get3A_247 : vector<1x1x16xf32> to vector<16xf32>
        %get3A_249 = arith.constant 0 : i32
        %get3A_250 = arith.index_cast %select_n3A_213 : i32 to index
        %get3A_251 = arith.index_cast %get3A_249 : i32 to index
        %get3A_252 = arith.index_cast %mul3A_229 : i32 to index
        %get3A_253 = tpu.vector_load %arg15[%get3A_250, %get3A_251, %get3A_252] {strides = array<i32>} : memref<64x1x64xf32, #tpu.memory_space<vmem>>, vector<1x1x16xf32>,
        %get3A_254 = vector.shape_cast %get3A_253 : vector<1x1x16xf32> to vector<16xf32>
        %add3A_255 = arith.addf %get3A_232, %get3A_242 : vector<16xf32>
        %add3A_256 = arith.addf %add3A_255, %get3A_248 : vector<16xf32>
        %neg3A = arith.constant 0.000000e+00 : f32
        %neg3A_257 = vector.broadcast %neg3A : f32 to vector<16xf32>
        %neg3A_258 = arith.subf %neg3A_257, %add3A_256 : vector<16xf32>
        %exp3A = math.exp %neg3A_258 : vector<16xf32>
        %add3A_259 = arith.constant 1.000000e+00 : f32
        %add3A_260 = vector.broadcast %add3A_259 : f32 to vector<16xf32>
        %add3A_261 = arith.addf %add3A_260, %exp3A : vector<16xf32>
        %div3A_262 = arith.constant 1.000000e+00 : f32
        %div3A_263 = vector.broadcast %div3A_262 : f32 to vector<16xf32>
        %div3A_264 = arith.divf %div3A_263, %add3A_261 : vector<16xf32>
        %mul3A_265 = arith.mulf %get3A_238, %div3A_264 : vector<16xf32>
        %swap3A = arith.index_cast %select_n3A_213 : i32 to index
        %swap3A_266 = arith.index_cast %mul3A_229 : i32 to index
        %swap3A_267 = tpu.vector_load %arg16[%swap3A, %swap3A_266] {strides = array<i32>} : memref<64x128xf32, #tpu.memory_space<vmem>>, vector<1x16xf32>,
        %swap3A_268 = vector.shape_cast %swap3A_267 : vector<1x16xf32> to vector<16xf32>
        %swap3A_269 = vector.shape_cast %mul3A_265 : vector<16xf32> to vector<1x16xf32>
        tpu.vector_store %arg16[%swap3A, %swap3A_266], %swap3A_269 {strides = array<i32>} : memref<64x128xf32, #tpu.memory_space<vmem>>, vector<1x16xf32>,
        %add3A_270 = arith.constant 64 : i32
        %add3A_271 = arith.addi %add3A_270, %mul3A_229 : i32
        %swap3A_272 = arith.index_cast %select_n3A_213 : i32 to index
        %swap3A_273 = arith.index_cast %add3A_271 : i32 to index
        %swap3A_274 = tpu.vector_load %arg16[%swap3A_272, %swap3A_273] {strides = array<i32>} : memref<64x128xf32, #tpu.memory_space<vmem>>, vector<1x16xf32>,
        %swap3A_275 = vector.shape_cast %swap3A_274 : vector<1x16xf32> to vector<16xf32>
        %swap3A_276 = vector.shape_cast %div3A_264 : vector<16xf32> to vector<1x16xf32>
        tpu.vector_store %arg16[%swap3A_272, %swap3A_273], %swap3A_276 {strides = array<i32>} : memref<64x128xf32, #tpu.memory_space<vmem>>, vector<1x16xf32>,
        %max3A = arith.constant 0.000000e+00 : f32
        %max3A_277 = vector.broadcast %max3A : f32 to vector<16xf32>
        %max3A_278 = arith.maximumf %add3A_256, %max3A_277 : vector<16xf32>
        %add3A_279 = arith.addf %get3A_254, %max3A_278 : vector<16xf32>
        %swap3A_280 = arith.constant 0 : i32
        %swap3A_281 = arith.index_cast %select_n3A_213 : i32 to index
        %swap3A_282 = arith.index_cast %swap3A_280 : i32 to index
        %swap3A_283 = arith.index_cast %mul3A_229 : i32 to index
        %swap3A_284 = tpu.vector_load %arg15[%swap3A_281, %swap3A_282, %swap3A_283] {strides = array<i32>} : memref<64x1x64xf32, #tpu.memory_space<vmem>>, vector<1x1x16xf32>,
        %swap3A_285 = vector.shape_cast %swap3A_284 : vector<1x1x16xf32> to vector<16xf32>
        %swap3A_286 = vector.shape_cast %add3A_279 : vector<16xf32> to vector<1x1x16xf32>
        tpu.vector_store %arg15[%swap3A_281, %swap3A_282, %swap3A_283], %swap3A_286 {strides = array<i32>} : memref<64x1x64xf32, #tpu.memory_space<vmem>>, vector<1x1x16xf32>,
        %scan3A_287 = arith.constant 0 : i32
        scf.yield %scan3A_287 : i32
      }
      %scan3A_186 = arith.constant 256 : i32
      "tpu.region"() ({
        %run_scoped3A = tpu.sem_alloc : memref<!tpu.dma_semaphore, #tpu.memory_space<semaphore_mem>>
        %dma_start3A_188 = arith.constant 0 : i32
        %dma_start3A_189 = tpu.memref_slice %arg8[%mul3A_155, %add3A_101, %dma_start3A_188] : memref<160000x4x64xf32, #tpu.memory_space<hbm>> -> memref<64x1x64xf32, #tpu.memory_space<hbm>>
        %dma_start3A_190 = arith.constant 0 : i32
        %dma_start3A_191 = tpu.memref_slice %arg8[%mul3A_155, %add3A_101, %dma_start3A_190] : memref<160000x4x64xf32, #tpu.memory_space<hbm>> -> memref<64x1x64xf32, #tpu.memory_space<hbm>>
        tpu.enqueue_dma source(%arg15 : memref<64x1x64xf32, #tpu.memory_space<vmem>>) target(%dma_start3A_191 : memref<64x1x64xf32, #tpu.memory_space<hbm>>) target_semaphore(%run_scoped3A : memref<!tpu.dma_semaphore, #tpu.memory_space<semaphore_mem>>)
        %dma_wait3A_192 = arith.constant 0 : i32
        %dma_wait3A_193 = tpu.memref_slice %arg8[%mul3A_155, %add3A_101, %dma_wait3A_192] : memref<160000x4x64xf32, #tpu.memory_space<hbm>> -> memref<64x1x64xf32, #tpu.memory_space<hbm>>
        %dma_wait3A_194 = arith.constant 0 : i32
        %dma_wait3A_195 = tpu.memref_slice %arg8[%mul3A_155, %add3A_101, %dma_wait3A_194] : memref<160000x4x64xf32, #tpu.memory_space<hbm>> -> memref<64x1x64xf32, #tpu.memory_space<hbm>>
        tpu.wait_dma2 semaphore(%run_scoped3A : memref<!tpu.dma_semaphore, #tpu.memory_space<semaphore_mem>>) src(%arg15 : memref<64x1x64xf32, #tpu.memory_space<vmem>>) dst(%dma_wait3A_195 : memref<64x1x64xf32, #tpu.memory_space<hbm>>)
        tpu.yield
      }) : () -> ()
      "tpu.region"() ({
        %run_scoped3A = tpu.sem_alloc : memref<!tpu.dma_semaphore, #tpu.memory_space<semaphore_mem>>
        %dma_start3A_188 = arith.constant 0 : i32
        %dma_start3A_189 = arith.constant 0 : i32
        %dma_start3A_190 = tpu.memref_slice %arg17[%dma_start3A_188, %dma_start3A_189] : memref<10000x128xf32, #tpu.memory_space<vmem_shared>> -> memref<10000x128xf32, #tpu.memory_space<vmem_shared>>
        tpu.enqueue_indirect_dma source(%arg16 : memref<64x128xf32, #tpu.memory_space<vmem>>) target(%dma_start3A_190 : memref<10000x128xf32, #tpu.memory_space<vmem_shared>>) offsets(%arg11 : memref<64xi32, #tpu.memory_space<vmem>>) semaphore(%run_scoped3A : memref<!tpu.dma_semaphore, #tpu.memory_space<semaphore_mem>>) {add = true}
        %dma_wait3A_191 = arith.constant 0 : i32
        %dma_wait3A_192 = arith.constant 0 : i32
        %dma_wait3A_193 = tpu.memref_slice %arg17[%dma_wait3A_191, %dma_wait3A_192] : memref<10000x128xf32, #tpu.memory_space<vmem_shared>> -> memref<10000x128xf32, #tpu.memory_space<vmem_shared>>
        tpu.wait_indirect_dma semaphore(%run_scoped3A : memref<!tpu.dma_semaphore, #tpu.memory_space<semaphore_mem>>) src(%arg16 : memref<64x128xf32, #tpu.memory_space<vmem>>) dst(%dma_wait3A_193 : memref<10000x128xf32, #tpu.memory_space<vmem_shared>>)
        tpu.yield
      }) : () -> ()
      %while3A_187 = arith.constant 0 : i32
      scf.yield %while3A_187 : i32
    }
    %barrier3A_136 = arith.constant 0 : index
    tpu.barrier barrier_id(%barrier3A_136)
    %while3A_137 = arith.constant 0 : i32
    %while3A_138 = arith.constant 0 : i32
    %while3A_139 = arith.subi %select_n3A, %while3A_137 : i32
    %while3A_140 = arith.addi %while3A_137, %while3A_139 : i32
    %while3A_141 = arith.constant 1 : i32
    %while3A_142 = arith.divsi %while3A_139, %while3A_141 : i32
    %while3A_143 = arith.muli %while3A_142, %while3A_141 : i32
    %while3A_144 = arith.addi %while3A_137, %while3A_143 : i32
    %while3A_145 = arith.constant 1 : i32
    %while3A_146 = scf.for %while3A_149 = %while3A_137 to %while3A_144 step %while3A_145 iter_args(%while3A_150 = %while3A_138) -> (i32)  : i32 {
      %mul3A_151 = arith.constant 16 : i32
      %mul3A_152 = arith.muli %while3A_149, %mul3A_151 : i32
      %add3A_153 = arith.addi %arg1, %mul3A_152 : i32
      %mul3A_154 = arith.constant 40 : i32
      %mul3A_155 = arith.muli %add3A_153, %mul3A_154 : i32
      %add3A_156 = arith.addi %mul3A_103, %mul3A_155 : i32
      "tpu.region"() ({
        %run_scoped3A = tpu.sem_alloc : memref<!tpu.dma_semaphore, #tpu.memory_space<semaphore_mem>>
        %dma_start3A = arith.constant 0 : i32
        %dma_start3A_158 = tpu.memref_slice %arg9[%add3A_156, %dma_start3A] : memref<40000x128xf32, #tpu.memory_space<hbm>> -> memref<40x128xf32, #tpu.memory_space<hbm>>
        %dma_start3A_159 = arith.constant 0 : i32
        %dma_start3A_160 = tpu.memref_slice %arg17[%mul3A_155, %dma_start3A_159] : memref<10000x128xf32, #tpu.memory_space<vmem_shared>> -> memref<40x128xf32, #tpu.memory_space<vmem_shared>>
        tpu.enqueue_dma source(%dma_start3A_160 : memref<40x128xf32, #tpu.memory_space<vmem_shared>>) target(%dma_start3A_158 : memref<40x128xf32, #tpu.memory_space<hbm>>) target_semaphore(%run_scoped3A : memref<!tpu.dma_semaphore, #tpu.memory_space<semaphore_mem>>)
        %dma_wait3A = arith.constant 0 : i32
        %dma_wait3A_161 = tpu.memref_slice %arg9[%add3A_156, %dma_wait3A] : memref<40000x128xf32, #tpu.memory_space<hbm>> -> memref<40x128xf32, #tpu.memory_space<hbm>>
        %dma_wait3A_162 = arith.constant 0 : i32
        %dma_wait3A_163 = tpu.memref_slice %arg17[%mul3A_155, %dma_wait3A_162] : memref<10000x128xf32, #tpu.memory_space<vmem_shared>> -> memref<40x128xf32, #tpu.memory_space<vmem_shared>>
        tpu.wait_dma2 semaphore(%run_scoped3A : memref<!tpu.dma_semaphore, #tpu.memory_space<semaphore_mem>>) src(%dma_wait3A_163 : memref<40x128xf32, #tpu.memory_space<vmem_shared>>) dst(%dma_wait3A_161 : memref<40x128xf32, #tpu.memory_space<hbm>>)
        tpu.yield
      }) : () -> ()
      %while3A_157 = arith.constant 0 : i32
      scf.yield %while3A_157 : i32
    }
    %while3A_147 = arith.constant 1 : i32
    %while3A_148 = scf.for %while3A_149 = %while3A_144 to %while3A_140 step %while3A_147 iter_args(%while3A_150 = %while3A_146) -> (i32)  : i32 {
      %mul3A_151 = arith.constant 16 : i32
      %mul3A_152 = arith.muli %while3A_149, %mul3A_151 : i32
      %add3A_153 = arith.addi %arg1, %mul3A_152 : i32
      %mul3A_154 = arith.constant 40 : i32
      %mul3A_155 = arith.muli %add3A_153, %mul3A_154 : i32
      %add3A_156 = arith.addi %mul3A_103, %mul3A_155 : i32
      "tpu.region"() ({
        %run_scoped3A = tpu.sem_alloc : memref<!tpu.dma_semaphore, #tpu.memory_space<semaphore_mem>>
        %dma_start3A = arith.constant 0 : i32
        %dma_start3A_158 = tpu.memref_slice %arg9[%add3A_156, %dma_start3A] : memref<40000x128xf32, #tpu.memory_space<hbm>> -> memref<40x128xf32, #tpu.memory_space<hbm>>
        %dma_start3A_159 = arith.constant 0 : i32
        %dma_start3A_160 = tpu.memref_slice %arg17[%mul3A_155, %dma_start3A_159] : memref<10000x128xf32, #tpu.memory_space<vmem_shared>> -> memref<40x128xf32, #tpu.memory_space<vmem_shared>>
        tpu.enqueue_dma source(%dma_start3A_160 : memref<40x128xf32, #tpu.memory_space<vmem_shared>>) target(%dma_start3A_158 : memref<40x128xf32, #tpu.memory_space<hbm>>) target_semaphore(%run_scoped3A : memref<!tpu.dma_semaphore, #tpu.memory_space<semaphore_mem>>)
        %dma_wait3A = arith.constant 0 : i32
        %dma_wait3A_161 = tpu.memref_slice %arg9[%add3A_156, %dma_wait3A] : memref<40000x128xf32, #tpu.memory_space<hbm>> -> memref<40x128xf32, #tpu.memory_space<hbm>>
        %dma_wait3A_162 = arith.constant 0 : i32
        %dma_wait3A_163 = tpu.memref_slice %arg17[%mul3A_155, %dma_wait3A_162] : memref<10000x128xf32, #tpu.memory_space<vmem_shared>> -> memref<40x128xf32, #tpu.memory_space<vmem_shared>>
        tpu.wait_dma2 semaphore(%run_scoped3A : memref<!tpu.dma_semaphore, #tpu.memory_space<semaphore_mem>>) src(%dma_wait3A_163 : memref<40x128xf32, #tpu.memory_space<vmem_shared>>) dst(%dma_wait3A_161 : memref<40x128xf32, #tpu.memory_space<hbm>>)
        tpu.yield
      }) : () -> ()
      %while3A_157 = arith.constant 0 : i32
      scf.yield %while3A_157 : i32
    }
    return
  }
}

module attributes {stable_mosaic.version = 14 : i64} {
  func.func @_edge_mm_body(%arg0: i32, %arg1: memref<2000x256xf32, #tpu.memory_space<vmem>>, %arg2: memref<256x256xf32, #tpu.memory_space<vmem>>, %arg3: memref<1x256xf32, #tpu.memory_space<vmem>>, %arg4: memref<2000x256xf32, #tpu.memory_space<vmem>>) attributes {dimension_semantics = [#tpu.dimension_semantics<arbitrary>], iteration_bounds = array<i64: 80>, scalar_prefetch = 0 : i64, scratch_operands = 0 : i64, tpu.core_type = #tpu.core_type<tc>, window_params = [{transform_indices = @transform_0, window_bounds = array<i64: 2000, 256>}, {pipeline_mode = #tpu.pipeline_mode<synchronous>, transform_indices = @transform_1, window_bounds = array<i64: 256, 256>}, {pipeline_mode = #tpu.pipeline_mode<synchronous>, transform_indices = @transform_2, window_bounds = array<i64: 1, 256>}, {transform_indices = @transform_3, window_bounds = array<i64: 2000, 256>}]} {
    %get3A = arith.constant 0 : index
    %get3A_0 = arith.constant 0 : index
    %get3A_1 = vector.load %arg1[%get3A, %get3A_0] : memref<2000x256xf32, #tpu.memory_space<vmem>>, vector<2000x256xf32>
    %get3A_2 = arith.constant 0 : index
    %get3A_3 = arith.constant 0 : index
    %get3A_4 = vector.load %arg2[%get3A_2, %get3A_3] : memref<256x256xf32, #tpu.memory_space<vmem>>, vector<256x256xf32>
    %dot_general3A = arith.constant dense<0.000000e+00> : vector<2000x256xf32>
    %dot_general3A_5 = tpu.matmul %get3A_1, %get3A_4, %dot_general3A {dimension_numbers = #tpu.dot_dimension_numbers<[1], [1], [0], [0], [0, 0, 1, 0], [], []>, transpose_lhs_hint = false} : vector<2000x256xf32>, vector<256x256xf32>, vector<2000x256xf32> -> vector<2000x256xf32>
    %get3A_6 = arith.constant 0 : index
    %get3A_7 = arith.constant 0 : index
    %get3A_8 = vector.load %arg3[%get3A_6, %get3A_7] : memref<1x256xf32, #tpu.memory_space<vmem>>, vector<1x256xf32>
    %add3A = vector.broadcast %get3A_8 : vector<1x256xf32> to vector<2000x256xf32>
    %add3A_9 = arith.addf %dot_general3A_5, %add3A : vector<2000x256xf32>
    %swap3A = arith.constant 0 : index
    %swap3A_10 = arith.constant 0 : index
    %swap3A_11 = vector.load %arg4[%swap3A, %swap3A_10] : memref<2000x256xf32, #tpu.memory_space<vmem>>, vector<2000x256xf32>
    tpu.vector_store %arg4[%swap3A, %swap3A_10], %add3A_9 {strides = array<i32>} : memref<2000x256xf32, #tpu.memory_space<vmem>>, vector<2000x256xf32>,
    return
  }
  func.func @transform_0(%arg0: i32) -> (i32, i32) {
    %c0_i32 = arith.constant 0 : i32
    %c0_i32_0 = arith.constant 0 : i32
    return %arg0, %c0_i32 : i32, i32
  }
  func.func @transform_1(%arg0: i32) -> (i32, i32) {
    %c0_i32 = arith.constant 0 : i32
    %c0_i32_0 = arith.constant 0 : i32
    %c0_i32_1 = arith.constant 0 : i32
    return %c0_i32, %c0_i32_0 : i32, i32
  }
  func.func @transform_2(%arg0: i32) -> (i32, i32) {
    %c0_i32 = arith.constant 0 : i32
    %c0_i32_0 = arith.constant 0 : i32
    %c0_i32_1 = arith.constant 0 : i32
    return %c0_i32, %c0_i32_0 : i32, i32
  }
  func.func @transform_3(%arg0: i32) -> (i32, i32) {
    %c0_i32 = arith.constant 0 : i32
    %c0_i32_0 = arith.constant 0 : i32
    return %arg0, %c0_i32 : i32, i32
  }
}

module attributes {stable_mosaic.version = 14 : i64} {
  func.func @_node_mm_body(%arg0: i32, %arg1: memref<400x256xf32, #tpu.memory_space<vmem>>, %arg2: memref<256x256xf32, #tpu.memory_space<vmem>>, %arg3: memref<1x256xf32, #tpu.memory_space<vmem>>, %arg4: memref<256x256xf32, #tpu.memory_space<vmem>>, %arg5: memref<1x256xf32, #tpu.memory_space<vmem>>, %arg6: memref<256x256xf32, #tpu.memory_space<vmem>>, %arg7: memref<1x256xf32, #tpu.memory_space<vmem>>, %arg8: memref<256x256xf32, #tpu.memory_space<vmem>>, %arg9: memref<1x256xf32, #tpu.memory_space<vmem>>, %arg10: memref<400x256xf32, #tpu.memory_space<vmem>>, %arg11: memref<4x400x128xf32, #tpu.memory_space<vmem>>, %arg12: memref<4x400x128xf32, #tpu.memory_space<vmem>>) attributes {dimension_semantics = [#tpu.dimension_semantics<arbitrary>], iteration_bounds = array<i64: 25>, scalar_prefetch = 0 : i64, scratch_operands = 0 : i64, tpu.core_type = #tpu.core_type<tc>, window_params = [{transform_indices = @transform_0, window_bounds = array<i64: 400, 256>}, {pipeline_mode = #tpu.pipeline_mode<synchronous>, transform_indices = @transform_1, window_bounds = array<i64: 256, 256>}, {pipeline_mode = #tpu.pipeline_mode<synchronous>, transform_indices = @transform_2, window_bounds = array<i64: 1, 256>}, {pipeline_mode = #tpu.pipeline_mode<synchronous>, transform_indices = @transform_3, window_bounds = array<i64: 256, 256>}, {pipeline_mode = #tpu.pipeline_mode<synchronous>, transform_indices = @transform_4, window_bounds = array<i64: 1, 256>}, {pipeline_mode = #tpu.pipeline_mode<synchronous>, transform_indices = @transform_5, window_bounds = array<i64: 256, 256>}, {pipeline_mode = #tpu.pipeline_mode<synchronous>, transform_indices = @transform_6, window_bounds = array<i64: 1, 256>}, {pipeline_mode = #tpu.pipeline_mode<synchronous>, transform_indices = @transform_7, window_bounds = array<i64: 256, 256>}, {pipeline_mode = #tpu.pipeline_mode<synchronous>, transform_indices = @transform_8, window_bounds = array<i64: 1, 256>}, {transform_indices = @transform_9, window_bounds = array<i64: 400, 256>}, {transform_indices = @transform_10, window_bounds = array<i64: 4, 400, 128>}, {transform_indices = @transform_11, window_bounds = array<i64: 4, 400, 128>}]} {
    %get3A = arith.constant 0 : index
    %get3A_0 = arith.constant 0 : index
    %get3A_1 = vector.load %arg1[%get3A, %get3A_0] : memref<400x256xf32, #tpu.memory_space<vmem>>, vector<400x256xf32>
    %get3A_2 = arith.constant 0 : index
    %get3A_3 = arith.constant 0 : index
    %get3A_4 = vector.load %arg2[%get3A_2, %get3A_3] : memref<256x256xf32, #tpu.memory_space<vmem>>, vector<256x256xf32>
    %dot_general3A = arith.constant dense<0.000000e+00> : vector<400x256xf32>
    %dot_general3A_5 = tpu.matmul %get3A_1, %get3A_4, %dot_general3A {dimension_numbers = #tpu.dot_dimension_numbers<[1], [1], [0], [0], [0, 0, 1, 0], [], []>, transpose_lhs_hint = false} : vector<400x256xf32>, vector<256x256xf32>, vector<400x256xf32> -> vector<400x256xf32>
    %get3A_6 = arith.constant 0 : index
    %get3A_7 = arith.constant 0 : index
    %get3A_8 = vector.load %arg3[%get3A_6, %get3A_7] : memref<1x256xf32, #tpu.memory_space<vmem>>, vector<1x256xf32>
    %add3A = vector.broadcast %get3A_8 : vector<1x256xf32> to vector<400x256xf32>
    %add3A_9 = arith.addf %dot_general3A_5, %add3A : vector<400x256xf32>
    %swap3A = arith.constant 0 : index
    %swap3A_10 = arith.constant 0 : index
    %swap3A_11 = vector.load %arg10[%swap3A, %swap3A_10] : memref<400x256xf32, #tpu.memory_space<vmem>>, vector<400x256xf32>
    tpu.vector_store %arg10[%swap3A, %swap3A_10], %add3A_9 {strides = array<i32>} : memref<400x256xf32, #tpu.memory_space<vmem>>, vector<400x256xf32>,
    %get3A_12 = arith.constant 0 : index
    %get3A_13 = arith.constant 0 : index
    %get3A_14 = vector.load %arg4[%get3A_12, %get3A_13] : memref<256x256xf32, #tpu.memory_space<vmem>>, vector<256x256xf32>
    %dot_general3A_15 = arith.constant dense<0.000000e+00> : vector<400x256xf32>
    %dot_general3A_16 = tpu.matmul %get3A_1, %get3A_14, %dot_general3A_15 {dimension_numbers = #tpu.dot_dimension_numbers<[1], [1], [0], [0], [0, 0, 1, 0], [], []>, transpose_lhs_hint = false} : vector<400x256xf32>, vector<256x256xf32>, vector<400x256xf32> -> vector<400x256xf32>
    %get3A_17 = arith.constant 0 : index
    %get3A_18 = arith.constant 0 : index
    %get3A_19 = vector.load %arg5[%get3A_17, %get3A_18] : memref<1x256xf32, #tpu.memory_space<vmem>>, vector<1x256xf32>
    %add3A_20 = vector.broadcast %get3A_19 : vector<1x256xf32> to vector<400x256xf32>
    %add3A_21 = arith.addf %dot_general3A_16, %add3A_20 : vector<400x256xf32>
    %get3A_22 = arith.constant 0 : index
    %get3A_23 = arith.constant 0 : index
    %get3A_24 = vector.load %arg6[%get3A_22, %get3A_23] : memref<256x256xf32, #tpu.memory_space<vmem>>, vector<256x256xf32>
    %dot_general3A_25 = arith.constant dense<0.000000e+00> : vector<400x256xf32>
    %dot_general3A_26 = tpu.matmul %get3A_1, %get3A_24, %dot_general3A_25 {dimension_numbers = #tpu.dot_dimension_numbers<[1], [1], [0], [0], [0, 0, 1, 0], [], []>, transpose_lhs_hint = false} : vector<400x256xf32>, vector<256x256xf32>, vector<400x256xf32> -> vector<400x256xf32>
    %get3A_27 = arith.constant 0 : index
    %get3A_28 = arith.constant 0 : index
    %get3A_29 = vector.load %arg7[%get3A_27, %get3A_28] : memref<1x256xf32, #tpu.memory_space<vmem>>, vector<1x256xf32>
    %add3A_30 = vector.broadcast %get3A_29 : vector<1x256xf32> to vector<400x256xf32>
    %add3A_31 = arith.addf %dot_general3A_26, %add3A_30 : vector<400x256xf32>
    %get3A_32 = arith.constant 0 : index
    %get3A_33 = arith.constant 0 : index
    %get3A_34 = vector.load %arg8[%get3A_32, %get3A_33] : memref<256x256xf32, #tpu.memory_space<vmem>>, vector<256x256xf32>
    %dot_general3A_35 = arith.constant dense<0.000000e+00> : vector<400x256xf32>
    %dot_general3A_36 = tpu.matmul %get3A_1, %get3A_34, %dot_general3A_35 {dimension_numbers = #tpu.dot_dimension_numbers<[1], [1], [0], [0], [0, 0, 1, 0], [], []>, transpose_lhs_hint = false} : vector<400x256xf32>, vector<256x256xf32>, vector<400x256xf32> -> vector<400x256xf32>
    %get3A_37 = arith.constant 0 : index
    %get3A_38 = arith.constant 0 : index
    %get3A_39 = vector.load %arg9[%get3A_37, %get3A_38] : memref<1x256xf32, #tpu.memory_space<vmem>>, vector<1x256xf32>
    %add3A_40 = vector.broadcast %get3A_39 : vector<1x256xf32> to vector<400x256xf32>
    %add3A_41 = arith.addf %dot_general3A_36, %add3A_40 : vector<400x256xf32>
    %slice3A = vector.extract_strided_slice %add3A_31 {offsets = [0, 0], sizes = [400, 64], strides = [1, 1]} : vector<400x256xf32> to vector<400x64xf32>
    %swap3A_42 = arith.constant 0 : index
    %swap3A_43 = arith.constant 0 : index
    %swap3A_44 = arith.constant 0 : index
    %swap3A_45 = vector.load %arg11[%swap3A_42, %swap3A_43, %swap3A_44] : memref<4x400x128xf32, #tpu.memory_space<vmem>>, vector<1x400x64xf32>
    %swap3A_46 = vector.shape_cast %swap3A_45 : vector<1x400x64xf32> to vector<400x64xf32>
    %swap3A_47 = vector.shape_cast %slice3A : vector<400x64xf32> to vector<1x400x64xf32>
    tpu.vector_store %arg11[%swap3A_42, %swap3A_43, %swap3A_44], %swap3A_47 {strides = array<i32>} : memref<4x400x128xf32, #tpu.memory_space<vmem>>, vector<1x400x64xf32>,
    %slice3A_48 = vector.extract_strided_slice %add3A_21 {offsets = [0, 0], sizes = [400, 64], strides = [1, 1]} : vector<400x256xf32> to vector<400x64xf32>
    %swap3A_49 = arith.constant 0 : index
    %swap3A_50 = arith.constant 0 : index
    %swap3A_51 = arith.constant 64 : index
    %swap3A_52 = vector.load %arg11[%swap3A_49, %swap3A_50, %swap3A_51] : memref<4x400x128xf32, #tpu.memory_space<vmem>>, vector<1x400x64xf32>
    %swap3A_53 = vector.shape_cast %swap3A_52 : vector<1x400x64xf32> to vector<400x64xf32>
    %swap3A_54 = vector.shape_cast %slice3A_48 : vector<400x64xf32> to vector<1x400x64xf32>
    tpu.vector_store %arg11[%swap3A_49, %swap3A_50, %swap3A_51], %swap3A_54 {strides = array<i32>} : memref<4x400x128xf32, #tpu.memory_space<vmem>>, vector<1x400x64xf32>,
    %slice3A_55 = vector.extract_strided_slice %add3A_41 {offsets = [0, 0], sizes = [400, 64], strides = [1, 1]} : vector<400x256xf32> to vector<400x64xf32>
    %swap3A_56 = arith.constant 0 : index
    %swap3A_57 = arith.constant 0 : index
    %swap3A_58 = arith.constant 0 : index
    %swap3A_59 = vector.load %arg12[%swap3A_56, %swap3A_57, %swap3A_58] : memref<4x400x128xf32, #tpu.memory_space<vmem>>, vector<1x400x64xf32>
    %swap3A_60 = vector.shape_cast %swap3A_59 : vector<1x400x64xf32> to vector<400x64xf32>
    %swap3A_61 = vector.shape_cast %slice3A_55 : vector<400x64xf32> to vector<1x400x64xf32>
    tpu.vector_store %arg12[%swap3A_56, %swap3A_57, %swap3A_58], %swap3A_61 {strides = array<i32>} : memref<4x400x128xf32, #tpu.memory_space<vmem>>, vector<1x400x64xf32>,
    %slice3A_62 = vector.extract_strided_slice %add3A_41 {offsets = [0, 0], sizes = [400, 64], strides = [1, 1]} : vector<400x256xf32> to vector<400x64xf32>
    %swap3A_63 = arith.constant 0 : index
    %swap3A_64 = arith.constant 0 : index
    %swap3A_65 = arith.constant 64 : index
    %swap3A_66 = vector.load %arg12[%swap3A_63, %swap3A_64, %swap3A_65] : memref<4x400x128xf32, #tpu.memory_space<vmem>>, vector<1x400x64xf32>
    %swap3A_67 = vector.shape_cast %swap3A_66 : vector<1x400x64xf32> to vector<400x64xf32>
    %swap3A_68 = vector.shape_cast %slice3A_62 : vector<400x64xf32> to vector<1x400x64xf32>
    tpu.vector_store %arg12[%swap3A_63, %swap3A_64, %swap3A_65], %swap3A_68 {strides = array<i32>} : memref<4x400x128xf32, #tpu.memory_space<vmem>>, vector<1x400x64xf32>,
    %slice3A_69 = vector.extract_strided_slice %add3A_31 {offsets = [0, 64], sizes = [400, 64], strides = [1, 1]} : vector<400x256xf32> to vector<400x64xf32>
    %swap3A_70 = arith.constant 1 : index
    %swap3A_71 = arith.constant 0 : index
    %swap3A_72 = arith.constant 0 : index
    %swap3A_73 = vector.load %arg11[%swap3A_70, %swap3A_71, %swap3A_72] : memref<4x400x128xf32, #tpu.memory_space<vmem>>, vector<1x400x64xf32>
    %swap3A_74 = vector.shape_cast %swap3A_73 : vector<1x400x64xf32> to vector<400x64xf32>
    %swap3A_75 = vector.shape_cast %slice3A_69 : vector<400x64xf32> to vector<1x400x64xf32>
    tpu.vector_store %arg11[%swap3A_70, %swap3A_71, %swap3A_72], %swap3A_75 {strides = array<i32>} : memref<4x400x128xf32, #tpu.memory_space<vmem>>, vector<1x400x64xf32>,
    %slice3A_76 = vector.extract_strided_slice %add3A_21 {offsets = [0, 64], sizes = [400, 64], strides = [1, 1]} : vector<400x256xf32> to vector<400x64xf32>
    %swap3A_77 = arith.constant 1 : index
    %swap3A_78 = arith.constant 0 : index
    %swap3A_79 = arith.constant 64 : index
    %swap3A_80 = vector.load %arg11[%swap3A_77, %swap3A_78, %swap3A_79] : memref<4x400x128xf32, #tpu.memory_space<vmem>>, vector<1x400x64xf32>
    %swap3A_81 = vector.shape_cast %swap3A_80 : vector<1x400x64xf32> to vector<400x64xf32>
    %swap3A_82 = vector.shape_cast %slice3A_76 : vector<400x64xf32> to vector<1x400x64xf32>
    tpu.vector_store %arg11[%swap3A_77, %swap3A_78, %swap3A_79], %swap3A_82 {strides = array<i32>} : memref<4x400x128xf32, #tpu.memory_space<vmem>>, vector<1x400x64xf32>,
    %slice3A_83 = vector.extract_strided_slice %add3A_41 {offsets = [0, 64], sizes = [400, 64], strides = [1, 1]} : vector<400x256xf32> to vector<400x64xf32>
    %swap3A_84 = arith.constant 1 : index
    %swap3A_85 = arith.constant 0 : index
    %swap3A_86 = arith.constant 0 : index
    %swap3A_87 = vector.load %arg12[%swap3A_84, %swap3A_85, %swap3A_86] : memref<4x400x128xf32, #tpu.memory_space<vmem>>, vector<1x400x64xf32>
    %swap3A_88 = vector.shape_cast %swap3A_87 : vector<1x400x64xf32> to vector<400x64xf32>
    %swap3A_89 = vector.shape_cast %slice3A_83 : vector<400x64xf32> to vector<1x400x64xf32>
    tpu.vector_store %arg12[%swap3A_84, %swap3A_85, %swap3A_86], %swap3A_89 {strides = array<i32>} : memref<4x400x128xf32, #tpu.memory_space<vmem>>, vector<1x400x64xf32>,
    %slice3A_90 = vector.extract_strided_slice %add3A_41 {offsets = [0, 64], sizes = [400, 64], strides = [1, 1]} : vector<400x256xf32> to vector<400x64xf32>
    %swap3A_91 = arith.constant 1 : index
    %swap3A_92 = arith.constant 0 : index
    %swap3A_93 = arith.constant 64 : index
    %swap3A_94 = vector.load %arg12[%swap3A_91, %swap3A_92, %swap3A_93] : memref<4x400x128xf32, #tpu.memory_space<vmem>>, vector<1x400x64xf32>
    %swap3A_95 = vector.shape_cast %swap3A_94 : vector<1x400x64xf32> to vector<400x64xf32>
    %swap3A_96 = vector.shape_cast %slice3A_90 : vector<400x64xf32> to vector<1x400x64xf32>
    tpu.vector_store %arg12[%swap3A_91, %swap3A_92, %swap3A_93], %swap3A_96 {strides = array<i32>} : memref<4x400x128xf32, #tpu.memory_space<vmem>>, vector<1x400x64xf32>,
    %slice3A_97 = vector.extract_strided_slice %add3A_31 {offsets = [0, 128], sizes = [400, 64], strides = [1, 1]} : vector<400x256xf32> to vector<400x64xf32>
    %swap3A_98 = arith.constant 2 : index
    %swap3A_99 = arith.constant 0 : index
    %swap3A_100 = arith.constant 0 : index
    %swap3A_101 = vector.load %arg11[%swap3A_98, %swap3A_99, %swap3A_100] : memref<4x400x128xf32, #tpu.memory_space<vmem>>, vector<1x400x64xf32>
    %swap3A_102 = vector.shape_cast %swap3A_101 : vector<1x400x64xf32> to vector<400x64xf32>
    %swap3A_103 = vector.shape_cast %slice3A_97 : vector<400x64xf32> to vector<1x400x64xf32>
    tpu.vector_store %arg11[%swap3A_98, %swap3A_99, %swap3A_100], %swap3A_103 {strides = array<i32>} : memref<4x400x128xf32, #tpu.memory_space<vmem>>, vector<1x400x64xf32>,
    %slice3A_104 = vector.extract_strided_slice %add3A_21 {offsets = [0, 128], sizes = [400, 64], strides = [1, 1]} : vector<400x256xf32> to vector<400x64xf32>
    %swap3A_105 = arith.constant 2 : index
    %swap3A_106 = arith.constant 0 : index
    %swap3A_107 = arith.constant 64 : index
    %swap3A_108 = vector.load %arg11[%swap3A_105, %swap3A_106, %swap3A_107] : memref<4x400x128xf32, #tpu.memory_space<vmem>>, vector<1x400x64xf32>
    %swap3A_109 = vector.shape_cast %swap3A_108 : vector<1x400x64xf32> to vector<400x64xf32>
    %swap3A_110 = vector.shape_cast %slice3A_104 : vector<400x64xf32> to vector<1x400x64xf32>
    tpu.vector_store %arg11[%swap3A_105, %swap3A_106, %swap3A_107], %swap3A_110 {strides = array<i32>} : memref<4x400x128xf32, #tpu.memory_space<vmem>>, vector<1x400x64xf32>,
    %slice3A_111 = vector.extract_strided_slice %add3A_41 {offsets = [0, 128], sizes = [400, 64], strides = [1, 1]} : vector<400x256xf32> to vector<400x64xf32>
    %swap3A_112 = arith.constant 2 : index
    %swap3A_113 = arith.constant 0 : index
    %swap3A_114 = arith.constant 0 : index
    %swap3A_115 = vector.load %arg12[%swap3A_112, %swap3A_113, %swap3A_114] : memref<4x400x128xf32, #tpu.memory_space<vmem>>, vector<1x400x64xf32>
    %swap3A_116 = vector.shape_cast %swap3A_115 : vector<1x400x64xf32> to vector<400x64xf32>
    %swap3A_117 = vector.shape_cast %slice3A_111 : vector<400x64xf32> to vector<1x400x64xf32>
    tpu.vector_store %arg12[%swap3A_112, %swap3A_113, %swap3A_114], %swap3A_117 {strides = array<i32>} : memref<4x400x128xf32, #tpu.memory_space<vmem>>, vector<1x400x64xf32>,
    %slice3A_118 = vector.extract_strided_slice %add3A_41 {offsets = [0, 128], sizes = [400, 64], strides = [1, 1]} : vector<400x256xf32> to vector<400x64xf32>
    %swap3A_119 = arith.constant 2 : index
    %swap3A_120 = arith.constant 0 : index
    %swap3A_121 = arith.constant 64 : index
    %swap3A_122 = vector.load %arg12[%swap3A_119, %swap3A_120, %swap3A_121] : memref<4x400x128xf32, #tpu.memory_space<vmem>>, vector<1x400x64xf32>
    %swap3A_123 = vector.shape_cast %swap3A_122 : vector<1x400x64xf32> to vector<400x64xf32>
    %swap3A_124 = vector.shape_cast %slice3A_118 : vector<400x64xf32> to vector<1x400x64xf32>
    tpu.vector_store %arg12[%swap3A_119, %swap3A_120, %swap3A_121], %swap3A_124 {strides = array<i32>} : memref<4x400x128xf32, #tpu.memory_space<vmem>>, vector<1x400x64xf32>,
    %slice3A_125 = vector.extract_strided_slice %add3A_31 {offsets = [0, 192], sizes = [400, 64], strides = [1, 1]} : vector<400x256xf32> to vector<400x64xf32>
    %swap3A_126 = arith.constant 3 : index
    %swap3A_127 = arith.constant 0 : index
    %swap3A_128 = arith.constant 0 : index
    %swap3A_129 = vector.load %arg11[%swap3A_126, %swap3A_127, %swap3A_128] : memref<4x400x128xf32, #tpu.memory_space<vmem>>, vector<1x400x64xf32>
    %swap3A_130 = vector.shape_cast %swap3A_129 : vector<1x400x64xf32> to vector<400x64xf32>
    %swap3A_131 = vector.shape_cast %slice3A_125 : vector<400x64xf32> to vector<1x400x64xf32>
    tpu.vector_store %arg11[%swap3A_126, %swap3A_127, %swap3A_128], %swap3A_131 {strides = array<i32>} : memref<4x400x128xf32, #tpu.memory_space<vmem>>, vector<1x400x64xf32>,
    %slice3A_132 = vector.extract_strided_slice %add3A_21 {offsets = [0, 192], sizes = [400, 64], strides = [1, 1]} : vector<400x256xf32> to vector<400x64xf32>
    %swap3A_133 = arith.constant 3 : index
    %swap3A_134 = arith.constant 0 : index
    %swap3A_135 = arith.constant 64 : index
    %swap3A_136 = vector.load %arg11[%swap3A_133, %swap3A_134, %swap3A_135] : memref<4x400x128xf32, #tpu.memory_space<vmem>>, vector<1x400x64xf32>
    %swap3A_137 = vector.shape_cast %swap3A_136 : vector<1x400x64xf32> to vector<400x64xf32>
    %swap3A_138 = vector.shape_cast %slice3A_132 : vector<400x64xf32> to vector<1x400x64xf32>
    tpu.vector_store %arg11[%swap3A_133, %swap3A_134, %swap3A_135], %swap3A_138 {strides = array<i32>} : memref<4x400x128xf32, #tpu.memory_space<vmem>>, vector<1x400x64xf32>,
    %slice3A_139 = vector.extract_strided_slice %add3A_41 {offsets = [0, 192], sizes = [400, 64], strides = [1, 1]} : vector<400x256xf32> to vector<400x64xf32>
    %swap3A_140 = arith.constant 3 : index
    %swap3A_141 = arith.constant 0 : index
    %swap3A_142 = arith.constant 0 : index
    %swap3A_143 = vector.load %arg12[%swap3A_140, %swap3A_141, %swap3A_142] : memref<4x400x128xf32, #tpu.memory_space<vmem>>, vector<1x400x64xf32>
    %swap3A_144 = vector.shape_cast %swap3A_143 : vector<1x400x64xf32> to vector<400x64xf32>
    %swap3A_145 = vector.shape_cast %slice3A_139 : vector<400x64xf32> to vector<1x400x64xf32>
    tpu.vector_store %arg12[%swap3A_140, %swap3A_141, %swap3A_142], %swap3A_145 {strides = array<i32>} : memref<4x400x128xf32, #tpu.memory_space<vmem>>, vector<1x400x64xf32>,
    %slice3A_146 = vector.extract_strided_slice %add3A_41 {offsets = [0, 192], sizes = [400, 64], strides = [1, 1]} : vector<400x256xf32> to vector<400x64xf32>
    %swap3A_147 = arith.constant 3 : index
    %swap3A_148 = arith.constant 0 : index
    %swap3A_149 = arith.constant 64 : index
    %swap3A_150 = vector.load %arg12[%swap3A_147, %swap3A_148, %swap3A_149] : memref<4x400x128xf32, #tpu.memory_space<vmem>>, vector<1x400x64xf32>
    %swap3A_151 = vector.shape_cast %swap3A_150 : vector<1x400x64xf32> to vector<400x64xf32>
    %swap3A_152 = vector.shape_cast %slice3A_146 : vector<400x64xf32> to vector<1x400x64xf32>
    tpu.vector_store %arg12[%swap3A_147, %swap3A_148, %swap3A_149], %swap3A_152 {strides = array<i32>} : memref<4x400x128xf32, #tpu.memory_space<vmem>>, vector<1x400x64xf32>,
    return
  }
  func.func @transform_0(%arg0: i32) -> (i32, i32) {
    %c0_i32 = arith.constant 0 : i32
    %c0_i32_0 = arith.constant 0 : i32
    return %arg0, %c0_i32 : i32, i32
  }
  func.func @transform_1(%arg0: i32) -> (i32, i32) {
    %c0_i32 = arith.constant 0 : i32
    %c0_i32_0 = arith.constant 0 : i32
    %c0_i32_1 = arith.constant 0 : i32
    return %c0_i32, %c0_i32_0 : i32, i32
  }
  func.func @transform_2(%arg0: i32) -> (i32, i32) {
    %c0_i32 = arith.constant 0 : i32
    %c0_i32_0 = arith.constant 0 : i32
    %c0_i32_1 = arith.constant 0 : i32
    return %c0_i32, %c0_i32_0 : i32, i32
  }
  func.func @transform_3(%arg0: i32) -> (i32, i32) {
    %c0_i32 = arith.constant 0 : i32
    %c0_i32_0 = arith.constant 0 : i32
    %c0_i32_1 = arith.constant 0 : i32
    return %c0_i32, %c0_i32_0 : i32, i32
  }
  func.func @transform_4(%arg0: i32) -> (i32, i32) {
    %c0_i32 = arith.constant 0 : i32
    %c0_i32_0 = arith.constant 0 : i32
    %c0_i32_1 = arith.constant 0 : i32
    return %c0_i32, %c0_i32_0 : i32, i32
  }
  func.func @transform_5(%arg0: i32) -> (i32, i32) {
    %c0_i32 = arith.constant 0 : i32
    %c0_i32_0 = arith.constant 0 : i32
    %c0_i32_1 = arith.constant 0 : i32
    return %c0_i32, %c0_i32_0 : i32, i32
  }
  func.func @transform_6(%arg0: i32) -> (i32, i32) {
    %c0_i32 = arith.constant 0 : i32
    %c0_i32_0 = arith.constant 0 : i32
    %c0_i32_1 = arith.constant 0 : i32
    return %c0_i32, %c0_i32_0 : i32, i32
  }
  func.func @transform_7(%arg0: i32) -> (i32, i32) {
    %c0_i32 = arith.constant 0 : i32
    %c0_i32_0 = arith.constant 0 : i32
    %c0_i32_1 = arith.constant 0 : i32
    return %c0_i32, %c0_i32_0 : i32, i32
  }
  func.func @transform_8(%arg0: i32) -> (i32, i32) {
    %c0_i32 = arith.constant 0 : i32
    %c0_i32_0 = arith.constant 0 : i32
    %c0_i32_1 = arith.constant 0 : i32
    return %c0_i32, %c0_i32_0 : i32, i32
  }
  func.func @transform_9(%arg0: i32) -> (i32, i32) {
    %c0_i32 = arith.constant 0 : i32
    %c0_i32_0 = arith.constant 0 : i32
    return %arg0, %c0_i32 : i32, i32
  }
  func.func @transform_10(%arg0: i32) -> (i32, i32, i32) {
    %c0_i32 = arith.constant 0 : i32
    %c0_i32_0 = arith.constant 0 : i32
    %c0_i32_1 = arith.constant 0 : i32
    return %c0_i32, %arg0, %c0_i32_0 : i32, i32, i32
  }
  func.func @transform_11(%arg0: i32) -> (i32, i32, i32) {
    %c0_i32 = arith.constant 0 : i32
    %c0_i32_0 = arith.constant 0 : i32
    %c0_i32_1 = arith.constant 0 : i32
    return %c0_i32, %arg0, %c0_i32_0 : i32, i32, i32
  }
}

module attributes {stable_mosaic.version = 14 : i64} {
  func.func @_h_out_body(%arg0: i32, %arg1: memref<400x256xf32, #tpu.memory_space<vmem>>, %arg2: memref<400x256xf32, #tpu.memory_space<vmem>>, %arg3: memref<4x400x128xf32, #tpu.memory_space<vmem>>, %arg4: memref<400x256xf32, #tpu.memory_space<vmem>>) attributes {dimension_semantics = [#tpu.dimension_semantics<arbitrary>], iteration_bounds = array<i64: 25>, scalar_prefetch = 0 : i64, scratch_operands = 0 : i64, tpu.core_type = #tpu.core_type<tc>, window_params = [{transform_indices = @transform_0, window_bounds = array<i64: 400, 256>}, {transform_indices = @transform_1, window_bounds = array<i64: 400, 256>}, {transform_indices = @transform_2, window_bounds = array<i64: 4, 400, 128>}, {transform_indices = @transform_3, window_bounds = array<i64: 400, 256>}]} {
    %get3A = arith.constant 0 : index
    %get3A_0 = arith.constant 0 : index
    %get3A_1 = arith.constant 0 : index
    %get3A_2 = vector.load %arg3[%get3A, %get3A_0, %get3A_1] : memref<4x400x128xf32, #tpu.memory_space<vmem>>, vector<4x400x128xf32>
    %get3A_3 = arith.constant 0 : index
    %get3A_4 = arith.constant 0 : index
    %get3A_5 = vector.load %arg2[%get3A_3, %get3A_4] : memref<400x256xf32, #tpu.memory_space<vmem>>, vector<400x256xf32>
    %slice3A = vector.extract_strided_slice %get3A_2 {offsets = [0, 0, 0], sizes = [1, 400, 64], strides = [1, 1, 1]} : vector<4x400x128xf32> to vector<1x400x64xf32>
    %squeeze3A = vector.shape_cast %slice3A : vector<1x400x64xf32> to vector<400x64xf32>
    %slice3A_6 = vector.extract_strided_slice %get3A_2 {offsets = [0, 0, 64], sizes = [1, 400, 64], strides = [1, 1, 1]} : vector<4x400x128xf32> to vector<1x400x64xf32>
    %squeeze3A_7 = vector.shape_cast %slice3A_6 : vector<1x400x64xf32> to vector<400x64xf32>
    %slice3A_8 = vector.extract_strided_slice %get3A_5 {offsets = [0, 0], sizes = [400, 64], strides = [1, 1]} : vector<400x256xf32> to vector<400x64xf32>
    %add3A = arith.constant 9.99999997E-7 : f32
    %add3A_9 = vector.broadcast %add3A : f32 to vector<400x64xf32>
    %add3A_10 = arith.addf %squeeze3A_7, %add3A_9 : vector<400x64xf32>
    %div3A = arith.divf %squeeze3A, %add3A_10 : vector<400x64xf32>
    %add3A_11 = arith.addf %slice3A_8, %div3A : vector<400x64xf32>
    %slice3A_12 = vector.extract_strided_slice %get3A_2 {offsets = [1, 0, 0], sizes = [1, 400, 64], strides = [1, 1, 1]} : vector<4x400x128xf32> to vector<1x400x64xf32>
    %squeeze3A_13 = vector.shape_cast %slice3A_12 : vector<1x400x64xf32> to vector<400x64xf32>
    %slice3A_14 = vector.extract_strided_slice %get3A_2 {offsets = [1, 0, 64], sizes = [1, 400, 64], strides = [1, 1, 1]} : vector<4x400x128xf32> to vector<1x400x64xf32>
    %squeeze3A_15 = vector.shape_cast %slice3A_14 : vector<1x400x64xf32> to vector<400x64xf32>
    %slice3A_16 = vector.extract_strided_slice %get3A_5 {offsets = [0, 64], sizes = [400, 64], strides = [1, 1]} : vector<400x256xf32> to vector<400x64xf32>
    %add3A_17 = arith.constant 9.99999997E-7 : f32
    %add3A_18 = vector.broadcast %add3A_17 : f32 to vector<400x64xf32>
    %add3A_19 = arith.addf %squeeze3A_15, %add3A_18 : vector<400x64xf32>
    %div3A_20 = arith.divf %squeeze3A_13, %add3A_19 : vector<400x64xf32>
    %add3A_21 = arith.addf %slice3A_16, %div3A_20 : vector<400x64xf32>
    %slice3A_22 = vector.extract_strided_slice %get3A_2 {offsets = [2, 0, 0], sizes = [1, 400, 64], strides = [1, 1, 1]} : vector<4x400x128xf32> to vector<1x400x64xf32>
    %squeeze3A_23 = vector.shape_cast %slice3A_22 : vector<1x400x64xf32> to vector<400x64xf32>
    %slice3A_24 = vector.extract_strided_slice %get3A_2 {offsets = [2, 0, 64], sizes = [1, 400, 64], strides = [1, 1, 1]} : vector<4x400x128xf32> to vector<1x400x64xf32>
    %squeeze3A_25 = vector.shape_cast %slice3A_24 : vector<1x400x64xf32> to vector<400x64xf32>
    %slice3A_26 = vector.extract_strided_slice %get3A_5 {offsets = [0, 128], sizes = [400, 64], strides = [1, 1]} : vector<400x256xf32> to vector<400x64xf32>
    %add3A_27 = arith.constant 9.99999997E-7 : f32
    %add3A_28 = vector.broadcast %add3A_27 : f32 to vector<400x64xf32>
    %add3A_29 = arith.addf %squeeze3A_25, %add3A_28 : vector<400x64xf32>
    %div3A_30 = arith.divf %squeeze3A_23, %add3A_29 : vector<400x64xf32>
    %add3A_31 = arith.addf %slice3A_26, %div3A_30 : vector<400x64xf32>
    %slice3A_32 = vector.extract_strided_slice %get3A_2 {offsets = [3, 0, 0], sizes = [1, 400, 64], strides = [1, 1, 1]} : vector<4x400x128xf32> to vector<1x400x64xf32>
    %squeeze3A_33 = vector.shape_cast %slice3A_32 : vector<1x400x64xf32> to vector<400x64xf32>
    %slice3A_34 = vector.extract_strided_slice %get3A_2 {offsets = [3, 0, 64], sizes = [1, 400, 64], strides = [1, 1, 1]} : vector<4x400x128xf32> to vector<1x400x64xf32>
    %squeeze3A_35 = vector.shape_cast %slice3A_34 : vector<1x400x64xf32> to vector<400x64xf32>
    %slice3A_36 = vector.extract_strided_slice %get3A_5 {offsets = [0, 192], sizes = [400, 64], strides = [1, 1]} : vector<400x256xf32> to vector<400x64xf32>
    %add3A_37 = arith.constant 9.99999997E-7 : f32
    %add3A_38 = vector.broadcast %add3A_37 : f32 to vector<400x64xf32>
    %add3A_39 = arith.addf %squeeze3A_35, %add3A_38 : vector<400x64xf32>
    %div3A_40 = arith.divf %squeeze3A_33, %add3A_39 : vector<400x64xf32>
    %add3A_41 = arith.addf %slice3A_36, %div3A_40 : vector<400x64xf32>
    %concatenate3A = tpu.concatenate %add3A_11, %add3A_21, %add3A_31, %add3A_41 in 1 : vector<400x64xf32>, vector<400x64xf32>, vector<400x64xf32>, vector<400x64xf32> -> vector<400x256xf32>
    %get3A_42 = arith.constant 0 : index
    %get3A_43 = arith.constant 0 : index
    %get3A_44 = vector.load %arg1[%get3A_42, %get3A_43] : memref<400x256xf32, #tpu.memory_space<vmem>>, vector<400x256xf32>
    %max3A = arith.constant 0.000000e+00 : f32
    %max3A_45 = vector.broadcast %max3A : f32 to vector<400x256xf32>
    %max3A_46 = arith.maximumf %concatenate3A, %max3A_45 : vector<400x256xf32>
    %add3A_47 = arith.addf %get3A_44, %max3A_46 : vector<400x256xf32>
    %swap3A = arith.constant 0 : index
    %swap3A_48 = arith.constant 0 : index
    %swap3A_49 = vector.load %arg4[%swap3A, %swap3A_48] : memref<400x256xf32, #tpu.memory_space<vmem>>, vector<400x256xf32>
    tpu.vector_store %arg4[%swap3A, %swap3A_48], %add3A_47 {strides = array<i32>} : memref<400x256xf32, #tpu.memory_space<vmem>>, vector<400x256xf32>,
    return
  }
  func.func @transform_0(%arg0: i32) -> (i32, i32) {
    %c0_i32 = arith.constant 0 : i32
    %c0_i32_0 = arith.constant 0 : i32
    return %arg0, %c0_i32 : i32, i32
  }
  func.func @transform_1(%arg0: i32) -> (i32, i32) {
    %c0_i32 = arith.constant 0 : i32
    %c0_i32_0 = arith.constant 0 : i32
    return %arg0, %c0_i32 : i32, i32
  }
  func.func @transform_2(%arg0: i32) -> (i32, i32, i32) {
    %c0_i32 = arith.constant 0 : i32
    %c0_i32_0 = arith.constant 0 : i32
    %c0_i32_1 = arith.constant 0 : i32
    return %c0_i32, %arg0, %c0_i32_0 : i32, i32, i32
  }
  func.func @transform_3(%arg0: i32) -> (i32, i32) {
    %c0_i32 = arith.constant 0 : i32
    %c0_i32_0 = arith.constant 0 : i32
    return %arg0, %c0_i32 : i32, i32
  }
}

</mosaic_0001>

<sc_bundles>
// kernel: kernel.6.cloned.1.call-start
scs
__scs_entry_jumppad:
0x0: {  	(pc) =	sbr.rel $0x88, $3  }
0x1: {  	(tag) =	ssettag $0x0;
	lr =	simm.s32 $0x1  }
0x2: {  	[smem:$0x3F94] =	sst lr;
	_ =	strace $0xD0000000  }
0x3: {  	_ = 	snop  }
0x4: {  	_ = 	snop  }
0x5: {  	_ = 	snop  }
0x6: {  	_ = 	snop  }
0x7: {  	_ = 	snop  }
__scs_overlays_trampoline_lowered:
0x8: {  	[smem:$0x3FA3] =	sst s0  }
0x9: {  	[smem:$0x3FA4] =	sst s1  }
0xa: {  	[smem:$0x3FA5] =	sst s2  }
0xb: {  	[smem:$0x3FA6] =	sst s3  }
0xc: {  	[smem:$0x3FA7] =	sst s4  }
0xd: {  	[smem:$0x3FA8] =	sst s5  }
0xe: {  	[smem:$0x3FA9] =	sst s6  }
0xf: {  	[smem:$0x3FAA] =	sst s7  }
0x10: {  	[smem:$0x3FAB] =	sst s8  }
0x11: {  	[smem:$0x3FAC] =	sst s9;
	s0 =	simm.s32 @!p0 $0x0  }
0x12: {  	s1 =	sld [smem:$0x3F92];
	s0 =	simm.s32 @p0 $0x1  }
0x13: {  	[smem:$0x3FAD] =	sst s0;
	s0 =	simm.s32 @!p1 $0x0  }
0x14: {  	s2 =	sld [smem:$0x3F91];
	s0 =	simm.s32 @p1 $0x1  }
0x15: {  	[smem:$0x3FAE] =	sst s0;
	s0 =	simm.s32 @!p2 $0x0  }
0x16: {  	s3 =	sld [smem:$0x3FDB];
	s0 =	simm.s32 @p2 $0x1  }
0x17: {  	s4 =	simm.s32 $0x1BF5;
	[smem:$0x3FB0] =	sst s0  }
0x18: {  	s0 =	sld [smem:$0x3F93];
	_ =	swait.ge [sflag:s4], $0x0  }
0x19: {  	s7 =	sld [smem:$0x3F94]  }
0x1a: {  	s8 =	sadd.s32 $0xFFFFE003, lr  }
0x1b: {  	s9 =	sadd.s32 $0xFFFFFEF7, lr;
	s5 =	simm.s32 $0xFFFFFFFF;
	p2 =	slt.u32 s8, $0xFFFFF086  }
0x1c: {  	p1 =	slt.u32 s9, $0xF7A;
	s5 =	simm.s32 @!p2 $0x0  }
0x1d: {  	s5 =	simm.s32 @p1 $0x1;
	p0 =	seq.s32 s7, s2  }
0x1e: {  	s7 =	smul.u32 @!p0 $0xF7A, s2;
	p2 =	seq.s32 @!p0 s5, $0x0  }
0x1f: {  	s9 =	smul.u32 $0xF7A, s1;
	s8 =	simm.s32 @!p0 $0x1BF5;
	p2 =	por !p2, p0  }
0x20: {  	[sflag:s8] =	ssyncset.s32 @!p0 $0xFFFFF086;
	s6 =	sadd.s32 @!p0 s3, s7;
	s7 =	simm.s32 @!p0 $0x108  }
0x21: {  	s3 =	sadd.s32 s3, s9;
	s6 =	sadd.s32 @!p0 $0x88, s6;
	s7 =	simm.s32 @p2 $0x1082  }
0x22: {  	[simem:s7], [sflag:s8] =	dma.local @!p0 [hbm:s6], $0xF7A  }
0x23: {  	s9 =	sor.u32 $0xD0000000, s2;
	s6 =	simm.s32 $0x108;
	_ =	swait.ge @!p0 [sflag:s8], $0x0  }
0x24: {  	s3 =	sadd.s32 $0x88, s3;
	s6 =	simm.s32 @!p1 $0x1082;
	[sflag:s4] =	ssyncset.s32 $0xFFFFF086  }
0x25: {  	[simem:s6], [sflag:s4] =	dma.local [hbm:s3], $0xF7A  }
0x26: {  	[smem:$0x3F94] =	sst s1;
	(tag) =	ssettag s2;
	_ =	strace s9  }
0x27: {  	s1 =	sld [smem:$0x3FA4]  }
0x28: {  	s2 =	sld [smem:$0x3FA5]  }
0x29: {  	s4 =	sld [smem:$0x3FA7]  }
0x2a: {  	p0 =	seq.s32 s5, $0x0;
	s5 =	sld [smem:$0x3FA8]  }
0x2b: {  	s6 =	sld [smem:$0x3FA9]  }
0x2c: {  	s7 =	sld [smem:$0x3FAA]  }
0x2d: {  	s3 =	simm.s32 $0x108;
	s8 =	sld [smem:$0x3FAB]  }
0x2e: {  	s3 =	simm.s32 @!p0 $0x1082;
	s9 =	sld [smem:$0x3FAC]  }
0x2f: {  	lr =	sadd.s32 s0, s3;
	s0 =	sld [smem:$0x3FA3]  }
0x30: {  	s3 =	sld [smem:$0x3FA6]  }
0x31: {  	[smem:$0x3FAF] =	sst s10  }
0x32: {  	s10 =	sld [smem:$0x3FAD];
	_ =	sdelay $0x3  }
0x33: {  	p0 =	seq.s32 s10, $0x1;
	s10 =	sld [smem:$0x3FAF];
	_ =	sdelay $0x3  }
0x34: {  	[smem:$0x3FAF] =	sst s10  }
0x35: {  	s10 =	sld [smem:$0x3FAE];
	_ =	sdelay $0x3  }
0x36: {  	p1 =	seq.s32 s10, $0x1;
	s10 =	sld [smem:$0x3FAF];
	_ =	sdelay $0x3  }
0x37: {  	[smem:$0x3FAF] =	sst s10  }
0x38: {  	s10 =	sld [smem:$0x3FB0]  }
0x39: {  	_ = 	snop;
	(pc) =	sbr.ind lr, $3  }
0x3a: {  	_ = 	snop  }
0x3b: {  	_ = 	snop  }
0x3c: {  	p2 =	seq.s32 s10, $0x1;
	s10 =	sld [smem:$0x3FAF]  }
0x3d: {  	_ =	shalt  }
0x3e: {  	_ =	shalt  }
0x3f: {  	_ =	shalt  }
0x40: {  	_ =	shalt  }
0x41: {  	_ =	shalt  }
0x42: {  	_ =	shalt  }
0x43: {  	_ =	shalt  }
0x44: {  	_ =	shalt  }
0x45: {  	_ =	shalt  }
0x46: {  	_ =	shalt  }
0x47: {  	_ =	shalt  }
0x48: {  	_ =	shalt  }
0x49: {  	_ =	shalt  }
0x4a: {  	_ =	shalt  }
0x4b: {  	_ =	shalt  }
0x4c: {  	_ =	shalt  }
0x4d: {  	_ =	shalt  }
0x4e: {  	_ =	shalt  }
0x4f: {  	_ =	shalt  }
0x50: {  	_ =	shalt  }
0x51: {  	_ =	shalt  }
0x52: {  	_ =	shalt  }
0x53: {  	_ =	shalt  }
0x54: {  	_ =	shalt  }
0x55: {  	_ =	shalt  }
0x56: {  	_ =	shalt  }
0x57: {  	_ =	shalt  }
0x58: {  	_ =	shalt  }
0x59: {  	_ =	shalt  }
0x5a: {  	_ =	shalt  }
0x5b: {  	_ =	shalt  }
0x5c: {  	_ =	shalt  }
0x5d: {  	_ =	shalt  }
0x5e: {  	_ =	shalt  }
0x5f: {  	_ =	shalt  }
0x60: {  	_ =	shalt  }
0x61: {  	_ =	shalt  }
0x62: {  	_ =	shalt  }
0x63: {  	_ =	shalt  }
0x64: {  	_ =	shalt  }
0x65: {  	_ =	shalt  }
0x66: {  	_ =	shalt  }
0x67: {  	_ =	shalt  }
0x68: {  	_ =	shalt  }
0x69: {  	_ =	shalt  }
0x6a: {  	_ =	shalt  }
0x6b: {  	_ =	shalt  }
0x6c: {  	_ =	shalt  }
0x6d: {  	_ =	shalt  }
0x6e: {  	_ =	shalt  }
0x6f: {  	_ =	shalt  }
0x70: {  	_ =	shalt  }
0x71: {  	_ =	shalt  }
0x72: {  	_ =	shalt  }
0x73: {  	_ =	shalt  }
0x74: {  	_ =	shalt  }
0x75: {  	_ =	shalt  }
0x76: {  	_ =	shalt  }
0x77: {  	_ =	shalt  }
0x78: {  	_ =	shalt  }
0x79: {  	_ =	shalt  }
0x7a: {  	_ =	shalt  }
0x7b: {  	_ =	shalt  }
0x7c: {  	_ =	shalt  }
0x7d: {  	_ =	shalt  }
0x7e: {  	_ =	shalt  }
0x7f: {  	_ =	shalt  }
0x80: {  	_ =	shalt  }
0x81: {  	_ =	shalt  }
0x82: {  	_ =	shalt  }
0x83: {  	_ =	shalt  }
0x84: {  	_ =	shalt  }
0x85: {  	_ =	shalt  }
0x86: {  	_ =	shalt  }
0x87: {  	_ =	shalt  }
.Lfunc_end0:
.L_simem_size_0:
called_computation.1_lowered:
.L_overlay_start_0:
0x88: {  	s2 =	sld [smem:$0x3FD9]  }
0x89: {  	s3 =	sld [smem:$0x3FFE];
	_ =	sdelay $0x1  }
0x8a: {  	s1 =	srdreg.scid  }
0x8b: {  	s0 =	sand.u32 $0x1, s1  }
0x8c: {  	s14 =	sshll.u32 s0, $0xA;
	s2 =	sadd.s32 s3, s2  }
0x8d: {  	s2 =	sadd.s32 s2, s14  }
0x8e: {  	[smem:$0x3FBB] =	sst s2  }
0x8f: {  	_ = 	snop  }
0x90: {  	s2 =	sld [smem:$0x3FD0];
	_ =	sdelay $0x2  }
0x91: {  	s15 =	simm.s32 $0xA;
	s4 =	simm.s32 $0x10  }
0x92: {  	[smem:s4], [sflag:s15] =	dma.local [hbm:s2], $0x1  }
0x93: {  	_ =	swait.eq [sflag:s15], $0x1  }
0x94: {  	[sflag:s15] =	ssyncset.done $0x0  }
0x95: {  	[sflag:s15] =	ssyncadd.s32 $0xFFFFFFFF  }
0x96: {  	s16 =	sld [smem:$0x11];
	(tm) =	ssettm $0x1  }
0x97: {  	s17 =	sld [smem:$0x3FFB];
	_ =	sdelay $0x3  }
0x98: {  	_ =	strace s17  }
0x99: {  	s3 =	sld [smem:$0x3FFC];
	_ =	sdelay $0x3  }
0x9a: {  	_ =	strace s3  }
0x9b: {  	s3 =	sld [smem:$0x3FFD];
	_ =	sdelay $0x3  }
0x9c: {  	_ =	strace s3  }
0x9d: {  	_ =	strace $0x8FFFFFFF  }
0x9e: {  	s18 =	sld [smem:$0x3FDB];
	_ =	sdelay $0x1  }
0x9f: {  	s19 =	simm.s32 $_scs_section_size  }
0xa0: {  	s5 =	simm.s32 $_size__tile_overlayer_lowered;
	s6 =	simm.s32 $_tile_overlayer_lowered  }
0xa1: {  	s22 =	simm.s32 $0x1BFF;
	s21 =	sshll.u32 s6, $0x1;
	s3 =	sadd.s32 s19, s18  }
0xa2: {  	s7 =	simm.s32 $0x0;
	s20 =	sshll.u32 s5, $0x1;
	s5 =	sadd.s32 s21, s3  }
0xa3: {  	[timem:s7], [sflag:s22] =	dma.local [hbm:s5], s20  }
0xa4: {  	_ =	swait.ge [sflag:s22], s20  }
0xa5: {  	s4 =	ssub.s32 $0x0, s20;
	[sflag:s22] =	ssyncset.done $0x0  }
0xa6: {  	[sflag:s22] =	ssyncadd.s32 s4;
	_ =	sdelay $0x1  }
0xa7: {  	s23 =	simm.s32 $0x1B8B  }
0xa8: {  	_ =	swait.ge [sflag:s23], $0x1  }
0xa9: {  	[sflag:s23] =	ssyncset.done $0x0  }
0xaa: {  	s25 =	simm.s32 $0x1B8E;
	s24 =	sld [smem:$0x3FFE];
	[sflag:s23] =	ssyncadd.s32 $0xFFFFFFFF  }
0xab: {  	s26 =	simm.s32 $execute0_lowered;
	[smem:$0x3FD2] =	sst s25  }
0xac: {  	s5 =	sshll.u32 s26, $0x1;
	_ =	strace $0x80000046;
	[dreg:$0x1] =	wrdreg $0xFFFFFFFF  }
0xad: {  	s28 =	simm.s32 $_size_execute0_lowered;
	s3 =	sadd.s32 s3, s5;
	[dreg:$0x0] =	wrdreg $0x0  }
0xae: {  	s5 =	sshll.u32 s28, $0x1;
	[dreg:$0x2] =	wrdreg s3  }
0xaf: {  	[dreg:$0x3] =	wrdreg s5  }
0xb0: {  	[dreg:$0x4] =	wrdreg $0xC0  }
0xb1: {  	_ =	task [dreg:s7], $0x5FFFF  }
0xb2: {  	[dreg:$0x1] =	wrdreg $0xFFFFFFFF  }
0xb3: {  	[dreg:$0x0] =	wrdreg $0x60  }
0xb4: {  	[dreg:$0x2] =	wrdreg s16  }
0xb5: {  	[dreg:$0x3] =	wrdreg s24  }
0xb6: {  	[dreg:$0x4] =	wrdreg $0xA1000  }
0xb7: {  	[dreg:$0x5] =	wrdreg $0x9  }
0xb8: {  	_ =	task.clear_ibuf [dreg:s7], $0x6FFFF;
	_ =	strace $0x90000046  }
0xb9: {  	s29 =	simm.s32 $0x9;
	_ =	strace $0x80000048  }
0xba: {  	_ =	swait.ge [sflag:s29], $0x1  }
0xbb: {  	[sflag:s29] =	ssyncadd.s32 $0xFFFFFFFF  }
0xbc: {  	_ =	strace $0x90000048  }
0xbd: {  	_ =	sfence  }
0xbe: {  	s30 =	sld [smem:$0x0];
	_ =	sdelay $0x2  }
0xbf: {  	s31 =	sshll.u32 s1, $0xD;
	s1 =	sshrl.u32 s1, $0x2  }
0xc0: {  	s3 =	sand.u32 $0x4000, s31;
	s1 =	sadd.s32 s1, s30  }
0xc1: {  	s0 =	sor.u32 s3, s0;
	s1 =	sshll.u32 s1, $0x11  }
0xc2: {  	s0 =	sor.u32 s1, s0  }
0xc3: {  	s0 =	sadd.s32 $0x8F2B, s0  }
0xc4: {  	[sflag:s0] =	ssyncadd.remote.s32 $0x1  }
0xc5: {  	_ =	sfence.sel $0xFFFF  }
0xc6: {  	[dreg:$0x0] =	wrdreg $0xFFFFFFFF;
	(pc) =	sbr.abs _section_cstart, $3  }
0xc7: {  	[dreg:$0x1] =	wrdreg $0xFFFFFFFF  }
0xc8: {  	_ =	task.clear_ibuf [dreg:s7], $0x2FFFF;
	_ =	strace $0x9FFFFFFF  }
0xc9: {  	(tm) =	ssettm $0x7FFFFFFF  }
tec
execute0_lowered:
.L_overlay_start_1:
0x0: {  	(tag) =	ssettag $0x1  }
0x1: {  	s25 =	rddreg [dreg:$0x0]  }
0x2: {  	s0 =	rddreg [dreg:$0x1]  }
0x3: {  	s15 =	rddreg [dreg:$0x2];
	s1 =	simm.s32 $0x0  }
0x4: {  	s18 =	srdreg.scid;
	s28 =	stileid.u32;
	s23 =	simm.s32 $0x1  }
0x5: {  	s24 =	simm.s32 $0x80;
	s26 =	simm.s32 $0x200;
	s29 =	simm.s32 $0x6100  }
0x6: {  	[smem:$0x7FF] =	sst s1;
	s4 =	sadd.s32 $0x9D0200, s0;
	s1 =	sand.u32 $0x1, s18  }
0x7: {  	s5 =	sadd.s32 $0xC200, s0;
	s6 =	sadd.s32 $0x1394200, s0;
	s8 =	sadd.s32 $0x7200, s0  }
0x8: {  	s9 =	sadd.s32 $0x2200, s0;
	s10 =	sadd.s32 $0x1D58200, s0;
	s20 =	smul.u32 $0x5000, s28  }
0x9: {  	s7 =	ssub.s32 $0x109, s28;
	s21 =	ssub.s32 $0x9D3, s28;
	s14 =	smul.u32 $0x280, s28  }
0xa: {  	_ =	strace $0x80000047;
	s2 =	smul.u32 $0x4E200, s1;
	s19 =	ssub.s32 $0x2, s1  }
0xb: {  	s11 =	smul.u32 $0x4E20, s1;
	s16 =	sshrl.u32 s7, $0x4;
	s13 =	sshllo.u32 s1, $0x1  }
0xc: {  	s12 =	sshrl.u32 s21, $0x4;
	s1 =	sshll.u32 s1, $0x8;
	s21 =	simm.s32 $0x40  }
0xd: {  	s3 =	sshrl.u32 s19, $0x1;
	[dreg:$0x5] =	wrdreg s1;
	s30 =	sshll.u32 s13, $0x7  }
0xe: {  	[dreg:$0x4] =	wrdreg s16;
	s0 =	sadd.s32 s2, s0;
	s2 =	ssub.s32 s19, s3  }
0xf: {  	[dreg:$0x6] =	wrdreg s30;
	s3 =	sshrl.u32 s20, $0x2;
	s2 =	smax.u32 s2, $0x1  }
0x10: {  	s0 =	sadd.s32 s14, s0;
	s7 =	sadd.s32 s3, s15;
	[dreg:$0x7] =	wrdreg s2  }
0x11: {  	s22 =	smul.u32 $0x2710, s13;
	s31 =	sadd.s32 $0xA8600, s0;
	[dreg:$0x8] =	wrdreg s7  }
0x12: {  	s1 =	simm.s32 $0x0;
	s0 =	sadd.s32 $0xCF700, s0;
	[dreg:$0x9] =	wrdreg s31  }
0x13: {  	v2 =	vimm.f32 $0.0e+00;
	s19 =	simm.s32 $0x8100;
	s20 =	simm.s32 $0x2;
	v0 =	vmov s11;
	v1 =	vmov s22;
	[dreg:$0xa] =	wrdreg s0  }
.LBB2_1:
0x14: {  	s31 =	simm.s32 $0x0  }
0x15: {  	s0 =	sand.u32 $0x7E00, s31  }
0x16: {  	[dreg:$0xb] =	wrdreg s1;
	s1 =	sand.u32 $0x70, s31;
	s2 =	sshrl.u32 s0, $0x2  }
0x17: {  	s0 =	simm.s32 $0x40;
	s2 =	sor.u32 s1, s2;
	s1 =	simm.s32 $0x0  }
.LBB2_2:
0x18: {  	p0 =	sne.s32 s0, $0x7FC0  }
0x19: {  	[tilespmem:s2+$0x8100] =	vst v2;
	s1 =	sadd.s32 $0x10, s1;
	s2 =	smov.u32 s0;
	s0 =	sadd.s32 $0x40, s0  }
.Ltmp0:
0x1a: {  	(pc) =	sbr.rel @p0 .LBB2_2-.Ltmp0, $4  }
0x1b: {  	_ = 	snop  }
0x1c: {  	s2 =	sand.u32 $0x7E00, s2  }
0x1d: {  	s3 =	sand.u32 $0x70, s1;
	s2 =	sshrl.u32 s2, $0x2  }
0x1e: {  	s2 =	sor.u32 s3, s2  }
0x1f: {  	p0 =	sne.s32 s16, $0x1  }
.Ltmp1:
0x20: {  	_ = 	snop;
	(pc) =	sbr.rel @!p0 .LBB2_5-.Ltmp1, $4  }
0x21: {  	[tilespmem:s2+$0x8100] =	vst v2  }
0x22: {  	[spmem:s7] =	stream.linear.scatter [tilespmem:s19], [sflag:$0x2], $0x1400, $0x38;
	[tilespmem:$0x1D980] =	vst v63  }
0x23: {  	_ =	swait.ge [sflag:s20], $0x1400  }
0x24: {  	s0 =	sadd.s32 $0xFFFFFFFF, s16;
	s1 =	smov.u32 s7;
	[sflag:s20] =	ssyncset.done $0x0  }
.LBB2_4:
0x25: {  	p1 =	sne.s32 s0, $0x1;
	[sflag:s20] =	ssyncadd.s32 $0xFFFFEC00;
	s1 =	sadd.s32 $0x14000, s1  }
.Ltmp2:
0x26: {  	s0 =	sadd.s32 $0xFFFFFFFF, s0;
	(pc) =	sbr.rel @p1 .LBB2_4-.Ltmp2, $4  }
0x27: {  	_ = 	snop  }
0x28: {  	[spmem:s1] =	stream.linear.scatter [tilespmem:s19], [sflag:$0x2], $0x1400, $0x38;
	[tilespmem:$0x1D980] =	vst v63  }
0x29: {  	_ =	swait.ge [sflag:s20], $0x1400  }
0x2a: {  	[sflag:s20] =	ssyncset.done $0x0  }
.LBB2_5:
0x2b: {  	[sflag:s20] =	ssyncadd.s32 $0xFFFFEC00  }
0x2c: {  	s0 =	simm.s32 $0x0;
	s3 =	simm.s32 $0x0;
	[bflag:$0x0] =	sbarrier.arrive $0xFFFF  }
.LBB2_6:
0x2d: {  	s1 =	sshll.u32 s3, $0x4  }
0x2e: {  	s1 =	sor.u32 s28, s1  }
0x2f: {  	s2 =	sshll.u32 s1, $0x3  }
0x30: {  	s7 =	sadd.s32 s8, s2  }
0x31: {  	[tilespmem:s0], [sflag:$0x2] =	stream.linear.gather [hbm4b:s7+s0], $0x40, $0x38;
	[tilespmem:$0x1D980] =	vst v63  }
0x32: {  	_ =	swait.ge [sflag:s20], $0x40  }
0x33: {  	[sflag:s20] =	ssyncset.done $0x0  }
0x34: {  	[sflag:s20] =	ssyncadd.s32 $0xFFFFFFC0  }
0x35: {  	v3 =	vld [tilespmem:$0x0]  }
0x36: {  	v4 =	vld [tilespmem:$0x10]  }
0x37: {  	v5 =	vld [tilespmem:$0x20]  }
0x38: {  	v6 =	vld [tilespmem:$0x30];
	_ =	sdelay $0x1  }
0x39: {  	v3 =	vadd.s32 v0, v3  }
0x3a: {  	[tilespmem:$0x0] =	vst v3;
	v3 =	vadd.s32 v0, v4  }
0x3b: {  	[tilespmem:$0x10] =	vst v3;
	v3 =	vadd.s32 v0, v5  }
0x3c: {  	[tilespmem:$0x20] =	vst v3;
	v3 =	vadd.s32 v0, v6  }
0x3d: {  	s15 =	simm.s32 $0x100;
	[tilespmem:$0x30] =	vst v3  }
0x3e: {  	[tilespmem:s15], [sflag:$0x1] =	stream.indirect.gather [hbm4b:s25+s21], $0x80, s0, s21, $0xb8;
	[tilespmem:$0x1D980] =	vst v63  }
0x3f: {  	_ =	swait.ge [sflag:s23], $0x2000  }
0x40: {  	[sflag:s23] =	ssyncset.done $0x0  }
0x41: {  	s2 =	sadd.s32 s9, s2;
	[sflag:s23] =	ssyncadd.s32 $0xFFFFE000  }
0x42: {  	[tilespmem:s24], [sflag:$0x2] =	stream.linear.gather [hbm4b:s2+s0], $0x40, $0x38;
	[tilespmem:$0x1D980] =	vst v63  }
0x43: {  	_ =	swait.ge [sflag:s20], $0x40  }
0x44: {  	[sflag:s20] =	ssyncset.done $0x0  }
0x45: {  	[sflag:s20] =	ssyncadd.s32 $0xFFFFFFC0  }
0x46: {  	v3 =	vld [tilespmem:$0x80]  }
0x47: {  	v4 =	vld [tilespmem:$0x90]  }
0x48: {  	v5 =	vld [tilespmem:$0xA0]  }
0x49: {  	v6 =	vld [tilespmem:$0xB0];
	_ =	sdelay $0x1  }
0x4a: {  	v3 =	vadd.s32 v0, v3  }
0x4b: {  	[tilespmem:$0x0] =	vst v3;
	v3 =	vadd.s32 v0, v4  }
0x4c: {  	[tilespmem:$0x10] =	vst v3;
	v3 =	vadd.s32 v0, v5  }
0x4d: {  	[tilespmem:$0x20] =	vst v3;
	v3 =	vadd.s32 v0, v6  }
0x4e: {  	s16 =	simm.s32 $0x2100;
	[tilespmem:$0x30] =	vst v3  }
0x4f: {  	[tilespmem:s16], [sflag:$0x1] =	stream.indirect.gather [hbm4b:s5+s21], $0x80, s0, s21, $0xb8;
	[tilespmem:$0x1D980] =	vst v63  }
0x50: {  	_ =	swait.ge [sflag:s23], $0x2000  }
0x51: {  	s1 =	sshll.u32 s1, $0xF;
	s17 =	rddreg [dreg:$0x5]  }
0x52: {  	s1 =	sor.u32 s17, s1  }
0x53: {  	[sflag:s23] =	ssyncset.done $0x0;
	s15 =	sshrl.u32 s1, $0x3  }
0x54: {  	s18 =	simm.s32 $0x4100;
	[sflag:s23] =	ssyncadd.s32 $0xFFFFE000;
	s1 =	sadd.s32 s4, s15  }
0x55: {  	[tilespmem:s18], [sflag:$0x2] =	stream.strided.gather [hbm4b:s1+s24], $0x2000, s26, s24, $0x38;
	[tilespmem:$0x1D980] =	vst v63  }
0x56: {  	_ =	swait.ge [sflag:s20], $0x2000  }
0x57: {  	[sflag:s20] =	ssyncset.done $0x0  }
0x58: {  	s22 =	sadd.s32 s6, s15;
	[sflag:s20] =	ssyncadd.s32 $0xFFFFE000  }
0x59: {  	[tilespmem:s29], [sflag:$0x2] =	stream.strided.gather [hbm4b:s22+s24], $0x2000, s26, s24, $0x38;
	[tilespmem:$0x1D980] =	vst v63  }
0x5a: {  	_ =	swait.ge [sflag:s20], $0x2000  }
0x5b: {  	s7 =	sand.u32 $0x1F80, s0;
	s2 =	sand.u32 $0x30, s0;
	[sflag:s20] =	ssyncset.done $0x0  }
0x5c: {  	s31 =	sor.u32 s2, s7;
	[sflag:s20] =	ssyncadd.s32 $0xFFFFE000  }
0x5d: {  	v3 =	vld [tilespmem:s31+$0x100]  }
0x5e: {  	v4 =	vld [tilespmem:s31+$0x2100];
	_ =	sdelay $0x1  }
0x5f: {  	v5 =	vld [tilespmem:s31+$0x4100];
	_ =	sdelay $0x2  }
0x60: {  	s11 =	simm.s32 $0x20;
	s13 =	simm.s32 $0x10;
	v7 =	vld [tilespmem:s31+$0x6100];
	v3 =	vadd.f32 v4, v3  }
0x61: {  	s2 =	sand.u32 $0x30, s13;
	s1 =	sand.u32 $0x1F80, s11  }
0x62: {  	s11 =	sor.u32 s2, s1;
	v3 =	vadd.f32 v5, v3  }
0x63: {  	v8 =	vld [tilespmem:s11+$0x2100]  }
0x64: {  	v4 =	vld [tilespmem:s11+$0x100];
	v5 =	vmax.f32 v3, $0.0e+00  }
0x65: {  	v7 =	vadd.f32 v5, v7  }
0x66: {  	s14 =	simm.s32 $0x40;
	s16 =	simm.s32 $0x20;
	v9 =	vld [tilespmem:s11+$0x4100];
	v3 =	vsub.f32 $0.0e+00, v3  }
0x67: {  	s2 =	sand.u32 $0x30, s16;
	s1 =	sand.u32 $0x1F80, s14;
	v5 =	vld [tilespmem:s11+$0x140];
	[tilespmem:s31+$0x6100] =	vst v7  }
0x68: {  	s18 =	sor.u32 s2, s1;
	v3 =	vmul.f32 $1.442695020e+00, v3;
	v7 =	vld [tilespmem:s11+$0x6100]  }
0x69: {  	v4 =	vadd.f32 v8, v4;
	v8 =	vld [tilespmem:s18+$0x100]  }
0x6a: {  	(erf) = vpow2.f32 v3;
	v3 =	vld [tilespmem:s18+$0x2100]  }
0x6b: {  	v9 =	vadd.f32 v9, v4;
	_ =	sdelay $0x1  }
0x6c: {  	v4 =	vmax.f32 v9, $0.0e+00  }
0x6d: {  	v7 =	vadd.f32 v4, v7  }
0x6e: {  	v10 =	vld [tilespmem:s18+$0x4100];
	v3 =	vadd.f32 v3, v8;
	v8 =	vsub.f32 $0.0e+00, v9  }
0x6f: {  	v6 =	vld [tilespmem:s31+$0x140]  }
0x70: {  	v4 =	vld [tilespmem:s18+$0x140];
	[tilespmem:s11+$0x6100] =	vst v7;
	v8 =	vmul.f32 $1.442695020e+00, v8  }
0x71: {  	s17 =	simm.s32 $0x60;
	s22 =	simm.s32 $0x30;
	v7 =	vld [tilespmem:s18+$0x6100]  }
0x72: {  	s1 =	sand.u32 $0x1F80, s17;
	s2 =	sand.u32 $0x30, s22;
	v11 =	vpop (erf);
	(erf) = vpow2.f32 v8  }
0x73: {  	s17 =	sor.u32 s2, s1;
	v3 =	vadd.f32 v10, v3  }
0x74: {  	v9 =	vld [tilespmem:s17+$0x100];
	v11 =	vadd.f32 $1.000000000e+00, v11  }
0x75: {  	v10 =	vld [tilespmem:s17+$0x2100];
	v12 =	vsub.f32 $0.0e+00, v3;
	v3 =	vmax.f32 v3, $0.0e+00  }
0x76: {  	(erf) = vrcp.f32 v11;
	v13 =	vadd.f32 v3, v7;
	v3 =	vld [tilespmem:s17+$0x140]  }
0x77: {  	v12 =	vmul.f32 $1.442695020e+00, v12;
	v7 =	vld [tilespmem:s17+$0x4100]  }
0x78: {  	s7 =	simm.s32 $0x40;
	s13 =	simm.s32 $0x100  }
0x79: {  	s30 =	sand.u32 $0x30, s7;
	s14 =	simm.s32 $0x80;
	s16 =	simm.s32 $0xE0;
	(erf) = vpow2.f32 v12;
	[tilespmem:s18+$0x6100] =	vst v13  }
0x7a: {  	s14 =	sand.u32 $0x1F80, s14;
	s2 =	simm.s32 $0xA0;
	s1 =	simm.s32 $0xC0;
	v9 =	vadd.f32 v10, v9;
	v8 =	vld [tilespmem:s17+$0x6100]  }
.LBB2_7:
0x7b: {  	p1 =	sne.s32 s13, $0x1FE0;
	s14 =	sor.u32 s30, s14;
	v10 =	vpop (erf);
	v11 =	vmov v3;
	s22 =	smov.u32 s31  }
0x7c: {  	s31 =	smov.u32 s11;
	s11 =	smov.u32 s18;
	s18 =	smov.u32 s17;
	v12 =	vld [tilespmem:s14+$0x100];
	v7 =	vadd.f32 v7, v9;
	v15 =	vadd.f32 $1.000000000e+00, v10  }
0x7d: {  	s17 =	smov.u32 s14;
	v10 =	vld [tilespmem:s14+$0x2100];
	s14 =	smov.u32 s2;
	s2 =	smov.u32 s1  }
.Ltmp3:
0x7e: {  	s1 =	smov.u32 s16;
	s16 =	smov.u32 s13;
	v3 =	vld [tilespmem:s17+$0x140];
	v13 =	vsub.f32 $0.0e+00, v7;
	v14 =	vmax.f32 v7, $0.0e+00;
	(erf) = vrcp.f32 v15;
	(pc) =	sbr.rel @p1 .LBB2_7-.Ltmp3, $4  }
0x7f: {  	v7 =	vld [tilespmem:s17+$0x4100];
	v8 =	vadd.f32 v14, v8;
	v9 =	vpop (erf)  }
0x80: {  	v13 =	vmul.f32 $1.442695020e+00, v13;
	v14 =	vmul.f32 v9, v6;
	[tilespmem:s22+$0x8140] =	vst v9;
	v6 =	vmovc v5;
	v5 =	vmovc v4;
	v4 =	vmov v11  }
0x81: {  	s7 =	sadd.s32 $0x10, s7;
	[tilespmem:s18+$0x6100] =	vst v8  }
0x82: {  	s30 =	sand.u32 $0x30, s7;
	s13 =	sadd.s32 $0x20, s13;
	s14 =	sand.u32 $0x1F80, s14;
	v8 =	vld [tilespmem:s17+$0x6100];
	v9 =	vadd.f32 v10, v12;
	(erf) = vpow2.f32 v13;
	[tilespmem:s22+$0x8100] =	vst v14  }
0x83: {  	s30 =	sor.u32 s30, s14;
	v10 =	vpop (erf)  }
0x84: {  	v11 =	vld [tilespmem:s30+$0x100];
	v7 =	vadd.f32 v7, v9;
	v29 =	vadd.f32 $1.000000000e+00, v10  }
0x85: {  	v30 =	vld [tilespmem:s30+$0x2100]  }
0x86: {  	v13 =	vmax.f32 v7, $0.0e+00;
	(erf) = vrcp.f32 v29  }
0x87: {  	v31 =	vld [tilespmem:s30+$0x4100];
	v8 =	vadd.f32 v13, v8;
	v32 =	vpop (erf)  }
0x88: {  	v12 =	vld [tilespmem:s30+$0x140];
	[tilespmem:s31+$0x8140] =	vst v32  }
0x89: {  	s7 =	sadd.s32 $0x10, s7;
	v7 =	vsub.f32 $0.0e+00, v7;
	v6 =	vmul.f32 v32, v6;
	[tilespmem:s17+$0x6100] =	vst v8  }
0x8a: {  	s2 =	sand.u32 $0x1F80, s2;
	s13 =	sand.u32 $0x30, s7;
	v10 =	vadd.f32 v30, v11;
	v8 =	vld [tilespmem:s30+$0x6100]  }
0x8b: {  	s2 =	sor.u32 s13, s2;
	v7 =	vmul.f32 $1.442695020e+00, v7;
	[tilespmem:s31+$0x8100] =	vst v6;
	v33 =	vpop (erf)  }
0x8c: {  	v34 =	vld [tilespmem:s2+$0x100];
	v9 =	vadd.f32 v31, v10;
	v6 =	vadd.f32 $1.000000000e+00, v33  }
0x8d: {  	(erf) = vpow2.f32 v7;
	v35 =	vld [tilespmem:s2+$0x2100]  }
0x8e: {  	v37 =	vmax.f32 v9, $0.0e+00;
	(erf) = vrcp.f32 v6  }
0x8f: {  	v38 =	vld [tilespmem:s2+$0x4100];
	v8 =	vadd.f32 v37, v8;
	v39 =	vpop (erf)  }
0x90: {  	v36 =	vld [tilespmem:s2+$0x140];
	[tilespmem:s11+$0x8140] =	vst v39  }
0x91: {  	[tilespmem:s30+$0x6100] =	vst v8  }
0x92: {  	s7 =	sadd.s32 $0x10, s7;
	v5 =	vmul.f32 v39, v5;
	v7 =	vadd.f32 v35, v34;
	v8 =	vld [tilespmem:s2+$0x6100]  }
0x93: {  	s1 =	sand.u32 $0x1F80, s1;
	s14 =	sand.u32 $0x30, s7  }
0x94: {  	s1 =	sor.u32 s14, s1;
	[tilespmem:s11+$0x8100] =	vst v5;
	v6 =	vadd.f32 v38, v7  }
0x95: {  	v5 =	vld [tilespmem:s1+$0x100]  }
0x96: {  	v9 =	vsub.f32 $0.0e+00, v9;
	v40 =	vld [tilespmem:s1+$0x2100];
	v41 =	vpop (erf);
	v14 =	vmax.f32 v6, $0.0e+00  }
0x97: {  	v42 =	vld [tilespmem:s1+$0x140];
	v8 =	vadd.f32 v14, v8;
	v43 =	vpop (erf)  }
0x98: {  	s7 =	sadd.s32 $0x10, s7;
	v9 =	vmul.f32 $1.442695020e+00, v9;
	v15 =	vld [tilespmem:s1+$0x4100];
	v6 =	vsub.f32 $0.0e+00, v6;
	[tilespmem:s18+$0x8140] =	vst v43;
	v4 =	vmul.f32 v43, v4  }
0x99: {  	s22 =	sand.u32 $0x1F80, s16;
	s7 =	sand.u32 $0x30, s7;
	v44 =	vadd.f32 $1.000000000e+00, v41;
	[tilespmem:s2+$0x6100] =	vst v8  }
0x9a: {  	s7 =	sor.u32 s7, s22;
	(erf) = vpow2.f32 v9;
	v6 =	vmul.f32 $1.442695020e+00, v6;
	v45 =	vld [tilespmem:s1+$0x6100];
	[tilespmem:s18+$0x8100] =	vst v4  }
0x9b: {  	(erf) = vrcp.f32 v44;
	v4 =	vld [tilespmem:s7+$0x100]  }
0x9c: {  	(erf) = vpow2.f32 v6;
	v46 =	vld [tilespmem:s7+$0x2100];
	_ =	sdelay $0x1  }
0x9d: {  	v47 =	vld [tilespmem:s7+$0x4100]  }
0x9e: {  	v5 =	vadd.f32 v40, v5;
	_ =	sdelay $0x1  }
0x9f: {  	v5 =	vadd.f32 v15, v5;
	v4 =	vadd.f32 v46, v4;
	_ =	sdelay $0x1  }
0xa0: {  	v48 =	vpop (erf);
	v49 =	vsub.f32 $0.0e+00, v5;
	v4 =	vadd.f32 v47, v4  }
0xa1: {  	v6 =	vadd.f32 $1.000000000e+00, v48;
	v50 =	vpop (erf)  }
0xa2: {  	v7 =	vmul.f32 $1.442695020e+00, v49;
	v51 =	vpop (erf);
	v52 =	vsub.f32 $0.0e+00, v4  }
0xa3: {  	(erf) = vrcp.f32 v6;
	v53 =	vadd.f32 $1.000000000e+00, v51  }
0xa4: {  	(erf) = vpow2.f32 v7;
	v54 =	vmul.f32 $1.442695020e+00, v52  }
0xa5: {  	(erf) = vrcp.f32 v53  }
0xa6: {  	(erf) = vpow2.f32 v54;
	_ =	sdelay $0x5  }
0xa7: {  	v5 =	vmax.f32 v5, $0.0e+00;
	v55 =	vpop (erf)  }
0xa8: {  	v5 =	vadd.f32 v5, v45;
	v57 =	vpop (erf)  }
0xa9: {  	v56 =	vld [tilespmem:s7+$0x140];
	[tilespmem:s17+$0x8140] =	vst v50;
	v9 =	vadd.f32 $1.000000000e+00, v57;
	v58 =	vpop (erf)  }
0xaa: {  	[tilespmem:s1+$0x6100] =	vst v5;
	v59 =	vpop (erf)  }
0xab: {  	v60 =	vld [tilespmem:s7+$0x6100];
	(erf) = vrcp.f32 v9;
	v5 =	vadd.f32 $1.000000000e+00, v59;
	_ =	sdelay $0x1  }
0xac: {  	(erf) = vrcp.f32 v5  }
0xad: {  	v3 =	vmul.f32 v50, v3  }
0xae: {  	v4 =	vmax.f32 v4, $0.0e+00  }
0xaf: {  	[tilespmem:s17+$0x8100] =	vst v3;
	v3 =	vadd.f32 v4, v60  }
0xb0: {  	v61 =	vmul.f32 v55, v12;
	[tilespmem:s30+$0x8140] =	vst v55  }
0xb1: {  	[tilespmem:s7+$0x6100] =	vst v3  }
0xb2: {  	[tilespmem:s30+$0x8100] =	vst v61;
	v3 =	vmul.f32 v58, v36  }
0xb3: {  	[tilespmem:s2+$0x8140] =	vst v58;
	v62 =	vpop (erf)  }
0xb4: {  	[tilespmem:s2+$0x8100] =	vst v3;
	v3 =	vmul.f32 v62, v42  }
0xb5: {  	[tilespmem:s1+$0x8140] =	vst v62;
	v63 =	vpop (erf)  }
0xb6: {  	[tilespmem:s1+$0x8100] =	vst v3;
	v3 =	vmul.f32 v63, v56  }
0xb7: {  	[tilespmem:s7+$0x8140] =	vst v63  }
0xb8: {  	s30 =	sadd.s32 s10, s15;
	[tilespmem:s7+$0x8100] =	vst v3  }
0xb9: {  	[hbm4b:s30+s24] =	stream.strided.scatter [tilespmem:s29], [sflag:$0x2], $0x2000, s26, s24, $0x38;
	[tilespmem:$0x1D980] =	vst v63  }
0xba: {  	_ =	swait.ge [sflag:s20], $0x2000  }
0xbb: {  	s3 =	sadd.s32 $0x1, s3;
	[sflag:s20] =	ssyncset.done $0x0  }
0xbc: {  	p1 =	sne.s32 s3, s12;
	[sflag:s20] =	ssyncadd.s32 $0xFFFFE000  }
.Ltmp4:
0xbd: {  	s31 =	rddreg [dreg:$0x2];
	(pc) =	sbr.rel @p1 .LBB2_6-.Ltmp4, $4  }
0xbe: {  	[spmem:s31] =	stream.indirect.scatter.add.f32 [tilespmem:s19], [sflag:$0x2], $0x80, s24, s21, $0xb8;
	[tilespmem:$0x1D980] =	vst v63  }
0xbf: {  	_ =	swait.ge [sflag:s20], $0x2000  }
0xc0: {  	[sflag:s20] =	ssyncset.done $0x0  }
0xc1: {  	[sflag:s20] =	ssyncadd.s32 $0xFFFFE000  }
0xc2: {  	[bflag:$0x0] =	sbarrier.arrive $0xFFFF  }
0xc3: {  	s0 =	sshll.u32 s28, $0x6;
	s13 =	rddreg [dreg:$0x8]  }
.Ltmp5:
0xc4: {  	s2 =	rddreg [dreg:$0x9];
	s1 =	sshrl.u32 s13, $0x3;
	(pc) =	sbr.rel @!p0 .LBB2_11-.Ltmp5, $4  }
0xc5: {  	s31 =	sor.u32 $0x1C02, s0;
	[dreg:$0xc] =	wrdreg s1  }
0xc6: {  	[hbm:s2], [sflag:s31] =	dma.local [spmem:s1], $0x280  }
0xc7: {  	s3 =	smov.u32 s13;
	s11 =	rddreg [dreg:$0x4]  }
0xc8: {  	s2 =	sadd.s32 $0x2800, s2;
	_ =	swait.ge [sflag:s20], $0x280;
	s1 =	sadd.s32 $0xFFFFFFFF, s11  }
.LBB2_10:
0xc9: {  	[sflag:s20] =	ssyncset.done $0x0  }
0xca: {  	s3 =	sadd.s32 $0x14000, s3;
	s31 =	sor.u32 $0x1C02, s0;
	p1 =	sne.s32 s1, $0x1  }
.Ltmp6:
0xcb: {  	s7 =	sshrl.u32 s3, $0x3;
	[sflag:s20] =	ssyncadd.s32 $0xFFFFFD80;
	(pc) =	sbr.rel @p1 .LBB2_10-.Ltmp6, $3  }
0xcc: {  	[hbm:s2], [sflag:s31] =	dma.local [spmem:s7], $0x280  }
0xcd: {  	s1 =	sadd.s32 $0xFFFFFFFF, s1;
	_ =	sdelay $0x1  }
0xce: {  	s2 =	sadd.s32 $0x2800, s2;
	_ =	swait.ge [sflag:s20], $0x280  }
.LBB2_11:
0xcf: {  	s0 =	simm.s32 $0x0  }
0xd0: {  	s1 =	sand.u32 $0x7E00, s0  }
0xd1: {  	[sflag:s20] =	ssyncset.done $0x0;
	s2 =	sand.u32 $0x70, s0;
	s3 =	sshrl.u32 s1, $0x2  }
0xd2: {  	[sflag:s20] =	ssyncadd.s32 $0xFFFFFD80;
	s1 =	simm.s32 $0x40;
	s2 =	sor.u32 s2, s3  }
.LBB2_12:
0xd3: {  	p1 =	sne.s32 s1, $0x7FC0  }
0xd4: {  	[tilespmem:s2+$0x8100] =	vst v2;
	s0 =	sadd.s32 $0x10, s0;
	s2 =	smov.u32 s1;
	s1 =	sadd.s32 $0x40, s1  }
.Ltmp7:
0xd5: {  	(pc) =	sbr.rel @p1 .LBB2_12-.Ltmp7, $4  }
0xd6: {  	_ = 	snop  }
0xd7: {  	s2 =	sand.u32 $0x7E00, s2  }
0xd8: {  	s3 =	sand.u32 $0x70, s0;
	s2 =	sshrl.u32 s2, $0x2  }
0xd9: {  	s2 =	sor.u32 s3, s2  }
.Ltmp8:
0xda: {  	(pc) =	sbr.rel @!p0 .LBB2_15-.Ltmp8, $4  }
0xdb: {  	[tilespmem:s2+$0x8100] =	vst v2  }
0xdc: {  	[spmem:s13] =	stream.linear.scatter [tilespmem:s19], [sflag:$0x2], $0x1400, $0x38;
	[tilespmem:$0x1D980] =	vst v63  }
0xdd: {  	_ =	swait.ge [sflag:s20], $0x1400  }
0xde: {  	s0 =	sadd.s32 $0xFFFFFFFF, s11;
	s1 =	smov.u32 s13;
	[sflag:s20] =	ssyncset.done $0x0  }
.LBB2_14:
0xdf: {  	p1 =	sne.s32 s0, $0x1;
	[sflag:s20] =	ssyncadd.s32 $0xFFFFEC00;
	s1 =	sadd.s32 $0x14000, s1  }
.Ltmp9:
0xe0: {  	s0 =	sadd.s32 $0xFFFFFFFF, s0;
	(pc) =	sbr.rel @p1 .LBB2_14-.Ltmp9, $4  }
0xe1: {  	_ = 	snop  }
0xe2: {  	[spmem:s1] =	stream.linear.scatter [tilespmem:s19], [sflag:$0x2], $0x1400, $0x38;
	[tilespmem:$0x1D980] =	vst v63  }
0xe3: {  	_ =	swait.ge [sflag:s20], $0x1400  }
0xe4: {  	[sflag:s20] =	ssyncset.done $0x0  }
.LBB2_15:
0xe5: {  	[sflag:s20] =	ssyncadd.s32 $0xFFFFEC00  }
0xe6: {  	s3 =	simm.s32 $0x0;
	s15 =	simm.s32 $0x0;
	[bflag:$0x0] =	sbarrier.arrive $0xFFFF  }
.LBB2_16:
0xe7: {  	s0 =	sshll.u32 s15, $0x4  }
0xe8: {  	s0 =	sor.u32 s28, s0  }
0xe9: {  	s1 =	sshll.u32 s0, $0x3  }
0xea: {  	s2 =	sadd.s32 s8, s1  }
0xeb: {  	[tilespmem:s3], [sflag:$0x2] =	stream.linear.gather [hbm4b:s2+s3], $0x40, $0x38;
	[tilespmem:$0x1D980] =	vst v63  }
0xec: {  	_ =	swait.ge [sflag:s20], $0x40  }
0xed: {  	[sflag:s20] =	ssyncset.done $0x0  }
0xee: {  	[sflag:s20] =	ssyncadd.s32 $0xFFFFFFC0  }
0xef: {  	v3 =	vld [tilespmem:$0x0]  }
0xf0: {  	v4 =	vld [tilespmem:$0x10]  }
0xf1: {  	v5 =	vld [tilespmem:$0x20]  }
0xf2: {  	v6 =	vld [tilespmem:$0x30];
	_ =	sdelay $0x1  }
0xf3: {  	v3 =	vadd.s32 v1, v3  }
0xf4: {  	[tilespmem:$0x0] =	vst v3;
	v3 =	vadd.s32 v1, v4  }
0xf5: {  	[tilespmem:$0x10] =	vst v3;
	v3 =	vadd.s32 v1, v5  }
0xf6: {  	[tilespmem:$0x20] =	vst v3;
	v3 =	vadd.s32 v1, v6  }
0xf7: {  	s17 =	simm.s32 $0x100;
	[tilespmem:$0x30] =	vst v3  }
0xf8: {  	[tilespmem:s17], [sflag:$0x1] =	stream.indirect.gather [hbm4b:s25+s21], $0x80, s3, s21, $0xb8;
	[tilespmem:$0x1D980] =	vst v63  }
0xf9: {  	_ =	swait.ge [sflag:s23], $0x2000  }
0xfa: {  	[sflag:s23] =	ssyncset.done $0x0  }
0xfb: {  	s1 =	sadd.s32 s9, s1;
	[sflag:s23] =	ssyncadd.s32 $0xFFFFE000  }
0xfc: {  	[tilespmem:s24], [sflag:$0x2] =	stream.linear.gather [hbm4b:s1+s3], $0x40, $0x38;
	[tilespmem:$0x1D980] =	vst v63  }
0xfd: {  	_ =	swait.ge [sflag:s20], $0x40  }
0xfe: {  	[sflag:s20] =	ssyncset.done $0x0  }
0xff: {  	[sflag:s20] =	ssyncadd.s32 $0xFFFFFFC0  }
0x100: {  	v3 =	vld [tilespmem:$0x80]  }
0x101: {  	v4 =	vld [tilespmem:$0x90]  }
0x102: {  	v5 =	vld [tilespmem:$0xA0]  }
0x103: {  	v6 =	vld [tilespmem:$0xB0];
	_ =	sdelay $0x1  }
0x104: {  	v3 =	vadd.s32 v1, v3  }
0x105: {  	[tilespmem:$0x0] =	vst v3;
	v3 =	vadd.s32 v1, v4  }
0x106: {  	[tilespmem:$0x10] =	vst v3;
	v3 =	vadd.s32 v1, v5  }
0x107: {  	[tilespmem:$0x20] =	vst v3;
	v3 =	vadd.s32 v1, v6  }
0x108: {  	s18 =	simm.s32 $0x2100;
	[tilespmem:$0x30] =	vst v3  }
0x109: {  	[tilespmem:s18], [sflag:$0x1] =	stream.indirect.gather [hbm4b:s5+s21], $0x80, s3, s21, $0xb8;
	[tilespmem:$0x1D980] =	vst v63  }
0x10a: {  	_ =	swait.ge [sflag:s23], $0x2000  }
0x10b: {  	s0 =	sshll.u32 s0, $0xF;
	s22 =	rddreg [dreg:$0x6]  }
0x10c: {  	s0 =	sor.u32 s22, s0  }
0x10d: {  	s28 =	smov.u32 s25;
	[sflag:s23] =	ssyncset.done $0x0;
	s17 =	sshrl.u32 s0, $0x3  }
0x10e: {  	s25 =	simm.s32 $0x4100;
	[sflag:s23] =	ssyncadd.s32 $0xFFFFE000;
	s0 =	sadd.s32 s4, s17  }
0x10f: {  	[tilespmem:s25], [sflag:$0x2] =	stream.strided.gather [hbm4b:s0+s24], $0x2000, s26, s24, $0x38;
	[tilespmem:$0x1D980] =	vst v63  }
0x110: {  	_ =	swait.ge [sflag:s20], $0x2000  }
0x111: {  	[sflag:s20] =	ssyncset.done $0x0  }
0x112: {  	s1 =	sadd.s32 s6, s17;
	[sflag:s20] =	ssyncadd.s32 $0xFFFFE000  }
0x113: {  	[tilespmem:s29], [sflag:$0x2] =	stream.strided.gather [hbm4b:s1+s24], $0x2000, s26, s24, $0x38;
	[tilespmem:$0x1D980] =	vst v63  }
0x114: {  	_ =	swait.ge [sflag:s20], $0x2000  }
0x115: {  	s7 =	sand.u32 $0x1F80, s3;
	s2 =	sand.u32 $0x30, s3;
	[sflag:s20] =	ssyncset.done $0x0  }
0x116: {  	s16 =	sor.u32 s2, s7;
	[sflag:s20] =	ssyncadd.s32 $0xFFFFE000  }
0x117: {  	v3 =	vld [tilespmem:s16+$0x100]  }
0x118: {  	v4 =	vld [tilespmem:s16+$0x2100];
	_ =	sdelay $0x1  }
0x119: {  	v5 =	vld [tilespmem:s16+$0x4100];
	_ =	sdelay $0x2  }
0x11a: {  	s11 =	simm.s32 $0x20;
	s13 =	simm.s32 $0x10;
	v7 =	vld [tilespmem:s16+$0x6100];
	v3 =	vadd.f32 v4, v3  }
0x11b: {  	s0 =	sand.u32 $0x1F80, s11;
	s1 =	sand.u32 $0x30, s13  }
0x11c: {  	s0 =	sor.u32 s1, s0;
	v3 =	vadd.f32 v5, v3  }
0x11d: {  	v8 =	vld [tilespmem:s0+$0x2100]  }
0x11e: {  	v4 =	vld [tilespmem:s0+$0x100];
	v5 =	vmax.f32 v3, $0.0e+00  }
0x11f: {  	v7 =	vadd.f32 v5, v7  }
0x120: {  	s14 =	simm.s32 $0x40;
	s18 =	simm.s32 $0x20;
	v9 =	vld [tilespmem:s0+$0x4100];
	v3 =	vsub.f32 $0.0e+00, v3  }
0x121: {  	s2 =	sand.u32 $0x30, s18;
	s1 =	sand.u32 $0x1F80, s14;
	v5 =	vld [tilespmem:s0+$0x140];
	[tilespmem:s16+$0x6100] =	vst v7  }
0x122: {  	s11 =	sor.u32 s2, s1;
	v3 =	vmul.f32 $1.442695020e+00, v3;
	v7 =	vld [tilespmem:s0+$0x6100]  }
0x123: {  	v4 =	vadd.f32 v8, v4;
	v8 =	vld [tilespmem:s11+$0x100]  }
0x124: {  	(erf) = vpow2.f32 v3;
	v3 =	vld [tilespmem:s11+$0x2100]  }
0x125: {  	v9 =	vadd.f32 v9, v4;
	_ =	sdelay $0x1  }
0x126: {  	v4 =	vmax.f32 v9, $0.0e+00  }
0x127: {  	v7 =	vadd.f32 v4, v7  }
0x128: {  	v10 =	vld [tilespmem:s11+$0x4100];
	v3 =	vadd.f32 v3, v8;
	v8 =	vsub.f32 $0.0e+00, v9  }
0x129: {  	v6 =	vld [tilespmem:s16+$0x140]  }
0x12a: {  	v4 =	vld [tilespmem:s11+$0x140];
	[tilespmem:s0+$0x6100] =	vst v7;
	v8 =	vmul.f32 $1.442695020e+00, v8  }
0x12b: {  	s22 =	simm.s32 $0x60;
	s25 =	simm.s32 $0x30;
	v7 =	vld [tilespmem:s11+$0x6100]  }
0x12c: {  	s2 =	sand.u32 $0x30, s25;
	s1 =	sand.u32 $0x1F80, s22;
	v11 =	vpop (erf);
	(erf) = vpow2.f32 v8  }
0x12d: {  	s18 =	sor.u32 s2, s1;
	v3 =	vadd.f32 v10, v3  }
0x12e: {  	v9 =	vld [tilespmem:s18+$0x100];
	v11 =	vadd.f32 $1.000000000e+00, v11  }
0x12f: {  	v10 =	vld [tilespmem:s18+$0x2100];
	v12 =	vsub.f32 $0.0e+00, v3;
	v3 =	vmax.f32 v3, $0.0e+00  }
0x130: {  	(erf) = vrcp.f32 v11;
	v13 =	vadd.f32 v3, v7;
	v3 =	vld [tilespmem:s18+$0x140]  }
0x131: {  	v12 =	vmul.f32 $1.442695020e+00, v12;
	v7 =	vld [tilespmem:s18+$0x4100]  }
0x132: {  	s30 =	simm.s32 $0xE0;
	s13 =	simm.s32 $0x40  }
0x133: {  	s7 =	simm.s32 $0xA0;
	s14 =	sand.u32 $0x30, s13;
	s22 =	simm.s32 $0x80;
	(erf) = vpow2.f32 v12;
	[tilespmem:s11+$0x6100] =	vst v13  }
0x134: {  	s2 =	simm.s32 $0xC0;
	s1 =	simm.s32 $0x100;
	s22 =	sand.u32 $0x1F80, s22;
	v9 =	vadd.f32 v10, v9;
	v8 =	vld [tilespmem:s18+$0x6100]  }
.LBB2_17:
0x135: {  	p1 =	sne.s32 s1, $0x1FE0;
	s14 =	sor.u32 s14, s22;
	v10 =	vpop (erf);
	v11 =	vmov v3;
	s25 =	smov.u32 s16  }
0x136: {  	s16 =	smov.u32 s0;
	s0 =	smov.u32 s11;
	s11 =	smov.u32 s18;
	v12 =	vld [tilespmem:s14+$0x100];
	v7 =	vadd.f32 v7, v9;
	v15 =	vadd.f32 $1.000000000e+00, v10  }
0x137: {  	s22 =	smov.u32 s7;
	s7 =	smov.u32 s2;
	s18 =	smov.u32 s14;
	v10 =	vld [tilespmem:s14+$0x2100]  }
.Ltmp10:
0x138: {  	s2 =	smov.u32 s30;
	s30 =	smov.u32 s1;
	v3 =	vld [tilespmem:s18+$0x140];
	v13 =	vsub.f32 $0.0e+00, v7;
	v14 =	vmax.f32 v7, $0.0e+00;
	(erf) = vrcp.f32 v15;
	(pc) =	sbr.rel @p1 .LBB2_17-.Ltmp10, $4  }
0x139: {  	v7 =	vld [tilespmem:s18+$0x4100];
	v8 =	vadd.f32 v14, v8;
	v9 =	vpop (erf)  }
0x13a: {  	v13 =	vmul.f32 $1.442695020e+00, v13;
	v14 =	vmul.f32 v9, v6;
	[tilespmem:s25+$0x8140] =	vst v9;
	v6 =	vmovc v5;
	v5 =	vmovc v4;
	v4 =	vmov v11  }
0x13b: {  	s13 =	sadd.s32 $0x10, s13;
	[tilespmem:s11+$0x6100] =	vst v8  }
0x13c: {  	s1 =	sadd.s32 $0x20, s1;
	s22 =	sand.u32 $0x1F80, s22;
	s14 =	sand.u32 $0x30, s13;
	v8 =	vld [tilespmem:s18+$0x6100];
	v9 =	vadd.f32 v10, v12;
	(erf) = vpow2.f32 v13;
	[tilespmem:s25+$0x8100] =	vst v14  }
0x13d: {  	s1 =	sor.u32 s14, s22;
	v10 =	vpop (erf)  }
0x13e: {  	v11 =	vld [tilespmem:s1+$0x100];
	v7 =	vadd.f32 v7, v9;
	v29 =	vadd.f32 $1.000000000e+00, v10  }
0x13f: {  	v30 =	vld [tilespmem:s1+$0x2100]  }
0x140: {  	v13 =	vmax.f32 v7, $0.0e+00;
	(erf) = vrcp.f32 v29  }
0x141: {  	v31 =	vld [tilespmem:s1+$0x4100];
	v8 =	vadd.f32 v13, v8;
	v32 =	vpop (erf)  }
0x142: {  	v12 =	vld [tilespmem:s1+$0x140];
	[tilespmem:s16+$0x8140] =	vst v32  }
0x143: {  	s13 =	sadd.s32 $0x10, s13;
	v7 =	vsub.f32 $0.0e+00, v7;
	v6 =	vmul.f32 v32, v6;
	[tilespmem:s18+$0x6100] =	vst v8  }
0x144: {  	s7 =	sand.u32 $0x1F80, s7;
	s22 =	sand.u32 $0x30, s13;
	v10 =	vadd.f32 v30, v11;
	v8 =	vld [tilespmem:s1+$0x6100]  }
0x145: {  	v7 =	vmul.f32 $1.442695020e+00, v7;
	[tilespmem:s16+$0x8100] =	vst v6;
	s16 =	sor.u32 s22, s7;
	v33 =	vpop (erf)  }
0x146: {  	v34 =	vld [tilespmem:s16+$0x100];
	v9 =	vadd.f32 v31, v10;
	v6 =	vadd.f32 $1.000000000e+00, v33  }
0x147: {  	(erf) = vpow2.f32 v7;
	v35 =	vld [tilespmem:s16+$0x2100]  }
0x148: {  	v37 =	vmax.f32 v9, $0.0e+00;
	(erf) = vrcp.f32 v6  }
0x149: {  	v38 =	vld [tilespmem:s16+$0x4100];
	v8 =	vadd.f32 v37, v8;
	v39 =	vpop (erf)  }
0x14a: {  	v36 =	vld [tilespmem:s16+$0x140];
	[tilespmem:s0+$0x8140] =	vst v39  }
0x14b: {  	[tilespmem:s1+$0x6100] =	vst v8  }
0x14c: {  	s25 =	sadd.s32 $0x10, s13;
	v5 =	vmul.f32 v39, v5;
	v7 =	vadd.f32 v35, v34;
	v8 =	vld [tilespmem:s16+$0x6100]  }
0x14d: {  	s2 =	sand.u32 $0x1F80, s2;
	s13 =	sand.u32 $0x30, s25  }
0x14e: {  	s13 =	sor.u32 s13, s2;
	[tilespmem:s0+$0x8100] =	vst v5;
	v6 =	vadd.f32 v38, v7  }
0x14f: {  	v5 =	vld [tilespmem:s13+$0x100]  }
0x150: {  	v9 =	vsub.f32 $0.0e+00, v9;
	v40 =	vld [tilespmem:s13+$0x2100];
	v41 =	vpop (erf);
	v14 =	vmax.f32 v6, $0.0e+00  }
0x151: {  	v42 =	vld [tilespmem:s13+$0x140];
	v8 =	vadd.f32 v14, v8;
	v43 =	vpop (erf)  }
0x152: {  	s14 =	sadd.s32 $0x10, s25;
	v9 =	vmul.f32 $1.442695020e+00, v9;
	v15 =	vld [tilespmem:s13+$0x4100];
	v6 =	vsub.f32 $0.0e+00, v6;
	[tilespmem:s11+$0x8140] =	vst v43;
	v4 =	vmul.f32 v43, v4  }
0x153: {  	s2 =	sand.u32 $0x30, s14;
	s22 =	sand.u32 $0x1F80, s30;
	v44 =	vadd.f32 $1.000000000e+00, v41;
	[tilespmem:s16+$0x6100] =	vst v8  }
0x154: {  	s2 =	sor.u32 s2, s22;
	(erf) = vpow2.f32 v9;
	v6 =	vmul.f32 $1.442695020e+00, v6;
	v45 =	vld [tilespmem:s13+$0x6100];
	[tilespmem:s11+$0x8100] =	vst v4  }
0x155: {  	(erf) = vrcp.f32 v44;
	v4 =	vld [tilespmem:s2+$0x100]  }
0x156: {  	(erf) = vpow2.f32 v6;
	v46 =	vld [tilespmem:s2+$0x2100];
	_ =	sdelay $0x1  }
0x157: {  	v47 =	vld [tilespmem:s2+$0x4100]  }
0x158: {  	v5 =	vadd.f32 v40, v5;
	_ =	sdelay $0x1  }
0x159: {  	v5 =	vadd.f32 v15, v5;
	v4 =	vadd.f32 v46, v4;
	_ =	sdelay $0x1  }
0x15a: {  	v48 =	vpop (erf);
	v49 =	vsub.f32 $0.0e+00, v5;
	v4 =	vadd.f32 v47, v4  }
0x15b: {  	v6 =	vadd.f32 $1.000000000e+00, v48;
	v50 =	vpop (erf)  }
0x15c: {  	v7 =	vmul.f32 $1.442695020e+00, v49;
	v51 =	vpop (erf);
	v52 =	vsub.f32 $0.0e+00, v4  }
0x15d: {  	(erf) = vrcp.f32 v6;
	v53 =	vadd.f32 $1.000000000e+00, v51  }
0x15e: {  	(erf) = vpow2.f32 v7;
	v54 =	vmul.f32 $1.442695020e+00, v52  }
0x15f: {  	(erf) = vrcp.f32 v53  }
0x160: {  	(erf) = vpow2.f32 v54;
	_ =	sdelay $0x5  }
0x161: {  	v5 =	vmax.f32 v5, $0.0e+00;
	v55 =	vpop (erf)  }
0x162: {  	v5 =	vadd.f32 v5, v45;
	v57 =	vpop (erf)  }
0x163: {  	v56 =	vld [tilespmem:s2+$0x140];
	[tilespmem:s18+$0x8140] =	vst v50;
	v9 =	vadd.f32 $1.000000000e+00, v57;
	v58 =	vpop (erf)  }
0x164: {  	[tilespmem:s13+$0x6100] =	vst v5;
	v59 =	vpop (erf)  }
0x165: {  	v60 =	vld [tilespmem:s2+$0x6100];
	(erf) = vrcp.f32 v9;
	v5 =	vadd.f32 $1.000000000e+00, v59;
	_ =	sdelay $0x1  }
0x166: {  	(erf) = vrcp.f32 v5  }
0x167: {  	v3 =	vmul.f32 v50, v3  }
0x168: {  	v4 =	vmax.f32 v4, $0.0e+00  }
0x169: {  	[tilespmem:s18+$0x8100] =	vst v3;
	v3 =	vadd.f32 v4, v60  }
0x16a: {  	v61 =	vmul.f32 v55, v12;
	[tilespmem:s1+$0x8140] =	vst v55  }
0x16b: {  	[tilespmem:s2+$0x6100] =	vst v3  }
0x16c: {  	[tilespmem:s1+$0x8100] =	vst v61;
	v3 =	vmul.f32 v58, v36  }
0x16d: {  	[tilespmem:s16+$0x8140] =	vst v58;
	v62 =	vpop (erf)  }
0x16e: {  	[tilespmem:s16+$0x8100] =	vst v3;
	v3 =	vmul.f32 v62, v42  }
0x16f: {  	[tilespmem:s13+$0x8140] =	vst v62;
	v63 =	vpop (erf)  }
0x170: {  	[tilespmem:s13+$0x8100] =	vst v3;
	v3 =	vmul.f32 v63, v56  }
0x171: {  	[tilespmem:s2+$0x8140] =	vst v63  }
0x172: {  	s25 =	sadd.s32 s10, s17;
	[tilespmem:s2+$0x8100] =	vst v3  }
0x173: {  	[hbm4b:s25+s24] =	stream.strided.scatter [tilespmem:s29], [sflag:$0x2], $0x2000, s26, s24, $0x38;
	[tilespmem:$0x1D980] =	vst v63  }
0x174: {  	_ =	swait.ge [sflag:s20], $0x2000  }
0x175: {  	s15 =	sadd.s32 $0x1, s15;
	[sflag:s20] =	ssyncset.done $0x0  }
0x176: {  	p1 =	sne.s32 s15, s12;
	[sflag:s20] =	ssyncadd.s32 $0xFFFFE000  }
.Ltmp11:
0x177: {  	s30 =	rddreg [dreg:$0x2];
	(pc) =	sbr.rel @p1 .LBB2_16-.Ltmp11, $4  }
0x178: {  	[spmem:s30] =	stream.indirect.scatter.add.f32 [tilespmem:s19], [sflag:$0x2], $0x80, s24, s21, $0xb8;
	[tilespmem:$0x1D980] =	vst v63  }
0x179: {  	_ =	swait.ge [sflag:s20], $0x2000  }
0x17a: {  	[sflag:s20] =	ssyncset.done $0x0  }
0x17b: {  	s25 =	smov.u32 s28;
	s28 =	stileid.u32;
	[sflag:s20] =	ssyncadd.s32 $0xFFFFE000  }
0x17c: {  	[bflag:$0x0] =	sbarrier.arrive $0xFFFF  }
0x17d: {  	s2 =	rddreg [dreg:$0xa]  }
0x17e: {  	s0 =	rddreg [dreg:$0xc]  }
0x17f: {  	[hbm:s2], [sflag:s31] =	dma.local [spmem:s0], $0x280  }
.Ltmp12:
0x180: {  	_ = 	snop;
	(pc) =	sbr.rel @!p0 .LBB2_21-.Ltmp12, $4  }
0x181: {  	_ =	swait.ge [sflag:s20], $0x280  }
0x182: {  	s16 =	rddreg [dreg:$0x4]  }
0x183: {  	s7 =	rddreg [dreg:$0x8]  }
0x184: {  	[sflag:s20] =	ssyncset.done $0x0;
	s0 =	sadd.s32 $0xFFFFFFFF, s16;
	s1 =	sadd.s32 $0x14000, s7  }
.LBB2_20:
0x185: {  	s3 =	sshrl.u32 s1, $0x3  }
0x186: {  	[sflag:s20] =	ssyncadd.s32 $0xFFFFFD80;
	s2 =	sadd.s32 $0x2800, s2;
	p0 =	sne.s32 s0, $0x1  }
0x187: {  	[hbm:s2], [sflag:s31] =	dma.local [spmem:s3], $0x280  }
.Ltmp13:
0x188: {  	_ = 	snop;
	(pc) =	sbr.rel @p0 .LBB2_20-.Ltmp13, $4  }
0x189: {  	_ = 	snop  }
0x18a: {  	s0 =	sadd.s32 $0xFFFFFFFF, s0  }
0x18b: {  	_ =	swait.ge [sflag:s20], $0x280  }
0x18c: {  	s1 =	sadd.s32 $0x14000, s1;
	[sflag:s20] =	ssyncset.done $0x0  }
.LBB2_21:
0x18d: {  	s1 =	rddreg [dreg:$0xb]  }
0x18e: {  	s0 =	rddreg [dreg:$0x7];
	s1 =	sadd.s32 $0x1, s1  }
0x18f: {  	p0 =	sne.s32 s1, s0  }
.Ltmp14:
0x190: {  	_ = 	snop;
	(pc) =	sbr.rel @p0 .LBB2_1-.Ltmp14, $2  }
0x191: {  	_ =	sdelay $0x2  }
0x192: {  	[sflag:s20] =	ssyncadd.s32 $0xFFFFFD80  }
0x193: {  	_ =	sfence.sel $0x180000  }
0x194: {  	[bflag:$0x0] =	sbarrier.arrive $0xFFFF  }
0x195: {  	_ =	strace $0x90000047  }
0x196: {  	[bflag:$0x2] =	sbarrier.arrive $0xFFFF  }
0x197: {  	p0 =	sne.s32 s28, $0x0;
	s0 =	rddreg [dreg:$0x3]  }
0x198: {  	s0 =	sadd.s32 @!p0 $0x100000, s0  }
0x199: {  	[sflag:s0] =	ssyncadd.tile.s32 @!p0 $0x1;
	_ =	shalt  }
.Lfunc_end2:
_tile_overlayer_lowered:
.L_overlay_start_2:
0x19a: {  	(tag) =	ssettag $0x2  }
0x19b: {  	s0 =	rddreg [dreg:$0x0];
	s2 =	stileid.u32  }
0x19c: {  	s1 =	rddreg [dreg:$0x1];
	p0 =	sne.s32 s2, $0x0  }
0x19d: {  	s3 =	rddreg [dreg:$0x2];
	[bflag:$0x3] =	sbarrier.arrive $0xFFFF;
	s2 =	simm.s32 @!p0 $0x1C02  }
0x19e: {  	[timem:s3], [sflag:s2] =	dma.local @!p0 [hbm:s0], s1  }
0x19f: {  	s0 =	simm.s32 @!p0 $0x2  }
0x1a0: {  	_ =	swait.ge @!p0 [sflag:s0], s1  }
0x1a1: {  	s1 =	ssub.s32 @!p0 $0x0, s1;
	[sflag:s0] =	ssyncset.done @!p0 $0x0  }
0x1a2: {  	[sflag:s0] =	ssyncadd.s32 @!p0 s1  }
0x1a3: {  	[bflag:$0x3] =	sbarrier.arrive $0xFFFF  }
0x1a4: {  	_ =	shalt  }

// kernel: sparse-core-data-format-call.cloned.1.call-start
scs
called_computation_lowered:
.L_overlay_start_0:
0x0: {  	s2 =	sld [smem:$0x3FD9]  }
0x1: {  	s3 =	sld [smem:$0x3FFE];
	_ =	sdelay $0x1  }
0x2: {  	s1 =	srdreg.scid  }
0x3: {  	s0 =	sand.u32 $0x1, s1  }
0x4: {  	s15 =	sshll.u32 s0, $0xA;
	s2 =	sadd.s32 s3, s2  }
0x5: {  	s2 =	sadd.s32 s2, s15  }
0x6: {  	[smem:$0x3FBB] =	sst s2  }
0x7: {  	_ = 	snop  }
0x8: {  	s2 =	sld [smem:$0x3FD0];
	_ =	sdelay $0x2  }
0x9: {  	s16 =	simm.s32 $0xA;
	s4 =	simm.s32 $0x10  }
0xa: {  	[smem:s4], [sflag:s16] =	dma.local [hbm:s2], $0x1  }
0xb: {  	_ =	swait.eq [sflag:s16], $0x1  }
0xc: {  	[sflag:s16] =	ssyncset.done $0x0  }
0xd: {  	[sflag:s16] =	ssyncadd.s32 $0xFFFFFFFF  }
0xe: {  	s17 =	sld [smem:$0x11];
	(tm) =	ssettm $0x1  }
0xf: {  	s18 =	sld [smem:$0x3FFB];
	_ =	sdelay $0x3  }
0x10: {  	_ =	strace s18  }
0x11: {  	s3 =	sld [smem:$0x3FFC];
	_ =	sdelay $0x3  }
0x12: {  	_ =	strace s3  }
0x13: {  	s3 =	sld [smem:$0x3FFD];
	_ =	sdelay $0x3  }
0x14: {  	_ =	strace s3  }
0x15: {  	_ =	strace $0x8FFFFFFF  }
0x16: {  	s19 =	sld [smem:$0x3FDB];
	_ =	sdelay $0x1  }
0x17: {  	s20 =	simm.s32 $_scs_section_size  }
0x18: {  	s5 =	simm.s32 $_size__tile_overlayer_lowered;
	s6 =	simm.s32 $_tile_overlayer_lowered  }
0x19: {  	s23 =	simm.s32 $0x1BFF;
	s22 =	sshll.u32 s6, $0x1;
	s3 =	sadd.s32 s20, s19  }
0x1a: {  	s7 =	simm.s32 $0x0;
	s21 =	sshll.u32 s5, $0x1;
	s5 =	sadd.s32 s22, s3  }
0x1b: {  	[timem:s7], [sflag:s23] =	dma.local [hbm:s5], s21  }
0x1c: {  	_ =	swait.ge [sflag:s23], s21  }
0x1d: {  	s4 =	ssub.s32 $0x0, s21;
	[sflag:s23] =	ssyncset.done $0x0  }
0x1e: {  	[sflag:s23] =	ssyncadd.s32 s4;
	_ =	sdelay $0x1  }
0x1f: {  	s24 =	simm.s32 $0x1B8B  }
0x20: {  	_ =	swait.ge [sflag:s24], $0x1  }
0x21: {  	[sflag:s24] =	ssyncset.done $0x0  }
0x22: {  	s26 =	simm.s32 $0x1B8E;
	s25 =	sld [smem:$0x3FFE];
	[sflag:s24] =	ssyncadd.s32 $0xFFFFFFFF  }
0x23: {  	s27 =	simm.s32 $execute0_lowered;
	[smem:$0x3FD2] =	sst s26  }
0x24: {  	s5 =	sshll.u32 s27, $0x1;
	_ =	strace $0x80000049;
	[dreg:$0x1] =	wrdreg $0xFFFFFFFF  }
0x25: {  	s28 =	simm.s32 $_size_execute0_lowered;
	s3 =	sadd.s32 s3, s5;
	[dreg:$0x0] =	wrdreg $0x0  }
0x26: {  	s5 =	sshll.u32 s28, $0x1;
	[dreg:$0x2] =	wrdreg s3  }
0x27: {  	[dreg:$0x3] =	wrdreg s5  }
0x28: {  	[dreg:$0x4] =	wrdreg $0xC0  }
0x29: {  	_ =	task [dreg:s7], $0x5FFFF  }
0x2a: {  	[dreg:$0x1] =	wrdreg $0xFFFFFFFF  }
0x2b: {  	[dreg:$0x0] =	wrdreg $0x60  }
0x2c: {  	[dreg:$0x2] =	wrdreg s25  }
0x2d: {  	[dreg:$0x3] =	wrdreg s17  }
0x2e: {  	[dreg:$0x4] =	wrdreg $0x9  }
0x2f: {  	_ =	task.clear_ibuf [dreg:s7], $0x5FFFF;
	_ =	strace $0x90000049  }
0x30: {  	s29 =	simm.s32 $0x9;
	_ =	strace $0x8000004B  }
0x31: {  	_ =	swait.ge [sflag:s29], $0x1  }
0x32: {  	[sflag:s29] =	ssyncadd.s32 $0xFFFFFFFF  }
0x33: {  	_ =	strace $0x9000004B  }
0x34: {  	_ =	sfence  }
0x35: {  	s30 =	sld [smem:$0x0];
	_ =	sdelay $0x2  }
0x36: {  	s31 =	sshll.u32 s1, $0xD;
	s1 =	sshrl.u32 s1, $0x2  }
0x37: {  	s3 =	sand.u32 $0x4000, s31;
	s1 =	sadd.s32 s1, s30  }
0x38: {  	s0 =	sor.u32 s3, s0;
	s1 =	sshll.u32 s1, $0x11  }
0x39: {  	s0 =	sor.u32 s1, s0  }
0x3a: {  	s0 =	sadd.s32 $0x8F2B, s0  }
0x3b: {  	[sflag:s0] =	ssyncadd.remote.s32 $0x1  }
0x3c: {  	_ =	sfence.sel $0xFFFF  }
0x3d: {  	[dreg:$0x0] =	wrdreg $0xFFFFFFFF;
	(pc) =	sbr.abs _section_cstart, $3  }
0x3e: {  	[dreg:$0x1] =	wrdreg $0xFFFFFFFF  }
0x3f: {  	_ =	task.clear_ibuf [dreg:s7], $0x2FFFF;
	_ =	strace $0x9FFFFFFF  }
0x40: {  	(tm) =	ssettm $0x7FFFFFFF  }
0x41: {  	_ =	shalt  }
tec
execute0_lowered:
.L_overlay_start_1:
0x0: {  	(tag) =	ssettag $0x1  }
0x1: {  	s0 =	stileid.u32  }
0x2: {  	s1 =	srdreg.scid;
	s7 =	rddreg [dreg:$0x0]  }
0x3: {  	s31 =	simm.s32 $0x2;
	s14 =	simm.s32 $0x0;
	s13 =	simm.s32 $0x0  }
0x4: {  	s12 =	simm.s32 $0x0;
	s2 =	sshll.u32 s0, $0x6;
	s1 =	sshll.u32 s1, $0xA  }
0x5: {  	s3 =	sshll.u32 s0, $0x7;
	s1 =	sor.u32 s2, s1;
	s2 =	rddreg [dreg:$0x1]  }
0x6: {  	s3 =	sand.u32 $0x80, s3;
	s4 =	sand.u32 $0x780, s1;
	s1 =	rddreg [dreg:$0x2]  }
0x7: {  	s5 =	ssub.s32 $0x100, s3;
	_ =	strace $0x8000004A;
	s6 =	ssub.s32 $0x27100, s4  }
0x8: {  	s8 =	sshrl.u32 s5, $0x8;
	s5 =	sshrl.u32 s5, $0x7;
	s9 =	sand.u32 $0x780, s6  }
0x9: {  	s10 =	sand.u32 $0x1, s5;
	p0 =	sne.s32 s9, $0x0;
	s9 =	simm.s32 $0x1  }
.Ltmp0:
0xa: {  	s6 =	sshrl.u32 s6, $0xB;
	s9 =	simm.s32 @!p0 $0x0;
	(pc) =	sbr.rel .LBB1_1-.Ltmp0, $4  }
0xb: {  	s5 =	simm.s32 $0x1;
	s8 =	sadd.s32 s8, s10;
	s6 =	sadd.s32 s9, s6  }
0xc: {  	s7 =	sadd.s32 $0x144A00, s7;
	[sflag:s5] =	ssyncpa.u1 $0x0;
	s6 =	smul.u32 s8, s6  }
0xd: {  	s11 =	smov.u32 s3;
	s10 =	smov.u32 s4;
	[sflag:s31] =	ssyncpa.u1 $0x0  }
0xe: {  	p0 =	por $0x0, $0x0;
	s9 =	simm.s32 $0x800;
	s8 =	sadd.s32 $0x1, s6  }
.LBB1_4:
0xf: {  	s20 =	sshll.u32 s14, $0x8;
	s21 =	sshll.u32 s13, $0x3  }
0x10: {  	v5 =	vld [tilespmem:s18+$0xFFFFFFD0];
	[tilespmem:s17+$0x2040 ss:$0x81] =	vst.msk $0xffff, v4;
	s25 =	sshll.u32 s14, $0x7;
	s20 =	sand.u32 $0xFFFFF800, s20;
	s21 =	sand.u32 $0xFFFFFC00, s21  }
0x11: {  	v58 =	vld [tilespmem:s18+$0xFFFFFFE0];
	[tilespmem:s17+$0x2850 ss:$0x81] =	vst.msk $0xffff, v3;
	s26 =	sand.u32 $0x300, s25;
	s20 =	sadd.s32 s21, s20  }
0x12: {  	s19 =	sshra.s32 s19, $0x2;
	v59 =	vld [tilespmem:s18+$0xFFFFFFF0];
	[tilespmem:s17+$0x3060 ss:$0x81] =	vst.msk $0xffff, v2;
	s20 =	sor.u32 s26, s20  }
0x13: {  	v60 =	vld [tilespmem:s18+$0x0];
	[tilespmem:s17+$0x0 ss:$0x81] =	vst.msk $0xffff, v0;
	s16 =	sadd.s32 s19, s16;
	s27 =	sshrl.u32 s20, $0x8  }
0x14: {  	v61 =	vld [tilespmem:s18+$0x10];
	[tilespmem:s16+$0x3870 ss:$0x81] =	vst.msk $0xffff, v1;
	s28 =	smulhi.u32 $0x1A36E3, s27  }
0x15: {  	v62 =	vld [tilespmem:s18+$0x20];
	[tilespmem:s16+$0x810 ss:$0x81] =	vst.msk $0xffff, v5  }
0x16: {  	v63 =	vld [tilespmem:s18+$0xFFFFFFC0];
	[tilespmem:s16+$0x1020 ss:$0x81] =	vst.msk $0xffff, v58;
	s29 =	sshrl.u32 s28, $0x6  }
0x17: {  	s30 =	sand.u32 $0x78, s13;
	s14 =	sand.u32 $0x80, s25;
	[tilespmem:s16+$0x1830 ss:$0x81] =	vst.msk $0xffff, v59;
	s18 =	smul.u32 $0x27100, s29  }
0x18: {  	s14 =	sor.u32 s30, s14;
	[tilespmem:s16+$0x2040 ss:$0x81] =	vst.msk $0xffff, v60  }
0x19: {  	s31 =	sand.u32 $0x7, s13;
	s14 =	sshrl.u32 s14, $0x3;
	[tilespmem:s16+$0x2850 ss:$0x81] =	vst.msk $0xffff, v61;
	s17 =	ssub.s32 s27, s18  }
0x1a: {  	s13 =	sshll.u32 s31, $0x12;
	s14 =	sadd.s32 s2, s14;
	[tilespmem:s16+$0x3060 ss:$0x81] =	vst.msk $0xffff, v62;
	s17 =	sshll.u32 s17, $0x5  }
0x1b: {  	s13 =	sor.u32 $0x400, s13;
	[tilespmem:s16+$0x0 ss:$0x81] =	vst.msk $0xffff, v63;
	s14 =	sadd.s32 s17, s14  }
0x1c: {  	[hbm4b:s14+s13] =	stream.strided.scatter [tilespmem:s15], [sflag:$0x2], $0x4000, s9, s13, $0x20;
	[tilespmem:$0x10100] =	vst v63  }
.LBB1_5:
0x1d: {  	s15 =	sadd.s32 $0x800, s10  }
0x1e: {  	s13 =	sadd.s32 $0x100, s11;
	s17 =	smov.u32 s11;
	p2 =	sgt.s32 s15, $0x270FF  }
0x1f: {  	s17 =	smov.u32 @p2 s13  }
0x20: {  	s15 =	smov.u32 @p2 s4;
	p2 =	sgt.s32 s17, $0xFF  }
0x21: {  	s17 =	smov.u32 @p2 s3;
	p2 =	sne.s32 s12, s8  }
.Ltmp1:
0x22: {  	p1 =	slt.u32 s12, $0x2;
	(pc) =	sbr.rel @!p2 .LBB1_6-.Ltmp1, $4  }
0x23: {  	s16 =	simm.s32 @!p1 $0x2  }
0x24: {  	s14 =	smov.u32 s10;
	p0 =	por !p0, !p0;
	_ =	swait.ge @!p1 [sflag:s16], $0x4000  }
0x25: {  	s13 =	smov.u32 s11;
	[sflag:s16] =	ssyncset.done @!p1 $0x0;
	s10 =	smov.u32 s15  }
0x26: {  	s12 =	sadd.s32 $0x1, s12;
	[sflag:s16] =	ssyncadd.s32 @!p1 $0xFFFFC000;
	s11 =	smov.u32 s17  }
.LBB1_1:
0x27: {  	p1 =	sge.u32 s12, s6  }
0x28: {  	s15 =	sshrl.u32 @!p1 s11, $0x3  }
0x29: {  	s16 =	sshll.u32 @!p1 s10, $0x3;
	s15 =	smul.u32 @!p1 $0x138800, s15  }
0x2a: {  	s17 =	sshll.u32 @!p1 s11, $0x7;
	s16 =	sand.u32 @!p1 $0xFFFFFC00, s16  }
0x2b: {  	s15 =	sadd.s32 @!p1 s15, s16;
	s16 =	sand.u32 @!p1 $0x380, s17  }
0x2c: {  	s17 =	sand.u32 @!p1 $0x7F, s10;
	s15 =	sor.u32 @!p1 s16, s15  }
0x2d: {  	s16 =	sor.u32 @!p1 s17, s15  }
0x2e: {  	s17 =	smulhi.u32 @!p1 $0xD1B71759, s16;
	_ =	sdelay $0x1  }
0x2f: {  	s15 =	smulhi.u32 @!p1 $0xD1B71759, s15;
	s17 =	sshrl.u32 @!p1 s17, $0x11  }
0x30: {  	s17 =	smul.u32 @!p1 $0x27100, s17  }
0x31: {  	s31 =	sadd.s32 $0xFFFFFFFF, s12;
	s18 =	sxor.u32 @!p1 $0xFFFFFFFF, s12;
	s15 =	sshrl.u32 @!p1 s15, $0x11  }
0x32: {  	s18 =	sshll.u32 @!p1 s18, $0xE;
	s15 =	sand.u32 @!p1 $0xFF, s15;
	s16 =	ssub.s32 @!p1 s16, s17  }
0x33: {  	s15 =	smul.u32 @!p1 $0x4E20, s15;
	s17 =	sshrl.u32 @!p1 s16, $0x3;
	s16 =	sand.u32 @!p1 $0x7, s16  }
0x34: {  	s18 =	sand.u32 @!p1 $0x4000, s18;
	s17 =	sadd.s32 @!p1 s7, s17;
	s16 =	sshll.u32 @!p1 s16, $0x12  }
0x35: {  	s15 =	sadd.s32 @!p1 s15, s17;
	s16 =	sor.u32 @!p1 $0x400, s16;
	s17 =	simm.s32 @!p1 $0x138800  }
0x36: {  	[tilespmem:s18], [sflag:$0x1] =	stream.strided.gather @!p1 [hbm4b:s15+s16], $0x4000, s17, s16, $0x38;
	[tilespmem:$0x10100] =	vst v63  }
0x37: {  	p1 =	sge.u32 s31, s6  }
.Ltmp2:
0x38: {  	_ = 	snop;
	(pc) =	sbr.rel @p1 .LBB1_5-.Ltmp2, $1  }
0x39: {  	_ =	sdelay $0x3  }
0x3a: {  	s15 =	simm.s32 $0x1  }
0x3b: {  	_ =	swait.ge [sflag:s5], $0x4000;
	s15 =	simm.s32 @!p0 $0x0  }
0x3c: {  	[sflag:s5] =	ssyncset.done $0x0;
	s16 =	sshll.u32 s15, $0xE  }
0x3d: {  	[sflag:s5] =	ssyncadd.s32 $0xFFFFC000;
	s18 =	sor.u32 $0x40, s16  }
0x3e: {  	s15 =	smul.u32 $0x10200, s15;
	v0 =	vld [tilespmem:s18+$0x30]  }
0x3f: {  	v1 =	vld [tilespmem:s18+$0xFFFFFFD0]  }
0x40: {  	s15 =	sshrl.u32 s15, $0x2;
	v5 =	vld [tilespmem:s18+$0xFFFFFFE0]  }
0x41: {  	v6 =	vld [tilespmem:s18+$0xFFFFFFF0];
	s16 =	sor.u32 $0x8000, s15  }
0x42: {  	s31 =	sand.u32 $0x1, s12;
	v4 =	vld [tilespmem:s18+$0x0];
	s17 =	sadd.s32 $0x0, s16  }
0x43: {  	v3 =	vld [tilespmem:s18+$0x10];
	s15 =	smul.u32 $0x10200, s31;
	[tilespmem:s17+$0x3870 ss:$0x81] =	vst.msk $0xffff, v0  }
0x44: {  	v2 =	vld [tilespmem:s18+$0x20];
	[tilespmem:s17+$0x810 ss:$0x81] =	vst.msk $0xffff, v1  }
0x45: {  	s15 =	sshrl.u32 s15, $0x2;
	v0 =	vld [tilespmem:s18+$0xFFFFFFC0];
	[tilespmem:s17+$0x1020 ss:$0x81] =	vst.msk $0xffff, v5;
	s18 =	sadd.s32 $0x80, s18  }
0x46: {  	s19 =	simm.s32 $0x4;
	s20 =	simm.s32 $0x8;
	s15 =	sor.u32 $0x8000, s15;
	[tilespmem:s17+$0x1830 ss:$0x81] =	vst.msk $0xffff, v6;
	v1 =	vld [tilespmem:s18+$0x30]  }
.LBB1_3:
0x47: {  	p1 =	sne.s32 s20, $0x1FC;
	v5 =	vld [tilespmem:s18+$0xFFFFFFD0];
	[tilespmem:s17+$0x2040 ss:$0x81] =	vst.msk $0xffff, v4  }
0x48: {  	v6 =	vld [tilespmem:s18+$0xFFFFFFE0];
	[tilespmem:s17+$0x2850 ss:$0x81] =	vst.msk $0xffff, v3  }
0x49: {  	s21 =	sshra.s32 s19, $0x2;
	s19 =	smov.u32 s20;
	v7 =	vld [tilespmem:s18+$0xFFFFFFF0];
	[tilespmem:s17+$0x3060 ss:$0x81] =	vst.msk $0xffff, v2  }
.Ltmp3:
0x4a: {  	v4 =	vld [tilespmem:s18+$0x0];
	[tilespmem:s17+$0x0 ss:$0x81] =	vst.msk $0xffff, v0;
	s17 =	sadd.s32 s21, s16;
	(pc) =	sbr.rel @p1 .LBB1_3-.Ltmp3, $4  }
0x4b: {  	v3 =	vld [tilespmem:s18+$0x10];
	[tilespmem:s17+$0x3870 ss:$0x81] =	vst.msk $0xffff, v1  }
0x4c: {  	[tilespmem:s17+$0x810 ss:$0x81] =	vst.msk $0xffff, v5;
	v2 =	vld [tilespmem:s18+$0x20]  }
0x4d: {  	v0 =	vld [tilespmem:s18+$0xFFFFFFC0];
	[tilespmem:s17+$0x1020 ss:$0x81] =	vst.msk $0xffff, v6;
	s18 =	sadd.s32 $0x80, s18  }
0x4e: {  	s20 =	sadd.s32 $0x4, s20;
	v1 =	vld [tilespmem:s18+$0x30];
	[tilespmem:s17+$0x1830 ss:$0x81] =	vst.msk $0xffff, v7  }
.Ltmp4:
0x4f: {  	_ = 	snop;
	(pc) =	sbr.rel .LBB1_4-.Ltmp4, $1  }
0x50: {  	_ =	sdelay $0x3  }
.LBB1_6:
0x51: {  	_ =	sfence.sel $0x180000  }
0x52: {  	s2 =	simm.s32 $0x1;
	[bflag:$0x0] =	sbarrier.arrive $0xFFFF  }
0x53: {  	s31 =	simm.s32 $0x2;
	[sflag:s2] =	ssyncpa.u1 $0x1  }
0x54: {  	[sflag:s31] =	ssyncpa.u1 $0x1  }
0x55: {  	p0 =	sne.s32 s0, $0x0;
	_ =	strace $0x9000004A  }
0x56: {  	s0 =	sadd.s32 @!p0 $0x100000, s1;
	[bflag:$0x2] =	sbarrier.arrive $0xFFFF  }
0x57: {  	[sflag:s0] =	ssyncadd.tile.s32 @!p0 $0x1;
	_ =	shalt  }
.Lfunc_end1:
_tile_overlayer_lowered:
.L_overlay_start_2:
0x58: {  	(tag) =	ssettag $0x2  }
0x59: {  	s0 =	rddreg [dreg:$0x0];
	s2 =	stileid.u32  }
0x5a: {  	s1 =	rddreg [dreg:$0x1];
	p0 =	sne.s32 s2, $0x0  }
0x5b: {  	s3 =	rddreg [dreg:$0x2];
	[bflag:$0x3] =	sbarrier.arrive $0xFFFF;
	s2 =	simm.s32 @!p0 $0x1C01  }
0x5c: {  	[timem:s3], [sflag:s2] =	dma.local @!p0 [hbm:s0], s1  }
0x5d: {  	s0 =	simm.s32 @!p0 $0x1  }
0x5e: {  	_ =	swait.ge @!p0 [sflag:s0], s1  }
0x5f: {  	s1 =	ssub.s32 @!p0 $0x0, s1;
	[sflag:s0] =	ssyncset.done @!p0 $0x0  }
0x60: {  	[sflag:s0] =	ssyncadd.s32 @!p0 s1  }
0x61: {  	[bflag:$0x3] =	sbarrier.arrive $0xFFFF  }
0x62: {  	_ =	shalt  }

</sc_bundles>
